<compile_context>
chip_gen: v7x
topology: tpu7x:2x2x1
jax: 0.10.2.dev20260603
libtpu: 0.0.44.dev20260713+nightly
codegen_flags: <defaults>
</compile_context>

<pallas_src>
import functools
import jax
import jax.numpy as jnp
from jax import lax
from jax.experimental import pallas as pl
from jax.experimental.pallas import tpu as pltpu
from jax.experimental.pallas import tpu_sc as plsc

N = 200000
NB = 30
NBP = 32
NC = 16


_NW = 32
_NT = 16
_CH = 2048
_NFULL = N // _CH
_TAIL = N - _NFULL * _CH
_HSZ = 2 * NC * NBP * NBP
_HSTR = NBP * NBP + 1

_sc_mesh = plsc.VectorSubcoreMesh(core_axis_name="c", subcore_axis_name="s")


@functools.partial(
    pl.kernel, mesh=_sc_mesh,
    compiler_params=pltpu.CompilerParams(needs_layout_passes=False,
                                         use_tc_tiling_on_sc=False),
    out_type=[jax.ShapeDtypeStruct((_NW, _HSZ), jnp.float32),
              jax.ShapeDtypeStruct((2, 128), jnp.float32)],
    scratch_types=[
        pltpu.VMEM((_CH,), jnp.float32),
        pltpu.VMEM((_CH,), jnp.float32),
        pltpu.VMEM((_CH, NC), jnp.float32),
        pltpu.VMEM((_CH, NC), jnp.float32),
        pltpu.VMEM((2 * NC * _HSTR,), jnp.float32),
        pltpu.VMEM((128,), jnp.float32),
        pltpu.VMEM((_NT, 128), jnp.float32),
        pltpu.VMEM_SHARED((_NT, 128), jnp.float32),
        pltpu.SemaphoreType.DMA,
    ],
)
def _sc_main(yt_hbm, yp_hbm, u_hbm, s_hbm, hist_hbm, bnd_hbm,
             yt_v, yp_v, u_v, s_v, h_v, pack_v, fold_v, shared_v, dsem):
    cid = lax.axis_index("c")
    sid = lax.axis_index("s")
    wid = sid * 2 + cid

    inf = jnp.float32(jnp.inf)
    big = jnp.full((NC,), inf, jnp.float32)
    zero16 = jnp.zeros((NC,), jnp.float32)

    def load_chunk(g, nvec, with_yt):
        base = g * _CH
        ne = nvec * 16
        cps = []
        if with_yt:
            cps.append(pltpu.async_copy(yt_hbm.at[pl.ds(base, ne)],
                                        yt_v.at[pl.ds(0, ne)], dsem))
        cps.append(pltpu.async_copy(yp_hbm.at[pl.ds(base, ne)],
                                    yp_v.at[pl.ds(0, ne)], dsem))
        cps.append(pltpu.async_copy(u_hbm.at[pl.ds(base, ne)],
                                    u_v.at[pl.ds(0, ne)], dsem))
        cps.append(pltpu.async_copy(s_hbm.at[pl.ds(base, ne)],
                                    s_v.at[pl.ds(0, ne)], dsem))
        for cp in cps:
            cp.wait()

    def bounds_chunk(g, nvec, acc):
        load_chunk(g, nvec, True)
        umin, umax, smin, smax, ypmin, ypmax, sab = acc

        def ybody(v, yacc):
            ymn, ymx, sb = yacc
            yt16 = yt_v[pl.ds(v * 16, 16)]
            yp16 = yp_v[pl.ds(v * 16, 16)]
            return (jnp.minimum(ymn, yp16), jnp.maximum(ymx, yp16),
                    sb + jnp.abs(yt16 - yp16))
        ypmin, ypmax, sab = lax.fori_loop(0, nvec, ybody,
                                          (ypmin, ypmax, sab))

        def rbody(q, racc):
            a0, b0, c0, d0, a1, b1, c1, d1 = racc
            u0 = u_v[2 * q]
            s0 = s_v[2 * q]
            u1 = u_v[2 * q + 1]
            s1 = s_v[2 * q + 1]
            return (jnp.minimum(a0, u0), jnp.maximum(b0, u0),
                    jnp.minimum(c0, s0), jnp.maximum(d0, s0),
                    jnp.minimum(a1, u1), jnp.maximum(b1, u1),
                    jnp.minimum(c1, s1), jnp.maximum(d1, s1))
        r = lax.fori_loop(0, nvec * 8, rbody,
                          (umin, umax, smin, smax, big, -big, big, -big))
        umin = jnp.minimum(r[0], r[4])
        umax = jnp.maximum(r[1], r[5])
        smin = jnp.minimum(r[2], r[6])
        smax = jnp.maximum(r[3], r[7])
        return (umin, umax, smin, smax, ypmin, ypmax, sab)

    acc0 = (big, -big, big, -big, big, -big, zero16)
    nfull_a = jnp.where(sid < _NFULL % _NT, (_NFULL // _NT) + 1,
                        _NFULL // _NT)

    def abody(k, acc):
        return bounds_chunk(sid + _NT * k, _CH // 16, acc)
    acc = lax.fori_loop(0, nfull_a, abody, acc0)
    acc = lax.cond(sid == _NFULL % _NT,
                   lambda a: bounds_chunk(jnp.int32(_NFULL), _TAIL // 16, a),
                   lambda a: a, acc)
    umin, umax, smin, smax, ypmin, ypmax, sab = acc

    pack_v[pl.ds(0, 16)] = umin
    pack_v[pl.ds(16, 16)] = umax
    pack_v[pl.ds(32, 16)] = smin
    pack_v[pl.ds(48, 16)] = smax
    pack_v[pl.ds(64, 16)] = ypmin
    pack_v[pl.ds(80, 16)] = ypmax
    pack_v[pl.ds(96, 16)] = sab
    pack_v[pl.ds(112, 16)] = zero16
    pltpu.sync_copy(pack_v, shared_v.at[sid])
    plsc.subcore_barrier()
    pltpu.sync_copy(shared_v, fold_v)

    umin, umax, smin, smax = big, -big, big, -big
    ypmin, ypmax, sab = big, -big, zero16
    for t in range(_NT):
        umin = jnp.minimum(umin, fold_v[t, pl.ds(0, 16)])
        umax = jnp.maximum(umax, fold_v[t, pl.ds(16, 16)])
        smin = jnp.minimum(smin, fold_v[t, pl.ds(32, 16)])
        smax = jnp.maximum(smax, fold_v[t, pl.ds(48, 16)])
        ypmin = jnp.minimum(ypmin, fold_v[t, pl.ds(64, 16)])
        ypmax = jnp.maximum(ypmax, fold_v[t, pl.ds(80, 16)])
        sab = sab + fold_v[t, pl.ds(96, 16)]

    nbf = jnp.full((NC,), jnp.float32(NB), jnp.float32)
    uscale = nbf / jnp.maximum(umax - umin, 1e-12)
    sscale = nbf / jnp.maximum(smax - smin, 1e-12)
    ymin = jnp.min(ypmin)
    ymax = jnp.max(ypmax)
    yr = jnp.maximum(ymax - ymin, 1e-12)
    yscale = (nbf / jnp.full((NC,), yr, jnp.float32))[0]

    @pl.when(sid == 0)
    def _emit_bounds():
        pack_v[pl.ds(0, 16)] = sab
        pltpu.sync_copy(pack_v, bnd_hbm.at[cid])

    iota16 = lax.broadcasted_iota(jnp.int32, (NC,), 0)
    coloff_u = iota16 * _HSTR
    coloff_s = coloff_u + NC * _HSTR
    ones = jnp.full((NC,), 1.0, jnp.float32)

    def zbody(i, _):
        h_v[pl.ds(i * 16, 16)] = jnp.zeros((16,), jnp.float32)
        return 0
    lax.fori_loop(0, (2 * NC * _HSTR) // 16, zbody, 0)

    def process(g, nvec):
        load_chunk(g, nvec, False)

        @functools.partial(plsc.parallel_loop, 0, nvec, unroll=2)
        def ebody(v):
            yv = yp_v[pl.ds(v * 16, 16)]
            yiv = jnp.minimum(((yv - ymin) * yscale).astype(jnp.int32), NB - 1)
            for j in range(16):
                yi_e = yiv[j]
                e = v * 16 + j
                urow = u_v[e]
                xiu = jnp.minimum(((urow - umin) * uscale).astype(jnp.int32),
                                  NB - 1)
                plsc.addupdate_scatter(h_v, [coloff_u + xiu * NBP + yi_e], ones)
                srow = s_v[e]
                xis = jnp.minimum(((srow - smin) * sscale).astype(jnp.int32),
                                  NB - 1)
                plsc.addupdate_scatter(h_v, [coloff_s + xis * NBP + yi_e], ones)

    nfull_b = jnp.where(wid < _NFULL % _NW, (_NFULL // _NW) + 1,
                        _NFULL // _NW)

    def cbody(k, _):
        process(wid + _NW * k, _CH // 16)
        return 0
    lax.fori_loop(0, nfull_b, cbody, 0)

    @pl.when(wid == _NFULL % _NW)
    def _tail():
        process(jnp.int32(_NFULL), _TAIL // 16)

    for cs in range(1, 2 * NC):
        def mvbody(i, _):
            h_v[pl.ds(cs * NBP * NBP + i * 16, 16)] = (
                h_v[pl.ds(cs * _HSTR + i * 16, 16)])
            return 0
        lax.fori_loop(0, (NBP * NBP) // 16, mvbody, 0)

    pltpu.sync_copy(h_v.at[pl.ds(0, _HSZ)], hist_hbm.at[wid])


def _stage12(y_true, y_pred, u_vec, s_vec):
    parts, bnd = _sc_main(y_true, y_pred, u_vec, s_vec)
    return parts.reshape(_NW, 2 * NC * NBP, NBP), bnd



LOSS_L = 0.1
LOSS_A = 0.5


def _finalize_body(hist_ref, bnd_ref, uh_ref, sh_ref, out_ref):
    h = jnp.sum(hist_ref[...], axis=0).reshape(2, NC, NBP, NBP)[:, :, :NB, :NB]
    nx = jnp.sum(h, axis=3)
    ny = jnp.sum(h, axis=2)
    sx = jnp.sum(nx, axis=2, keepdims=True)
    sy = jnp.sum(ny, axis=2, keepdims=True)
    sxy = jnp.sum(h, axis=(2, 3), keepdims=True)
    px = nx / sx
    py = ny / sy
    pxy = h / sxy
    px = jnp.where(px == 0, 1e-10, px)
    py = jnp.where(py == 0, 1e-10, py)
    pxy = jnp.where(pxy == 0, 1e-10, pxy)
    outer = px[:, :, :, None] * py[:, :, None, :]
    mi = jnp.sum(pxy * jnp.log(pxy / outer), axis=(2, 3))
    mi_uq = jnp.sum(mi[0])
    mi_sq = jnp.sum(mi[1])

    t = (lax.broadcasted_iota(jnp.int32, (1, NB), 1).astype(jnp.float32) /
         jnp.float32(NB - 1))

    def digitize(vm):
        mn = jnp.min(vm, axis=1, keepdims=True)
        mx = jnp.max(vm, axis=1, keepdims=True)
        edges = mn * (1.0 - t) + mx * t
        return jnp.sum((edges[:, None, :] <= vm[:, :, None]).astype(jnp.int32),
                       axis=2)

    la = digitize(uh_ref[...])
    lb = digitize(sh_ref[...])
    eq_a = (la[:, :, None] == la[:, None, :])
    eq_b = (lb[:, :, None] == lb[:, None, :])
    cx = jnp.sum(eq_a.astype(jnp.float32), axis=2)
    cy = jnp.sum(eq_b.astype(jnp.float32), axis=2)
    cxy = jnp.sum((eq_a & eq_b).astype(jnp.float32), axis=2)
    n16 = jnp.float32(NC)
    mi_us = jnp.sum(jnp.log(cxy * n16 / (cx * cy))) / n16

    l_pt = jnp.sum(bnd_ref[0, 0:16]) / jnp.float32(N)
    out_ref[...] = jnp.full((1, 1), l_pt + LOSS_L * (mi_uq + mi_sq - LOSS_A * mi_us),
                            jnp.float32)


def _finalize(hist, bnd, u_head, s_head):
    return pl.pallas_call(
        _finalize_body,
        out_shape=jax.ShapeDtypeStruct((1, 1), jnp.float32),
    )(hist, bnd, u_head, s_head)


@jax.jit
def kernel(y_true, y_pred, u_attr, s_attr, u_vec, s_vec):
    hist, bnd = _stage12(y_true, y_pred, u_vec, s_vec)
    out = _finalize(hist, bnd, u_vec[:NC, :], s_vec[:NC, :])
    return out[0, 0]

# --- scband reference (transcript-rebuilt; emitter-appended) ---
"""Pipeline reference for scband-miloss-77781857731276 (READ-ONLY COPY).

The authoritative reference and input builder live on the scoring server;
editing this copy changes nothing except your own understanding.
"""

import jax, jax.numpy as jnp
import numpy as np

LOSS_L = 0.1
LOSS_A = 0.5
NUM_BINS = 30


def _hist2d_mi(x, y, num_bins=NUM_BINS):
    xmin, xmax = jnp.min(x), jnp.max(x)
    ymin, ymax = jnp.min(y), jnp.max(y)
    xr = jnp.maximum(xmax - xmin, 1e-12)
    yr = jnp.maximum(ymax - ymin, 1e-12)
    xi = jnp.clip(jnp.floor((x - xmin) / xr * num_bins).astype(jnp.int32), 0, num_bins - 1)
    yi = jnp.clip(jnp.floor((y - ymin) / yr * num_bins).astype(jnp.int32), 0, num_bins - 1)
    hist = jnp.bincount(xi * num_bins + yi, length=num_bins * num_bins).astype(jnp.float32).reshape(num_bins, num_bins)
    p_x = hist.sum(axis=1)
    p_y = hist.sum(axis=0)
    p_xy = hist.reshape(-1)
    p_x = p_x / p_x.sum()
    p_y = p_y / p_y.sum()
    p_xy = p_xy / p_xy.sum()
    p_x = jnp.where(p_x == 0, 1e-10, p_x)
    p_y = jnp.where(p_y == 0, 1e-10, p_y)
    p_xy = jnp.where(p_xy == 0, 1e-10, p_xy)
    outer = (p_x[:, None] * p_y[None, :]).reshape(-1)
    return jnp.sum(p_xy * jnp.log(p_xy / outer))


def _compute_mi(X, Y, num_bins=NUM_BINS):
    Yf = Y.reshape(-1)
    total = jnp.float32(0.0)
    for i in range(X.shape[1]):
        total = total + _hist2d_mi(X[:, i], Yf, num_bins)
    return total


def _digitize_uniform(v, bins=NUM_BINS):
    edges = jnp.linspace(jnp.min(v), jnp.max(v), bins)
    return jnp.searchsorted(edges, v, side='right').astype(jnp.int32)


def _mutual_info_score(la, lb, K=NUM_BINS + 1):
    joint = jnp.bincount(la * K + lb, length=K * K).astype(jnp.float32).reshape(K, K)
    n = joint.sum()
    pxy = joint / n
    px = pxy.sum(axis=1)
    py = pxy.sum(axis=0)
    outer = px[:, None] * py[None, :]
    mask = pxy > 0
    ratio = jnp.where(mask, pxy / jnp.where(outer > 0, outer, 1.0), 1.0)
    return jnp.sum(jnp.where(mask, pxy * jnp.log(ratio), 0.0))


def setup_inputs(seed: int = 0) -> dict:
    key = jax.random.key(seed)
    k1, k2, k3, k4, k5, k6 = jax.random.split(key, 6)
    N = 200000
    return {
        'y_true': jax.random.normal(k1, (N,), dtype=jnp.float32),
        'y_pred': jax.random.normal(k2, (N,), dtype=jnp.float32),
        'u_attr': jax.random.normal(k3, (N, 4), dtype=jnp.float32),
        's_attr': jax.random.normal(k4, (N, 4), dtype=jnp.float32),
        'u_vec': jax.random.normal(k5, (N, 16), dtype=jnp.float32),
        's_vec': jax.random.normal(k6, (N, 16), dtype=jnp.float32),
    }


def reference(y_true, y_pred, u_attr, s_attr, u_vec, s_vec):
    sg = jax.lax.stop_gradient
    L_PT = jnp.mean(jnp.abs(y_true - y_pred))
    # original torch code detaches all tensors entering the MI computations
    L_MI_uq = _compute_mi(sg(u_vec), sg(y_pred))
    L_MI_sq = _compute_mi(sg(s_vec), sg(y_pred))
    L_MI_us = jnp.float32(0.0)
    uv = sg(u_vec)
    sv = sg(s_vec)
    for i in range(u_vec.shape[1]):
        ub = _digitize_uniform(uv[i].reshape(-1))
        sb = _digitize_uniform(sv[i].reshape(-1))
        L_MI_us = L_MI_us + _mutual_info_score(ub, sb)
    return L_PT + LOSS_L * (L_MI_uq + L_MI_sq - LOSS_A * L_MI_us)

if __name__ == "__main__":
    import jax
    _d = setup_inputs()
    print(jax.jit(kernel)(*tuple(_d.values())))

</pallas_src>

<mosaic_0001>
#map = affine_map<(d0, d1) -> (0)>
#map1 = affine_map<(d0, d1) -> (0, 0)>
module attributes {stable_mosaic.version = 14 : i64} {
  func.func @_sc_main(%arg0: i32, %arg1: i32, %arg2: memref<200000xf32, #tpu.memory_space<hbm>>, %arg3: memref<200000xf32, #tpu.memory_space<hbm>>, %arg4: memref<200000x16xf32, #tpu.memory_space<hbm>>, %arg5: memref<200000x16xf32, #tpu.memory_space<hbm>>, %arg6: memref<32x32768xf32, #tpu.memory_space<hbm>>, %arg7: memref<2x128xf32, #tpu.memory_space<hbm>>, %arg8: memref<2048xf32, #tpu.memory_space<vmem>>, %arg9: memref<2048xf32, #tpu.memory_space<vmem>>, %arg10: memref<2048x16xf32, #tpu.memory_space<vmem>>, %arg11: memref<2048x16xf32, #tpu.memory_space<vmem>>, %arg12: memref<32800xf32, #tpu.memory_space<vmem>>, %arg13: memref<128xf32, #tpu.memory_space<vmem>>, %arg14: memref<16x128xf32, #tpu.memory_space<vmem>>, %arg15: memref<16x128xf32, #tpu.memory_space<vmem_shared>>, %arg16: memref<!tpu.dma_semaphore, #tpu.memory_space<semaphore_mem>>) attributes {dimension_semantics = [#tpu.dimension_semantics<core_parallel>, #tpu.dimension_semantics<subcore_parallel>], iteration_bounds = array<i64: 2, 16>, scalar_prefetch = 0 : i64, scratch_operands = 9 : i64, tpu.core_type = #tpu.core_type<sc_vector_subcore>, window_params = [{transform_indices = #map}, {transform_indices = #map}, {transform_indices = #map1}, {transform_indices = #map1}, {transform_indices = #map1}, {transform_indices = #map1}]} {
    %mul3A = arith.constant 2 : i32
    %mul3A_0 = arith.muli %arg1, %mul3A : i32
    %add3A = arith.addi %mul3A_0, %arg0 : i32
    %broadcast_in_dim3A = arith.constant 0x7F800000 : f32
    %broadcast_in_dim3A_1 = vector.broadcast %broadcast_in_dim3A : f32 to vector<16xf32>
    %broadcast_in_dim3A_2 = arith.constant 0.000000e+00 : f32
    %broadcast_in_dim3A_3 = vector.broadcast %broadcast_in_dim3A_2 : f32 to vector<16xf32>
    %neg3A = arith.constant 0.000000e+00 : f32
    %neg3A_4 = vector.broadcast %neg3A : f32 to vector<16xf32>
    %neg3A_5 = arith.subf %neg3A_4, %broadcast_in_dim3A_1 : vector<16xf32>
    %neg3A_6 = arith.constant 0.000000e+00 : f32
    %neg3A_7 = vector.broadcast %neg3A_6 : f32 to vector<16xf32>
    %neg3A_8 = arith.subf %neg3A_7, %broadcast_in_dim3A_1 : vector<16xf32>
    %neg3A_9 = arith.constant 0.000000e+00 : f32
    %neg3A_10 = vector.broadcast %neg3A_9 : f32 to vector<16xf32>
    %neg3A_11 = arith.subf %neg3A_10, %broadcast_in_dim3A_1 : vector<16xf32>
    %lt3A = arith.constant 1 : i32
    %lt3A_12 = arith.cmpi slt, %arg1, %lt3A : i32
    %jit3A = arith.constant 7 : i32
    %jit3A_13 = arith.constant 6 : i32
    %select_n3A = arith.select %lt3A_12, %jit3A, %jit3A_13 : i32
    %while3A = arith.constant 0 : i32
    %while3A_14 = arith.subi %select_n3A, %while3A : i32
    %while3A_15 = arith.addi %while3A, %while3A_14 : i32
    %while3A_16 = arith.constant 1 : i32
    %while3A_17 = arith.divsi %while3A_14, %while3A_16 : i32
    %while3A_18 = arith.muli %while3A_17, %while3A_16 : i32
    %while3A_19 = arith.addi %while3A, %while3A_18 : i32
    %while3A_20 = arith.constant 1 : i32
    %while3A_21:7 = scf.for %while3A_887 = %while3A to %while3A_19 step %while3A_20 iter_args(%while3A_888 = %broadcast_in_dim3A_1, %while3A_889 = %neg3A_5, %while3A_890 = %broadcast_in_dim3A_1, %while3A_891 = %neg3A_8, %while3A_892 = %broadcast_in_dim3A_1, %while3A_893 = %neg3A_11, %while3A_894 = %broadcast_in_dim3A_3) -> (vector<16xf32>, vector<16xf32>, vector<16xf32>, vector<16xf32>, vector<16xf32>, vector<16xf32>, vector<16xf32>)  : i32 {
      %mul3A_895 = arith.constant 16 : i32
      %mul3A_896 = arith.muli %mul3A_895, %while3A_887 : i32
      %add3A_897 = arith.addi %arg1, %mul3A_896 : i32
      %mul3A_898 = arith.constant 2048 : i32
      %mul3A_899 = arith.muli %add3A_897, %mul3A_898 : i32
      %dma_start3A = arith.constant 0 : i32
      %dma_start3A_900 = tpu.memref_slice %arg8[%dma_start3A] : memref<2048xf32, #tpu.memory_space<vmem>> -> memref<2048xf32, #tpu.memory_space<vmem>>
      %dma_start3A_901 = tpu.memref_slice %arg2[%mul3A_899] : memref<200000xf32, #tpu.memory_space<hbm>> -> memref<2048xf32, #tpu.memory_space<hbm>>
      %dma_start3A_902 = arith.constant 0 : i32
      %dma_start3A_903 = tpu.memref_slice %arg8[%dma_start3A_902] : memref<2048xf32, #tpu.memory_space<vmem>> -> memref<2048xf32, #tpu.memory_space<vmem>>
      %dma_start3A_904 = tpu.memref_slice %arg2[%mul3A_899] : memref<200000xf32, #tpu.memory_space<hbm>> -> memref<2048xf32, #tpu.memory_space<hbm>>
      tpu.enqueue_dma source(%dma_start3A_904 : memref<2048xf32, #tpu.memory_space<hbm>>) target(%dma_start3A_903 : memref<2048xf32, #tpu.memory_space<vmem>>) target_semaphore(%arg16 : memref<!tpu.dma_semaphore, #tpu.memory_space<semaphore_mem>>)
      %dma_start3A_905 = arith.constant 0 : i32
      %dma_start3A_906 = tpu.memref_slice %arg9[%dma_start3A_905] : memref<2048xf32, #tpu.memory_space<vmem>> -> memref<2048xf32, #tpu.memory_space<vmem>>
      %dma_start3A_907 = tpu.memref_slice %arg3[%mul3A_899] : memref<200000xf32, #tpu.memory_space<hbm>> -> memref<2048xf32, #tpu.memory_space<hbm>>
      %dma_start3A_908 = arith.constant 0 : i32
      %dma_start3A_909 = tpu.memref_slice %arg9[%dma_start3A_908] : memref<2048xf32, #tpu.memory_space<vmem>> -> memref<2048xf32, #tpu.memory_space<vmem>>
      %dma_start3A_910 = tpu.memref_slice %arg3[%mul3A_899] : memref<200000xf32, #tpu.memory_space<hbm>> -> memref<2048xf32, #tpu.memory_space<hbm>>
      tpu.enqueue_dma source(%dma_start3A_910 : memref<2048xf32, #tpu.memory_space<hbm>>) target(%dma_start3A_909 : memref<2048xf32, #tpu.memory_space<vmem>>) target_semaphore(%arg16 : memref<!tpu.dma_semaphore, #tpu.memory_space<semaphore_mem>>)
      %dma_start3A_911 = arith.constant 0 : i32
      %dma_start3A_912 = arith.constant 0 : i32
      %dma_start3A_913 = tpu.memref_slice %arg10[%dma_start3A_911, %dma_start3A_912] : memref<2048x16xf32, #tpu.memory_space<vmem>> -> memref<2048x16xf32, #tpu.memory_space<vmem>>
      %dma_start3A_914 = arith.constant 0 : i32
      %dma_start3A_915 = tpu.memref_slice %arg4[%mul3A_899, %dma_start3A_914] : memref<200000x16xf32, #tpu.memory_space<hbm>> -> memref<2048x16xf32, #tpu.memory_space<hbm>>
      %dma_start3A_916 = arith.constant 0 : i32
      %dma_start3A_917 = arith.constant 0 : i32
      %dma_start3A_918 = tpu.memref_slice %arg10[%dma_start3A_916, %dma_start3A_917] : memref<2048x16xf32, #tpu.memory_space<vmem>> -> memref<2048x16xf32, #tpu.memory_space<vmem>>
      %dma_start3A_919 = arith.constant 0 : i32
      %dma_start3A_920 = tpu.memref_slice %arg4[%mul3A_899, %dma_start3A_919] : memref<200000x16xf32, #tpu.memory_space<hbm>> -> memref<2048x16xf32, #tpu.memory_space<hbm>>
      tpu.enqueue_dma source(%dma_start3A_920 : memref<2048x16xf32, #tpu.memory_space<hbm>>) target(%dma_start3A_918 : memref<2048x16xf32, #tpu.memory_space<vmem>>) target_semaphore(%arg16 : memref<!tpu.dma_semaphore, #tpu.memory_space<semaphore_mem>>)
      %dma_start3A_921 = arith.constant 0 : i32
      %dma_start3A_922 = arith.constant 0 : i32
      %dma_start3A_923 = tpu.memref_slice %arg11[%dma_start3A_921, %dma_start3A_922] : memref<2048x16xf32, #tpu.memory_space<vmem>> -> memref<2048x16xf32, #tpu.memory_space<vmem>>
      %dma_start3A_924 = arith.constant 0 : i32
      %dma_start3A_925 = tpu.memref_slice %arg5[%mul3A_899, %dma_start3A_924] : memref<200000x16xf32, #tpu.memory_space<hbm>> -> memref<2048x16xf32, #tpu.memory_space<hbm>>
      %dma_start3A_926 = arith.constant 0 : i32
      %dma_start3A_927 = arith.constant 0 : i32
      %dma_start3A_928 = tpu.memref_slice %arg11[%dma_start3A_926, %dma_start3A_927] : memref<2048x16xf32, #tpu.memory_space<vmem>> -> memref<2048x16xf32, #tpu.memory_space<vmem>>
      %dma_start3A_929 = arith.constant 0 : i32
      %dma_start3A_930 = tpu.memref_slice %arg5[%mul3A_899, %dma_start3A_929] : memref<200000x16xf32, #tpu.memory_space<hbm>> -> memref<2048x16xf32, #tpu.memory_space<hbm>>
      tpu.enqueue_dma source(%dma_start3A_930 : memref<2048x16xf32, #tpu.memory_space<hbm>>) target(%dma_start3A_928 : memref<2048x16xf32, #tpu.memory_space<vmem>>) target_semaphore(%arg16 : memref<!tpu.dma_semaphore, #tpu.memory_space<semaphore_mem>>)
      %dma_wait3A = arith.constant 0 : i32
      %dma_wait3A_931 = tpu.memref_slice %arg8[%dma_wait3A] : memref<2048xf32, #tpu.memory_space<vmem>> -> memref<2048xf32, #tpu.memory_space<vmem>>
      %dma_wait3A_932 = tpu.memref_slice %arg2[%mul3A_899] : memref<200000xf32, #tpu.memory_space<hbm>> -> memref<2048xf32, #tpu.memory_space<hbm>>
      %dma_wait3A_933 = arith.constant 0 : i32
      %dma_wait3A_934 = tpu.memref_slice %arg8[%dma_wait3A_933] : memref<2048xf32, #tpu.memory_space<vmem>> -> memref<2048xf32, #tpu.memory_space<vmem>>
      %dma_wait3A_935 = tpu.memref_slice %arg2[%mul3A_899] : memref<200000xf32, #tpu.memory_space<hbm>> -> memref<2048xf32, #tpu.memory_space<hbm>>
      tpu.wait_dma2 semaphore(%arg16 : memref<!tpu.dma_semaphore, #tpu.memory_space<semaphore_mem>>) src(%dma_wait3A_935 : memref<2048xf32, #tpu.memory_space<hbm>>) dst(%dma_wait3A_934 : memref<2048xf32, #tpu.memory_space<vmem>>)
      %dma_wait3A_936 = arith.constant 0 : i32
      %dma_wait3A_937 = tpu.memref_slice %arg9[%dma_wait3A_936] : memref<2048xf32, #tpu.memory_space<vmem>> -> memref<2048xf32, #tpu.memory_space<vmem>>
      %dma_wait3A_938 = tpu.memref_slice %arg3[%mul3A_899] : memref<200000xf32, #tpu.memory_space<hbm>> -> memref<2048xf32, #tpu.memory_space<hbm>>
      %dma_wait3A_939 = arith.constant 0 : i32
      %dma_wait3A_940 = tpu.memref_slice %arg9[%dma_wait3A_939] : memref<2048xf32, #tpu.memory_space<vmem>> -> memref<2048xf32, #tpu.memory_space<vmem>>
      %dma_wait3A_941 = tpu.memref_slice %arg3[%mul3A_899] : memref<200000xf32, #tpu.memory_space<hbm>> -> memref<2048xf32, #tpu.memory_space<hbm>>
      tpu.wait_dma2 semaphore(%arg16 : memref<!tpu.dma_semaphore, #tpu.memory_space<semaphore_mem>>) src(%dma_wait3A_941 : memref<2048xf32, #tpu.memory_space<hbm>>) dst(%dma_wait3A_940 : memref<2048xf32, #tpu.memory_space<vmem>>)
      %dma_wait3A_942 = arith.constant 0 : i32
      %dma_wait3A_943 = arith.constant 0 : i32
      %dma_wait3A_944 = tpu.memref_slice %arg10[%dma_wait3A_942, %dma_wait3A_943] : memref<2048x16xf32, #tpu.memory_space<vmem>> -> memref<2048x16xf32, #tpu.memory_space<vmem>>
      %dma_wait3A_945 = arith.constant 0 : i32
      %dma_wait3A_946 = tpu.memref_slice %arg4[%mul3A_899, %dma_wait3A_945] : memref<200000x16xf32, #tpu.memory_space<hbm>> -> memref<2048x16xf32, #tpu.memory_space<hbm>>
      %dma_wait3A_947 = arith.constant 0 : i32
      %dma_wait3A_948 = arith.constant 0 : i32
      %dma_wait3A_949 = tpu.memref_slice %arg10[%dma_wait3A_947, %dma_wait3A_948] : memref<2048x16xf32, #tpu.memory_space<vmem>> -> memref<2048x16xf32, #tpu.memory_space<vmem>>
      %dma_wait3A_950 = arith.constant 0 : i32
      %dma_wait3A_951 = tpu.memref_slice %arg4[%mul3A_899, %dma_wait3A_950] : memref<200000x16xf32, #tpu.memory_space<hbm>> -> memref<2048x16xf32, #tpu.memory_space<hbm>>
      tpu.wait_dma2 semaphore(%arg16 : memref<!tpu.dma_semaphore, #tpu.memory_space<semaphore_mem>>) src(%dma_wait3A_951 : memref<2048x16xf32, #tpu.memory_space<hbm>>) dst(%dma_wait3A_949 : memref<2048x16xf32, #tpu.memory_space<vmem>>)
      %dma_wait3A_952 = arith.constant 0 : i32
      %dma_wait3A_953 = arith.constant 0 : i32
      %dma_wait3A_954 = tpu.memref_slice %arg11[%dma_wait3A_952, %dma_wait3A_953] : memref<2048x16xf32, #tpu.memory_space<vmem>> -> memref<2048x16xf32, #tpu.memory_space<vmem>>
      %dma_wait3A_955 = arith.constant 0 : i32
      %dma_wait3A_956 = tpu.memref_slice %arg5[%mul3A_899, %dma_wait3A_955] : memref<200000x16xf32, #tpu.memory_space<hbm>> -> memref<2048x16xf32, #tpu.memory_space<hbm>>
      %dma_wait3A_957 = arith.constant 0 : i32
      %dma_wait3A_958 = arith.constant 0 : i32
      %dma_wait3A_959 = tpu.memref_slice %arg11[%dma_wait3A_957, %dma_wait3A_958] : memref<2048x16xf32, #tpu.memory_space<vmem>> -> memref<2048x16xf32, #tpu.memory_space<vmem>>
      %dma_wait3A_960 = arith.constant 0 : i32
      %dma_wait3A_961 = tpu.memref_slice %arg5[%mul3A_899, %dma_wait3A_960] : memref<200000x16xf32, #tpu.memory_space<hbm>> -> memref<2048x16xf32, #tpu.memory_space<hbm>>
      tpu.wait_dma2 semaphore(%arg16 : memref<!tpu.dma_semaphore, #tpu.memory_space<semaphore_mem>>) src(%dma_wait3A_961 : memref<2048x16xf32, #tpu.memory_space<hbm>>) dst(%dma_wait3A_959 : memref<2048x16xf32, #tpu.memory_space<vmem>>)
      %scan3A_962 = arith.constant 0 : i32
      %scan3A_963 = arith.constant 128 : i32
      %scan3A_964 = arith.addi %scan3A_962, %scan3A_963 : i32
      %scan3A_965 = arith.constant 1 : i32
      %scan3A_966:3 = scf.for %scan3A_984 = %scan3A_962 to %scan3A_964 step %scan3A_965 iter_args(%scan3A_985 = %while3A_892, %scan3A_986 = %while3A_893, %scan3A_987 = %while3A_894) -> (vector<16xf32>, vector<16xf32>, vector<16xf32>)  : i32 {
        %mul3A_988 = arith.constant 16 : i32
        %mul3A_989 = arith.muli %scan3A_984, %mul3A_988 : i32
        %get3A_990 = arith.index_cast %mul3A_989 : i32 to index
        %get3A_991 = tpu.vector_load %arg8[%get3A_990] {strides = array<i32>} : memref<2048xf32, #tpu.memory_space<vmem>>, vector<16xf32>,
        %mul3A_992 = arith.constant 16 : i32
        %mul3A_993 = arith.muli %scan3A_984, %mul3A_992 : i32
        %get3A_994 = arith.index_cast %mul3A_993 : i32 to index
        %get3A_995 = tpu.vector_load %arg9[%get3A_994] {strides = array<i32>} : memref<2048xf32, #tpu.memory_space<vmem>>, vector<16xf32>,
        %min3A_996 = arith.minimumf %scan3A_985, %get3A_995 : vector<16xf32>
        %max3A_997 = arith.maximumf %scan3A_986, %get3A_995 : vector<16xf32>
        %sub3A_998 = arith.subf %get3A_991, %get3A_995 : vector<16xf32>
        %abs3A = math.absf %sub3A_998 : vector<16xf32>
        %add3A_999 = arith.addf %scan3A_987, %abs3A : vector<16xf32>
        scf.yield %min3A_996, %max3A_997, %add3A_999 : vector<16xf32>, vector<16xf32>, vector<16xf32>
      }
      %scan3A_967 = arith.constant 128 : i32
      %neg3A_968 = arith.constant 0.000000e+00 : f32
      %neg3A_969 = vector.broadcast %neg3A_968 : f32 to vector<16xf32>
      %neg3A_970 = arith.subf %neg3A_969, %broadcast_in_dim3A_1 : vector<16xf32>
      %neg3A_971 = arith.constant 0.000000e+00 : f32
      %neg3A_972 = vector.broadcast %neg3A_971 : f32 to vector<16xf32>
      %neg3A_973 = arith.subf %neg3A_972, %broadcast_in_dim3A_1 : vector<16xf32>
      %scan3A_974 = arith.constant 0 : i32
      %scan3A_975 = arith.constant 1024 : i32
      %scan3A_976 = arith.addi %scan3A_974, %scan3A_975 : i32
      %scan3A_977 = arith.constant 1 : i32
      %scan3A_978:8 = scf.for %scan3A_984 = %scan3A_974 to %scan3A_976 step %scan3A_977 iter_args(%scan3A_985 = %while3A_888, %scan3A_986 = %while3A_889, %scan3A_987 = %while3A_890, %scan3A_988 = %while3A_891, %scan3A_989 = %broadcast_in_dim3A_1, %scan3A_990 = %neg3A_970, %scan3A_991 = %broadcast_in_dim3A_1, %scan3A_992 = %neg3A_973) -> (vector<16xf32>, vector<16xf32>, vector<16xf32>, vector<16xf32>, vector<16xf32>, vector<16xf32>, vector<16xf32>, vector<16xf32>)  : i32 {
        %mul3A_993 = arith.constant 2 : i32
        %mul3A_994 = arith.muli %mul3A_993, %scan3A_984 : i32
        %get3A_995 = arith.index_cast %mul3A_994 : i32 to index
        %get3A_996 = arith.constant 0 : index
        %get3A_997 = tpu.vector_load %arg10[%get3A_995, %get3A_996] {strides = array<i32>} : memref<2048x16xf32, #tpu.memory_space<vmem>>, vector<16xf32>,
        %mul3A_998 = arith.constant 2 : i32
        %mul3A_999 = arith.muli %mul3A_998, %scan3A_984 : i32
        %get3A_1000 = arith.index_cast %mul3A_999 : i32 to index
        %get3A_1001 = arith.constant 0 : index
        %get3A_1002 = tpu.vector_load %arg11[%get3A_1000, %get3A_1001] {strides = array<i32>} : memref<2048x16xf32, #tpu.memory_space<vmem>>, vector<16xf32>,
        %mul3A_1003 = arith.constant 2 : i32
        %mul3A_1004 = arith.muli %mul3A_1003, %scan3A_984 : i32
        %add3A_1005 = arith.constant 1 : i32
        %add3A_1006 = arith.addi %mul3A_1004, %add3A_1005 : i32
        %get3A_1007 = arith.index_cast %add3A_1006 : i32 to index
        %get3A_1008 = arith.constant 0 : index
        %get3A_1009 = tpu.vector_load %arg10[%get3A_1007, %get3A_1008] {strides = array<i32>} : memref<2048x16xf32, #tpu.memory_space<vmem>>, vector<16xf32>,
        %mul3A_1010 = arith.constant 2 : i32
        %mul3A_1011 = arith.muli %mul3A_1010, %scan3A_984 : i32
        %add3A_1012 = arith.constant 1 : i32
        %add3A_1013 = arith.addi %mul3A_1011, %add3A_1012 : i32
        %get3A_1014 = arith.index_cast %add3A_1013 : i32 to index
        %get3A_1015 = arith.constant 0 : index
        %get3A_1016 = tpu.vector_load %arg11[%get3A_1014, %get3A_1015] {strides = array<i32>} : memref<2048x16xf32, #tpu.memory_space<vmem>>, vector<16xf32>,
        %min3A_1017 = arith.minimumf %scan3A_985, %get3A_997 : vector<16xf32>
        %max3A_1018 = arith.maximumf %scan3A_986, %get3A_997 : vector<16xf32>
        %min3A_1019 = arith.minimumf %scan3A_987, %get3A_1002 : vector<16xf32>
        %max3A_1020 = arith.maximumf %scan3A_988, %get3A_1002 : vector<16xf32>
        %min3A_1021 = arith.minimumf %scan3A_989, %get3A_1009 : vector<16xf32>
        %max3A_1022 = arith.maximumf %scan3A_990, %get3A_1009 : vector<16xf32>
        %min3A_1023 = arith.minimumf %scan3A_991, %get3A_1016 : vector<16xf32>
        %max3A_1024 = arith.maximumf %scan3A_992, %get3A_1016 : vector<16xf32>
        scf.yield %min3A_1017, %max3A_1018, %min3A_1019, %max3A_1020, %min3A_1021, %max3A_1022, %min3A_1023, %max3A_1024 : vector<16xf32>, vector<16xf32>, vector<16xf32>, vector<16xf32>, vector<16xf32>, vector<16xf32>, vector<16xf32>, vector<16xf32>
      }
      %scan3A_979 = arith.constant 1024 : i32
      %min3A_980 = arith.minimumf %scan3A_978#0, %scan3A_978#4 : vector<16xf32>
      %max3A_981 = arith.maximumf %scan3A_978#1, %scan3A_978#5 : vector<16xf32>
      %min3A_982 = arith.minimumf %scan3A_978#2, %scan3A_978#6 : vector<16xf32>
      %max3A_983 = arith.maximumf %scan3A_978#3, %scan3A_978#7 : vector<16xf32>
      scf.yield %min3A_980, %max3A_981, %min3A_982, %max3A_983, %scan3A_966#0, %scan3A_966#1, %scan3A_966#2 : vector<16xf32>, vector<16xf32>, vector<16xf32>, vector<16xf32>, vector<16xf32>, vector<16xf32>, vector<16xf32>
    }
    %while3A_22 = arith.constant 1 : i32
    %while3A_23:7 = scf.for %while3A_887 = %while3A_19 to %while3A_15 step %while3A_22 iter_args(%while3A_888 = %while3A_21#0, %while3A_889 = %while3A_21#1, %while3A_890 = %while3A_21#2, %while3A_891 = %while3A_21#3, %while3A_892 = %while3A_21#4, %while3A_893 = %while3A_21#5, %while3A_894 = %while3A_21#6) -> (vector<16xf32>, vector<16xf32>, vector<16xf32>, vector<16xf32>, vector<16xf32>, vector<16xf32>, vector<16xf32>)  : i32 {
      %mul3A_895 = arith.constant 16 : i32
      %mul3A_896 = arith.muli %mul3A_895, %while3A_887 : i32
      %add3A_897 = arith.addi %arg1, %mul3A_896 : i32
      %mul3A_898 = arith.constant 2048 : i32
      %mul3A_899 = arith.muli %add3A_897, %mul3A_898 : i32
      %dma_start3A = arith.constant 0 : i32
      %dma_start3A_900 = tpu.memref_slice %arg8[%dma_start3A] : memref<2048xf32, #tpu.memory_space<vmem>> -> memref<2048xf32, #tpu.memory_space<vmem>>
      %dma_start3A_901 = tpu.memref_slice %arg2[%mul3A_899] : memref<200000xf32, #tpu.memory_space<hbm>> -> memref<2048xf32, #tpu.memory_space<hbm>>
      %dma_start3A_902 = arith.constant 0 : i32
      %dma_start3A_903 = tpu.memref_slice %arg8[%dma_start3A_902] : memref<2048xf32, #tpu.memory_space<vmem>> -> memref<2048xf32, #tpu.memory_space<vmem>>
      %dma_start3A_904 = tpu.memref_slice %arg2[%mul3A_899] : memref<200000xf32, #tpu.memory_space<hbm>> -> memref<2048xf32, #tpu.memory_space<hbm>>
      tpu.enqueue_dma source(%dma_start3A_904 : memref<2048xf32, #tpu.memory_space<hbm>>) target(%dma_start3A_903 : memref<2048xf32, #tpu.memory_space<vmem>>) target_semaphore(%arg16 : memref<!tpu.dma_semaphore, #tpu.memory_space<semaphore_mem>>)
      %dma_start3A_905 = arith.constant 0 : i32
      %dma_start3A_906 = tpu.memref_slice %arg9[%dma_start3A_905] : memref<2048xf32, #tpu.memory_space<vmem>> -> memref<2048xf32, #tpu.memory_space<vmem>>
      %dma_start3A_907 = tpu.memref_slice %arg3[%mul3A_899] : memref<200000xf32, #tpu.memory_space<hbm>> -> memref<2048xf32, #tpu.memory_space<hbm>>
      %dma_start3A_908 = arith.constant 0 : i32
      %dma_start3A_909 = tpu.memref_slice %arg9[%dma_start3A_908] : memref<2048xf32, #tpu.memory_space<vmem>> -> memref<2048xf32, #tpu.memory_space<vmem>>
      %dma_start3A_910 = tpu.memref_slice %arg3[%mul3A_899] : memref<200000xf32, #tpu.memory_space<hbm>> -> memref<2048xf32, #tpu.memory_space<hbm>>
      tpu.enqueue_dma source(%dma_start3A_910 : memref<2048xf32, #tpu.memory_space<hbm>>) target(%dma_start3A_909 : memref<2048xf32, #tpu.memory_space<vmem>>) target_semaphore(%arg16 : memref<!tpu.dma_semaphore, #tpu.memory_space<semaphore_mem>>)
      %dma_start3A_911 = arith.constant 0 : i32
      %dma_start3A_912 = arith.constant 0 : i32
      %dma_start3A_913 = tpu.memref_slice %arg10[%dma_start3A_911, %dma_start3A_912] : memref<2048x16xf32, #tpu.memory_space<vmem>> -> memref<2048x16xf32, #tpu.memory_space<vmem>>
      %dma_start3A_914 = arith.constant 0 : i32
      %dma_start3A_915 = tpu.memref_slice %arg4[%mul3A_899, %dma_start3A_914] : memref<200000x16xf32, #tpu.memory_space<hbm>> -> memref<2048x16xf32, #tpu.memory_space<hbm>>
      %dma_start3A_916 = arith.constant 0 : i32
      %dma_start3A_917 = arith.constant 0 : i32
      %dma_start3A_918 = tpu.memref_slice %arg10[%dma_start3A_916, %dma_start3A_917] : memref<2048x16xf32, #tpu.memory_space<vmem>> -> memref<2048x16xf32, #tpu.memory_space<vmem>>
      %dma_start3A_919 = arith.constant 0 : i32
      %dma_start3A_920 = tpu.memref_slice %arg4[%mul3A_899, %dma_start3A_919] : memref<200000x16xf32, #tpu.memory_space<hbm>> -> memref<2048x16xf32, #tpu.memory_space<hbm>>
      tpu.enqueue_dma source(%dma_start3A_920 : memref<2048x16xf32, #tpu.memory_space<hbm>>) target(%dma_start3A_918 : memref<2048x16xf32, #tpu.memory_space<vmem>>) target_semaphore(%arg16 : memref<!tpu.dma_semaphore, #tpu.memory_space<semaphore_mem>>)
      %dma_start3A_921 = arith.constant 0 : i32
      %dma_start3A_922 = arith.constant 0 : i32
      %dma_start3A_923 = tpu.memref_slice %arg11[%dma_start3A_921, %dma_start3A_922] : memref<2048x16xf32, #tpu.memory_space<vmem>> -> memref<2048x16xf32, #tpu.memory_space<vmem>>
      %dma_start3A_924 = arith.constant 0 : i32
      %dma_start3A_925 = tpu.memref_slice %arg5[%mul3A_899, %dma_start3A_924] : memref<200000x16xf32, #tpu.memory_space<hbm>> -> memref<2048x16xf32, #tpu.memory_space<hbm>>
      %dma_start3A_926 = arith.constant 0 : i32
      %dma_start3A_927 = arith.constant 0 : i32
      %dma_start3A_928 = tpu.memref_slice %arg11[%dma_start3A_926, %dma_start3A_927] : memref<2048x16xf32, #tpu.memory_space<vmem>> -> memref<2048x16xf32, #tpu.memory_space<vmem>>
      %dma_start3A_929 = arith.constant 0 : i32
      %dma_start3A_930 = tpu.memref_slice %arg5[%mul3A_899, %dma_start3A_929] : memref<200000x16xf32, #tpu.memory_space<hbm>> -> memref<2048x16xf32, #tpu.memory_space<hbm>>
      tpu.enqueue_dma source(%dma_start3A_930 : memref<2048x16xf32, #tpu.memory_space<hbm>>) target(%dma_start3A_928 : memref<2048x16xf32, #tpu.memory_space<vmem>>) target_semaphore(%arg16 : memref<!tpu.dma_semaphore, #tpu.memory_space<semaphore_mem>>)
      %dma_wait3A = arith.constant 0 : i32
      %dma_wait3A_931 = tpu.memref_slice %arg8[%dma_wait3A] : memref<2048xf32, #tpu.memory_space<vmem>> -> memref<2048xf32, #tpu.memory_space<vmem>>
      %dma_wait3A_932 = tpu.memref_slice %arg2[%mul3A_899] : memref<200000xf32, #tpu.memory_space<hbm>> -> memref<2048xf32, #tpu.memory_space<hbm>>
      %dma_wait3A_933 = arith.constant 0 : i32
      %dma_wait3A_934 = tpu.memref_slice %arg8[%dma_wait3A_933] : memref<2048xf32, #tpu.memory_space<vmem>> -> memref<2048xf32, #tpu.memory_space<vmem>>
      %dma_wait3A_935 = tpu.memref_slice %arg2[%mul3A_899] : memref<200000xf32, #tpu.memory_space<hbm>> -> memref<2048xf32, #tpu.memory_space<hbm>>
      tpu.wait_dma2 semaphore(%arg16 : memref<!tpu.dma_semaphore, #tpu.memory_space<semaphore_mem>>) src(%dma_wait3A_935 : memref<2048xf32, #tpu.memory_space<hbm>>) dst(%dma_wait3A_934 : memref<2048xf32, #tpu.memory_space<vmem>>)
      %dma_wait3A_936 = arith.constant 0 : i32
      %dma_wait3A_937 = tpu.memref_slice %arg9[%dma_wait3A_936] : memref<2048xf32, #tpu.memory_space<vmem>> -> memref<2048xf32, #tpu.memory_space<vmem>>
      %dma_wait3A_938 = tpu.memref_slice %arg3[%mul3A_899] : memref<200000xf32, #tpu.memory_space<hbm>> -> memref<2048xf32, #tpu.memory_space<hbm>>
      %dma_wait3A_939 = arith.constant 0 : i32
      %dma_wait3A_940 = tpu.memref_slice %arg9[%dma_wait3A_939] : memref<2048xf32, #tpu.memory_space<vmem>> -> memref<2048xf32, #tpu.memory_space<vmem>>
      %dma_wait3A_941 = tpu.memref_slice %arg3[%mul3A_899] : memref<200000xf32, #tpu.memory_space<hbm>> -> memref<2048xf32, #tpu.memory_space<hbm>>
      tpu.wait_dma2 semaphore(%arg16 : memref<!tpu.dma_semaphore, #tpu.memory_space<semaphore_mem>>) src(%dma_wait3A_941 : memref<2048xf32, #tpu.memory_space<hbm>>) dst(%dma_wait3A_940 : memref<2048xf32, #tpu.memory_space<vmem>>)
      %dma_wait3A_942 = arith.constant 0 : i32
      %dma_wait3A_943 = arith.constant 0 : i32
      %dma_wait3A_944 = tpu.memref_slice %arg10[%dma_wait3A_942, %dma_wait3A_943] : memref<2048x16xf32, #tpu.memory_space<vmem>> -> memref<2048x16xf32, #tpu.memory_space<vmem>>
      %dma_wait3A_945 = arith.constant 0 : i32
      %dma_wait3A_946 = tpu.memref_slice %arg4[%mul3A_899, %dma_wait3A_945] : memref<200000x16xf32, #tpu.memory_space<hbm>> -> memref<2048x16xf32, #tpu.memory_space<hbm>>
      %dma_wait3A_947 = arith.constant 0 : i32
      %dma_wait3A_948 = arith.constant 0 : i32
      %dma_wait3A_949 = tpu.memref_slice %arg10[%dma_wait3A_947, %dma_wait3A_948] : memref<2048x16xf32, #tpu.memory_space<vmem>> -> memref<2048x16xf32, #tpu.memory_space<vmem>>
      %dma_wait3A_950 = arith.constant 0 : i32
      %dma_wait3A_951 = tpu.memref_slice %arg4[%mul3A_899, %dma_wait3A_950] : memref<200000x16xf32, #tpu.memory_space<hbm>> -> memref<2048x16xf32, #tpu.memory_space<hbm>>
      tpu.wait_dma2 semaphore(%arg16 : memref<!tpu.dma_semaphore, #tpu.memory_space<semaphore_mem>>) src(%dma_wait3A_951 : memref<2048x16xf32, #tpu.memory_space<hbm>>) dst(%dma_wait3A_949 : memref<2048x16xf32, #tpu.memory_space<vmem>>)
      %dma_wait3A_952 = arith.constant 0 : i32
      %dma_wait3A_953 = arith.constant 0 : i32
      %dma_wait3A_954 = tpu.memref_slice %arg11[%dma_wait3A_952, %dma_wait3A_953] : memref<2048x16xf32, #tpu.memory_space<vmem>> -> memref<2048x16xf32, #tpu.memory_space<vmem>>
      %dma_wait3A_955 = arith.constant 0 : i32
      %dma_wait3A_956 = tpu.memref_slice %arg5[%mul3A_899, %dma_wait3A_955] : memref<200000x16xf32, #tpu.memory_space<hbm>> -> memref<2048x16xf32, #tpu.memory_space<hbm>>
      %dma_wait3A_957 = arith.constant 0 : i32
      %dma_wait3A_958 = arith.constant 0 : i32
      %dma_wait3A_959 = tpu.memref_slice %arg11[%dma_wait3A_957, %dma_wait3A_958] : memref<2048x16xf32, #tpu.memory_space<vmem>> -> memref<2048x16xf32, #tpu.memory_space<vmem>>
      %dma_wait3A_960 = arith.constant 0 : i32
      %dma_wait3A_961 = tpu.memref_slice %arg5[%mul3A_899, %dma_wait3A_960] : memref<200000x16xf32, #tpu.memory_space<hbm>> -> memref<2048x16xf32, #tpu.memory_space<hbm>>
      tpu.wait_dma2 semaphore(%arg16 : memref<!tpu.dma_semaphore, #tpu.memory_space<semaphore_mem>>) src(%dma_wait3A_961 : memref<2048x16xf32, #tpu.memory_space<hbm>>) dst(%dma_wait3A_959 : memref<2048x16xf32, #tpu.memory_space<vmem>>)
      %scan3A_962 = arith.constant 0 : i32
      %scan3A_963 = arith.constant 128 : i32
      %scan3A_964 = arith.addi %scan3A_962, %scan3A_963 : i32
      %scan3A_965 = arith.constant 1 : i32
      %scan3A_966:3 = scf.for %scan3A_984 = %scan3A_962 to %scan3A_964 step %scan3A_965 iter_args(%scan3A_985 = %while3A_892, %scan3A_986 = %while3A_893, %scan3A_987 = %while3A_894) -> (vector<16xf32>, vector<16xf32>, vector<16xf32>)  : i32 {
        %mul3A_988 = arith.constant 16 : i32
        %mul3A_989 = arith.muli %scan3A_984, %mul3A_988 : i32
        %get3A_990 = arith.index_cast %mul3A_989 : i32 to index
        %get3A_991 = tpu.vector_load %arg8[%get3A_990] {strides = array<i32>} : memref<2048xf32, #tpu.memory_space<vmem>>, vector<16xf32>,
        %mul3A_992 = arith.constant 16 : i32
        %mul3A_993 = arith.muli %scan3A_984, %mul3A_992 : i32
        %get3A_994 = arith.index_cast %mul3A_993 : i32 to index
        %get3A_995 = tpu.vector_load %arg9[%get3A_994] {strides = array<i32>} : memref<2048xf32, #tpu.memory_space<vmem>>, vector<16xf32>,
        %min3A_996 = arith.minimumf %scan3A_985, %get3A_995 : vector<16xf32>
        %max3A_997 = arith.maximumf %scan3A_986, %get3A_995 : vector<16xf32>
        %sub3A_998 = arith.subf %get3A_991, %get3A_995 : vector<16xf32>
        %abs3A = math.absf %sub3A_998 : vector<16xf32>
        %add3A_999 = arith.addf %scan3A_987, %abs3A : vector<16xf32>
        scf.yield %min3A_996, %max3A_997, %add3A_999 : vector<16xf32>, vector<16xf32>, vector<16xf32>
      }
      %scan3A_967 = arith.constant 128 : i32
      %neg3A_968 = arith.constant 0.000000e+00 : f32
      %neg3A_969 = vector.broadcast %neg3A_968 : f32 to vector<16xf32>
      %neg3A_970 = arith.subf %neg3A_969, %broadcast_in_dim3A_1 : vector<16xf32>
      %neg3A_971 = arith.constant 0.000000e+00 : f32
      %neg3A_972 = vector.broadcast %neg3A_971 : f32 to vector<16xf32>
      %neg3A_973 = arith.subf %neg3A_972, %broadcast_in_dim3A_1 : vector<16xf32>
      %scan3A_974 = arith.constant 0 : i32
      %scan3A_975 = arith.constant 1024 : i32
      %scan3A_976 = arith.addi %scan3A_974, %scan3A_975 : i32
      %scan3A_977 = arith.constant 1 : i32
      %scan3A_978:8 = scf.for %scan3A_984 = %scan3A_974 to %scan3A_976 step %scan3A_977 iter_args(%scan3A_985 = %while3A_888, %scan3A_986 = %while3A_889, %scan3A_987 = %while3A_890, %scan3A_988 = %while3A_891, %scan3A_989 = %broadcast_in_dim3A_1, %scan3A_990 = %neg3A_970, %scan3A_991 = %broadcast_in_dim3A_1, %scan3A_992 = %neg3A_973) -> (vector<16xf32>, vector<16xf32>, vector<16xf32>, vector<16xf32>, vector<16xf32>, vector<16xf32>, vector<16xf32>, vector<16xf32>)  : i32 {
        %mul3A_993 = arith.constant 2 : i32
        %mul3A_994 = arith.muli %mul3A_993, %scan3A_984 : i32
        %get3A_995 = arith.index_cast %mul3A_994 : i32 to index
        %get3A_996 = arith.constant 0 : index
        %get3A_997 = tpu.vector_load %arg10[%get3A_995, %get3A_996] {strides = array<i32>} : memref<2048x16xf32, #tpu.memory_space<vmem>>, vector<16xf32>,
        %mul3A_998 = arith.constant 2 : i32
        %mul3A_999 = arith.muli %mul3A_998, %scan3A_984 : i32
        %get3A_1000 = arith.index_cast %mul3A_999 : i32 to index
        %get3A_1001 = arith.constant 0 : index
        %get3A_1002 = tpu.vector_load %arg11[%get3A_1000, %get3A_1001] {strides = array<i32>} : memref<2048x16xf32, #tpu.memory_space<vmem>>, vector<16xf32>,
        %mul3A_1003 = arith.constant 2 : i32
        %mul3A_1004 = arith.muli %mul3A_1003, %scan3A_984 : i32
        %add3A_1005 = arith.constant 1 : i32
        %add3A_1006 = arith.addi %mul3A_1004, %add3A_1005 : i32
        %get3A_1007 = arith.index_cast %add3A_1006 : i32 to index
        %get3A_1008 = arith.constant 0 : index
        %get3A_1009 = tpu.vector_load %arg10[%get3A_1007, %get3A_1008] {strides = array<i32>} : memref<2048x16xf32, #tpu.memory_space<vmem>>, vector<16xf32>,
        %mul3A_1010 = arith.constant 2 : i32
        %mul3A_1011 = arith.muli %mul3A_1010, %scan3A_984 : i32
        %add3A_1012 = arith.constant 1 : i32
        %add3A_1013 = arith.addi %mul3A_1011, %add3A_1012 : i32
        %get3A_1014 = arith.index_cast %add3A_1013 : i32 to index
        %get3A_1015 = arith.constant 0 : index
        %get3A_1016 = tpu.vector_load %arg11[%get3A_1014, %get3A_1015] {strides = array<i32>} : memref<2048x16xf32, #tpu.memory_space<vmem>>, vector<16xf32>,
        %min3A_1017 = arith.minimumf %scan3A_985, %get3A_997 : vector<16xf32>
        %max3A_1018 = arith.maximumf %scan3A_986, %get3A_997 : vector<16xf32>
        %min3A_1019 = arith.minimumf %scan3A_987, %get3A_1002 : vector<16xf32>
        %max3A_1020 = arith.maximumf %scan3A_988, %get3A_1002 : vector<16xf32>
        %min3A_1021 = arith.minimumf %scan3A_989, %get3A_1009 : vector<16xf32>
        %max3A_1022 = arith.maximumf %scan3A_990, %get3A_1009 : vector<16xf32>
        %min3A_1023 = arith.minimumf %scan3A_991, %get3A_1016 : vector<16xf32>
        %max3A_1024 = arith.maximumf %scan3A_992, %get3A_1016 : vector<16xf32>
        scf.yield %min3A_1017, %max3A_1018, %min3A_1019, %max3A_1020, %min3A_1021, %max3A_1022, %min3A_1023, %max3A_1024 : vector<16xf32>, vector<16xf32>, vector<16xf32>, vector<16xf32>, vector<16xf32>, vector<16xf32>, vector<16xf32>, vector<16xf32>
      }
      %scan3A_979 = arith.constant 1024 : i32
      %min3A_980 = arith.minimumf %scan3A_978#0, %scan3A_978#4 : vector<16xf32>
      %max3A_981 = arith.maximumf %scan3A_978#1, %scan3A_978#5 : vector<16xf32>
      %min3A_982 = arith.minimumf %scan3A_978#2, %scan3A_978#6 : vector<16xf32>
      %max3A_983 = arith.maximumf %scan3A_978#3, %scan3A_978#7 : vector<16xf32>
      scf.yield %min3A_980, %max3A_981, %min3A_982, %max3A_983, %scan3A_966#0, %scan3A_966#1, %scan3A_966#2 : vector<16xf32>, vector<16xf32>, vector<16xf32>, vector<16xf32>, vector<16xf32>, vector<16xf32>, vector<16xf32>
    }
    %eq3A = arith.constant 1 : i32
    %eq3A_24 = arith.cmpi eq, %arg1, %eq3A : i32
    %convert_element_type3A = arith.extui %eq3A_24 : i1 to i32
    %cond3A = arith.constant 0 : i32
    %cond3A_25 = arith.cmpi ne, %convert_element_type3A, %cond3A : i32
    %cond3A_26:7 = scf.if %cond3A_25 -> (vector<16xf32>, vector<16xf32>, vector<16xf32>, vector<16xf32>, vector<16xf32>, vector<16xf32>, vector<16xf32>) {
      %mul3A_887 = arith.constant 97 : i32
      %mul3A_888 = arith.constant 2048 : i32
      %mul3A_889 = arith.muli %mul3A_887, %mul3A_888 : i32
      %dma_start3A = arith.constant 0 : i32
      %dma_start3A_890 = tpu.memref_slice %arg8[%dma_start3A] : memref<2048xf32, #tpu.memory_space<vmem>> -> memref<1344xf32, #tpu.memory_space<vmem>>
      %dma_start3A_891 = tpu.memref_slice %arg2[%mul3A_889] : memref<200000xf32, #tpu.memory_space<hbm>> -> memref<1344xf32, #tpu.memory_space<hbm>>
      %dma_start3A_892 = arith.constant 0 : i32
      %dma_start3A_893 = tpu.memref_slice %arg8[%dma_start3A_892] : memref<2048xf32, #tpu.memory_space<vmem>> -> memref<1344xf32, #tpu.memory_space<vmem>>
      %dma_start3A_894 = tpu.memref_slice %arg2[%mul3A_889] : memref<200000xf32, #tpu.memory_space<hbm>> -> memref<1344xf32, #tpu.memory_space<hbm>>
      tpu.enqueue_dma source(%dma_start3A_894 : memref<1344xf32, #tpu.memory_space<hbm>>) target(%dma_start3A_893 : memref<1344xf32, #tpu.memory_space<vmem>>) target_semaphore(%arg16 : memref<!tpu.dma_semaphore, #tpu.memory_space<semaphore_mem>>)
      %dma_start3A_895 = arith.constant 0 : i32
      %dma_start3A_896 = tpu.memref_slice %arg9[%dma_start3A_895] : memref<2048xf32, #tpu.memory_space<vmem>> -> memref<1344xf32, #tpu.memory_space<vmem>>
      %dma_start3A_897 = tpu.memref_slice %arg3[%mul3A_889] : memref<200000xf32, #tpu.memory_space<hbm>> -> memref<1344xf32, #tpu.memory_space<hbm>>
      %dma_start3A_898 = arith.constant 0 : i32
      %dma_start3A_899 = tpu.memref_slice %arg9[%dma_start3A_898] : memref<2048xf32, #tpu.memory_space<vmem>> -> memref<1344xf32, #tpu.memory_space<vmem>>
      %dma_start3A_900 = tpu.memref_slice %arg3[%mul3A_889] : memref<200000xf32, #tpu.memory_space<hbm>> -> memref<1344xf32, #tpu.memory_space<hbm>>
      tpu.enqueue_dma source(%dma_start3A_900 : memref<1344xf32, #tpu.memory_space<hbm>>) target(%dma_start3A_899 : memref<1344xf32, #tpu.memory_space<vmem>>) target_semaphore(%arg16 : memref<!tpu.dma_semaphore, #tpu.memory_space<semaphore_mem>>)
      %dma_start3A_901 = arith.constant 0 : i32
      %dma_start3A_902 = arith.constant 0 : i32
      %dma_start3A_903 = tpu.memref_slice %arg10[%dma_start3A_901, %dma_start3A_902] : memref<2048x16xf32, #tpu.memory_space<vmem>> -> memref<1344x16xf32, #tpu.memory_space<vmem>>
      %dma_start3A_904 = arith.constant 0 : i32
      %dma_start3A_905 = tpu.memref_slice %arg4[%mul3A_889, %dma_start3A_904] : memref<200000x16xf32, #tpu.memory_space<hbm>> -> memref<1344x16xf32, #tpu.memory_space<hbm>>
      %dma_start3A_906 = arith.constant 0 : i32
      %dma_start3A_907 = arith.constant 0 : i32
      %dma_start3A_908 = tpu.memref_slice %arg10[%dma_start3A_906, %dma_start3A_907] : memref<2048x16xf32, #tpu.memory_space<vmem>> -> memref<1344x16xf32, #tpu.memory_space<vmem>>
      %dma_start3A_909 = arith.constant 0 : i32
      %dma_start3A_910 = tpu.memref_slice %arg4[%mul3A_889, %dma_start3A_909] : memref<200000x16xf32, #tpu.memory_space<hbm>> -> memref<1344x16xf32, #tpu.memory_space<hbm>>
      tpu.enqueue_dma source(%dma_start3A_910 : memref<1344x16xf32, #tpu.memory_space<hbm>>) target(%dma_start3A_908 : memref<1344x16xf32, #tpu.memory_space<vmem>>) target_semaphore(%arg16 : memref<!tpu.dma_semaphore, #tpu.memory_space<semaphore_mem>>)
      %dma_start3A_911 = arith.constant 0 : i32
      %dma_start3A_912 = arith.constant 0 : i32
      %dma_start3A_913 = tpu.memref_slice %arg11[%dma_start3A_911, %dma_start3A_912] : memref<2048x16xf32, #tpu.memory_space<vmem>> -> memref<1344x16xf32, #tpu.memory_space<vmem>>
      %dma_start3A_914 = arith.constant 0 : i32
      %dma_start3A_915 = tpu.memref_slice %arg5[%mul3A_889, %dma_start3A_914] : memref<200000x16xf32, #tpu.memory_space<hbm>> -> memref<1344x16xf32, #tpu.memory_space<hbm>>
      %dma_start3A_916 = arith.constant 0 : i32
      %dma_start3A_917 = arith.constant 0 : i32
      %dma_start3A_918 = tpu.memref_slice %arg11[%dma_start3A_916, %dma_start3A_917] : memref<2048x16xf32, #tpu.memory_space<vmem>> -> memref<1344x16xf32, #tpu.memory_space<vmem>>
      %dma_start3A_919 = arith.constant 0 : i32
      %dma_start3A_920 = tpu.memref_slice %arg5[%mul3A_889, %dma_start3A_919] : memref<200000x16xf32, #tpu.memory_space<hbm>> -> memref<1344x16xf32, #tpu.memory_space<hbm>>
      tpu.enqueue_dma source(%dma_start3A_920 : memref<1344x16xf32, #tpu.memory_space<hbm>>) target(%dma_start3A_918 : memref<1344x16xf32, #tpu.memory_space<vmem>>) target_semaphore(%arg16 : memref<!tpu.dma_semaphore, #tpu.memory_space<semaphore_mem>>)
      %dma_wait3A = arith.constant 0 : i32
      %dma_wait3A_921 = tpu.memref_slice %arg8[%dma_wait3A] : memref<2048xf32, #tpu.memory_space<vmem>> -> memref<1344xf32, #tpu.memory_space<vmem>>
      %dma_wait3A_922 = tpu.memref_slice %arg2[%mul3A_889] : memref<200000xf32, #tpu.memory_space<hbm>> -> memref<1344xf32, #tpu.memory_space<hbm>>
      %dma_wait3A_923 = arith.constant 0 : i32
      %dma_wait3A_924 = tpu.memref_slice %arg8[%dma_wait3A_923] : memref<2048xf32, #tpu.memory_space<vmem>> -> memref<1344xf32, #tpu.memory_space<vmem>>
      %dma_wait3A_925 = tpu.memref_slice %arg2[%mul3A_889] : memref<200000xf32, #tpu.memory_space<hbm>> -> memref<1344xf32, #tpu.memory_space<hbm>>
      tpu.wait_dma2 semaphore(%arg16 : memref<!tpu.dma_semaphore, #tpu.memory_space<semaphore_mem>>) src(%dma_wait3A_925 : memref<1344xf32, #tpu.memory_space<hbm>>) dst(%dma_wait3A_924 : memref<1344xf32, #tpu.memory_space<vmem>>)
      %dma_wait3A_926 = arith.constant 0 : i32
      %dma_wait3A_927 = tpu.memref_slice %arg9[%dma_wait3A_926] : memref<2048xf32, #tpu.memory_space<vmem>> -> memref<1344xf32, #tpu.memory_space<vmem>>
      %dma_wait3A_928 = tpu.memref_slice %arg3[%mul3A_889] : memref<200000xf32, #tpu.memory_space<hbm>> -> memref<1344xf32, #tpu.memory_space<hbm>>
      %dma_wait3A_929 = arith.constant 0 : i32
      %dma_wait3A_930 = tpu.memref_slice %arg9[%dma_wait3A_929] : memref<2048xf32, #tpu.memory_space<vmem>> -> memref<1344xf32, #tpu.memory_space<vmem>>
      %dma_wait3A_931 = tpu.memref_slice %arg3[%mul3A_889] : memref<200000xf32, #tpu.memory_space<hbm>> -> memref<1344xf32, #tpu.memory_space<hbm>>
      tpu.wait_dma2 semaphore(%arg16 : memref<!tpu.dma_semaphore, #tpu.memory_space<semaphore_mem>>) src(%dma_wait3A_931 : memref<1344xf32, #tpu.memory_space<hbm>>) dst(%dma_wait3A_930 : memref<1344xf32, #tpu.memory_space<vmem>>)
      %dma_wait3A_932 = arith.constant 0 : i32
      %dma_wait3A_933 = arith.constant 0 : i32
      %dma_wait3A_934 = tpu.memref_slice %arg10[%dma_wait3A_932, %dma_wait3A_933] : memref<2048x16xf32, #tpu.memory_space<vmem>> -> memref<1344x16xf32, #tpu.memory_space<vmem>>
      %dma_wait3A_935 = arith.constant 0 : i32
      %dma_wait3A_936 = tpu.memref_slice %arg4[%mul3A_889, %dma_wait3A_935] : memref<200000x16xf32, #tpu.memory_space<hbm>> -> memref<1344x16xf32, #tpu.memory_space<hbm>>
      %dma_wait3A_937 = arith.constant 0 : i32
      %dma_wait3A_938 = arith.constant 0 : i32
      %dma_wait3A_939 = tpu.memref_slice %arg10[%dma_wait3A_937, %dma_wait3A_938] : memref<2048x16xf32, #tpu.memory_space<vmem>> -> memref<1344x16xf32, #tpu.memory_space<vmem>>
      %dma_wait3A_940 = arith.constant 0 : i32
      %dma_wait3A_941 = tpu.memref_slice %arg4[%mul3A_889, %dma_wait3A_940] : memref<200000x16xf32, #tpu.memory_space<hbm>> -> memref<1344x16xf32, #tpu.memory_space<hbm>>
      tpu.wait_dma2 semaphore(%arg16 : memref<!tpu.dma_semaphore, #tpu.memory_space<semaphore_mem>>) src(%dma_wait3A_941 : memref<1344x16xf32, #tpu.memory_space<hbm>>) dst(%dma_wait3A_939 : memref<1344x16xf32, #tpu.memory_space<vmem>>)
      %dma_wait3A_942 = arith.constant 0 : i32
      %dma_wait3A_943 = arith.constant 0 : i32
      %dma_wait3A_944 = tpu.memref_slice %arg11[%dma_wait3A_942, %dma_wait3A_943] : memref<2048x16xf32, #tpu.memory_space<vmem>> -> memref<1344x16xf32, #tpu.memory_space<vmem>>
      %dma_wait3A_945 = arith.constant 0 : i32
      %dma_wait3A_946 = tpu.memref_slice %arg5[%mul3A_889, %dma_wait3A_945] : memref<200000x16xf32, #tpu.memory_space<hbm>> -> memref<1344x16xf32, #tpu.memory_space<hbm>>
      %dma_wait3A_947 = arith.constant 0 : i32
      %dma_wait3A_948 = arith.constant 0 : i32
      %dma_wait3A_949 = tpu.memref_slice %arg11[%dma_wait3A_947, %dma_wait3A_948] : memref<2048x16xf32, #tpu.memory_space<vmem>> -> memref<1344x16xf32, #tpu.memory_space<vmem>>
      %dma_wait3A_950 = arith.constant 0 : i32
      %dma_wait3A_951 = tpu.memref_slice %arg5[%mul3A_889, %dma_wait3A_950] : memref<200000x16xf32, #tpu.memory_space<hbm>> -> memref<1344x16xf32, #tpu.memory_space<hbm>>
      tpu.wait_dma2 semaphore(%arg16 : memref<!tpu.dma_semaphore, #tpu.memory_space<semaphore_mem>>) src(%dma_wait3A_951 : memref<1344x16xf32, #tpu.memory_space<hbm>>) dst(%dma_wait3A_949 : memref<1344x16xf32, #tpu.memory_space<vmem>>)
      %scan3A_952 = arith.constant 0 : i32
      %scan3A_953 = arith.constant 84 : i32
      %scan3A_954 = arith.addi %scan3A_952, %scan3A_953 : i32
      %scan3A_955 = arith.constant 1 : i32
      %scan3A_956:3 = scf.for %scan3A_974 = %scan3A_952 to %scan3A_954 step %scan3A_955 iter_args(%scan3A_975 = %while3A_23#4, %scan3A_976 = %while3A_23#5, %scan3A_977 = %while3A_23#6) -> (vector<16xf32>, vector<16xf32>, vector<16xf32>)  : i32 {
        %mul3A_978 = arith.constant 16 : i32
        %mul3A_979 = arith.muli %scan3A_974, %mul3A_978 : i32
        %get3A_980 = arith.index_cast %mul3A_979 : i32 to index
        %get3A_981 = tpu.vector_load %arg8[%get3A_980] {strides = array<i32>} : memref<2048xf32, #tpu.memory_space<vmem>>, vector<16xf32>,
        %mul3A_982 = arith.constant 16 : i32
        %mul3A_983 = arith.muli %scan3A_974, %mul3A_982 : i32
        %get3A_984 = arith.index_cast %mul3A_983 : i32 to index
        %get3A_985 = tpu.vector_load %arg9[%get3A_984] {strides = array<i32>} : memref<2048xf32, #tpu.memory_space<vmem>>, vector<16xf32>,
        %min3A_986 = arith.minimumf %scan3A_975, %get3A_985 : vector<16xf32>
        %max3A_987 = arith.maximumf %scan3A_976, %get3A_985 : vector<16xf32>
        %sub3A_988 = arith.subf %get3A_981, %get3A_985 : vector<16xf32>
        %abs3A = math.absf %sub3A_988 : vector<16xf32>
        %add3A_989 = arith.addf %scan3A_977, %abs3A : vector<16xf32>
        scf.yield %min3A_986, %max3A_987, %add3A_989 : vector<16xf32>, vector<16xf32>, vector<16xf32>
      }
      %scan3A_957 = arith.constant 84 : i32
      %neg3A_958 = arith.constant 0.000000e+00 : f32
      %neg3A_959 = vector.broadcast %neg3A_958 : f32 to vector<16xf32>
      %neg3A_960 = arith.subf %neg3A_959, %broadcast_in_dim3A_1 : vector<16xf32>
      %neg3A_961 = arith.constant 0.000000e+00 : f32
      %neg3A_962 = vector.broadcast %neg3A_961 : f32 to vector<16xf32>
      %neg3A_963 = arith.subf %neg3A_962, %broadcast_in_dim3A_1 : vector<16xf32>
      %scan3A_964 = arith.constant 0 : i32
      %scan3A_965 = arith.constant 672 : i32
      %scan3A_966 = arith.addi %scan3A_964, %scan3A_965 : i32
      %scan3A_967 = arith.constant 1 : i32
      %scan3A_968:8 = scf.for %scan3A_974 = %scan3A_964 to %scan3A_966 step %scan3A_967 iter_args(%scan3A_975 = %while3A_23#0, %scan3A_976 = %while3A_23#1, %scan3A_977 = %while3A_23#2, %scan3A_978 = %while3A_23#3, %scan3A_979 = %broadcast_in_dim3A_1, %scan3A_980 = %neg3A_960, %scan3A_981 = %broadcast_in_dim3A_1, %scan3A_982 = %neg3A_963) -> (vector<16xf32>, vector<16xf32>, vector<16xf32>, vector<16xf32>, vector<16xf32>, vector<16xf32>, vector<16xf32>, vector<16xf32>)  : i32 {
        %mul3A_983 = arith.constant 2 : i32
        %mul3A_984 = arith.muli %mul3A_983, %scan3A_974 : i32
        %get3A_985 = arith.index_cast %mul3A_984 : i32 to index
        %get3A_986 = arith.constant 0 : index
        %get3A_987 = tpu.vector_load %arg10[%get3A_985, %get3A_986] {strides = array<i32>} : memref<2048x16xf32, #tpu.memory_space<vmem>>, vector<16xf32>,
        %mul3A_988 = arith.constant 2 : i32
        %mul3A_989 = arith.muli %mul3A_988, %scan3A_974 : i32
        %get3A_990 = arith.index_cast %mul3A_989 : i32 to index
        %get3A_991 = arith.constant 0 : index
        %get3A_992 = tpu.vector_load %arg11[%get3A_990, %get3A_991] {strides = array<i32>} : memref<2048x16xf32, #tpu.memory_space<vmem>>, vector<16xf32>,
        %mul3A_993 = arith.constant 2 : i32
        %mul3A_994 = arith.muli %mul3A_993, %scan3A_974 : i32
        %add3A_995 = arith.constant 1 : i32
        %add3A_996 = arith.addi %mul3A_994, %add3A_995 : i32
        %get3A_997 = arith.index_cast %add3A_996 : i32 to index
        %get3A_998 = arith.constant 0 : index
        %get3A_999 = tpu.vector_load %arg10[%get3A_997, %get3A_998] {strides = array<i32>} : memref<2048x16xf32, #tpu.memory_space<vmem>>, vector<16xf32>,
        %mul3A_1000 = arith.constant 2 : i32
        %mul3A_1001 = arith.muli %mul3A_1000, %scan3A_974 : i32
        %add3A_1002 = arith.constant 1 : i32
        %add3A_1003 = arith.addi %mul3A_1001, %add3A_1002 : i32
        %get3A_1004 = arith.index_cast %add3A_1003 : i32 to index
        %get3A_1005 = arith.constant 0 : index
        %get3A_1006 = tpu.vector_load %arg11[%get3A_1004, %get3A_1005] {strides = array<i32>} : memref<2048x16xf32, #tpu.memory_space<vmem>>, vector<16xf32>,
        %min3A_1007 = arith.minimumf %scan3A_975, %get3A_987 : vector<16xf32>
        %max3A_1008 = arith.maximumf %scan3A_976, %get3A_987 : vector<16xf32>
        %min3A_1009 = arith.minimumf %scan3A_977, %get3A_992 : vector<16xf32>
        %max3A_1010 = arith.maximumf %scan3A_978, %get3A_992 : vector<16xf32>
        %min3A_1011 = arith.minimumf %scan3A_979, %get3A_999 : vector<16xf32>
        %max3A_1012 = arith.maximumf %scan3A_980, %get3A_999 : vector<16xf32>
        %min3A_1013 = arith.minimumf %scan3A_981, %get3A_1006 : vector<16xf32>
        %max3A_1014 = arith.maximumf %scan3A_982, %get3A_1006 : vector<16xf32>
        scf.yield %min3A_1007, %max3A_1008, %min3A_1009, %max3A_1010, %min3A_1011, %max3A_1012, %min3A_1013, %max3A_1014 : vector<16xf32>, vector<16xf32>, vector<16xf32>, vector<16xf32>, vector<16xf32>, vector<16xf32>, vector<16xf32>, vector<16xf32>
      }
      %scan3A_969 = arith.constant 672 : i32
      %min3A_970 = arith.minimumf %scan3A_968#0, %scan3A_968#4 : vector<16xf32>
      %max3A_971 = arith.maximumf %scan3A_968#1, %scan3A_968#5 : vector<16xf32>
      %min3A_972 = arith.minimumf %scan3A_968#2, %scan3A_968#6 : vector<16xf32>
      %max3A_973 = arith.maximumf %scan3A_968#3, %scan3A_968#7 : vector<16xf32>
      scf.yield %min3A_970, %max3A_971, %min3A_972, %max3A_973, %scan3A_956#0, %scan3A_956#1, %scan3A_956#2 : vector<16xf32>, vector<16xf32>, vector<16xf32>, vector<16xf32>, vector<16xf32>, vector<16xf32>, vector<16xf32>
    } else {
      scf.yield %while3A_23#0, %while3A_23#1, %while3A_23#2, %while3A_23#3, %while3A_23#4, %while3A_23#5, %while3A_23#6 : vector<16xf32>, vector<16xf32>, vector<16xf32>, vector<16xf32>, vector<16xf32>, vector<16xf32>, vector<16xf32>
    }
    %swap3A = arith.constant 0 : index
    %swap3A_27 = tpu.vector_load %arg13[%swap3A] {strides = array<i32>} : memref<128xf32, #tpu.memory_space<vmem>>, vector<16xf32>,
    tpu.vector_store %arg13[%swap3A], %cond3A_26#0 {strides = array<i32>} : memref<128xf32, #tpu.memory_space<vmem>>, vector<16xf32>,
    %swap3A_28 = arith.constant 16 : index
    %swap3A_29 = tpu.vector_load %arg13[%swap3A_28] {strides = array<i32>} : memref<128xf32, #tpu.memory_space<vmem>>, vector<16xf32>,
    tpu.vector_store %arg13[%swap3A_28], %cond3A_26#1 {strides = array<i32>} : memref<128xf32, #tpu.memory_space<vmem>>, vector<16xf32>,
    %swap3A_30 = arith.constant 32 : index
    %swap3A_31 = tpu.vector_load %arg13[%swap3A_30] {strides = array<i32>} : memref<128xf32, #tpu.memory_space<vmem>>, vector<16xf32>,
    tpu.vector_store %arg13[%swap3A_30], %cond3A_26#2 {strides = array<i32>} : memref<128xf32, #tpu.memory_space<vmem>>, vector<16xf32>,
    %swap3A_32 = arith.constant 48 : index
    %swap3A_33 = tpu.vector_load %arg13[%swap3A_32] {strides = array<i32>} : memref<128xf32, #tpu.memory_space<vmem>>, vector<16xf32>,
    tpu.vector_store %arg13[%swap3A_32], %cond3A_26#3 {strides = array<i32>} : memref<128xf32, #tpu.memory_space<vmem>>, vector<16xf32>,
    %swap3A_34 = arith.constant 64 : index
    %swap3A_35 = tpu.vector_load %arg13[%swap3A_34] {strides = array<i32>} : memref<128xf32, #tpu.memory_space<vmem>>, vector<16xf32>,
    tpu.vector_store %arg13[%swap3A_34], %cond3A_26#4 {strides = array<i32>} : memref<128xf32, #tpu.memory_space<vmem>>, vector<16xf32>,
    %swap3A_36 = arith.constant 80 : index
    %swap3A_37 = tpu.vector_load %arg13[%swap3A_36] {strides = array<i32>} : memref<128xf32, #tpu.memory_space<vmem>>, vector<16xf32>,
    tpu.vector_store %arg13[%swap3A_36], %cond3A_26#5 {strides = array<i32>} : memref<128xf32, #tpu.memory_space<vmem>>, vector<16xf32>,
    %swap3A_38 = arith.constant 96 : index
    %swap3A_39 = tpu.vector_load %arg13[%swap3A_38] {strides = array<i32>} : memref<128xf32, #tpu.memory_space<vmem>>, vector<16xf32>,
    tpu.vector_store %arg13[%swap3A_38], %cond3A_26#6 {strides = array<i32>} : memref<128xf32, #tpu.memory_space<vmem>>, vector<16xf32>,
    %swap3A_40 = arith.constant 112 : index
    %swap3A_41 = tpu.vector_load %arg13[%swap3A_40] {strides = array<i32>} : memref<128xf32, #tpu.memory_space<vmem>>, vector<16xf32>,
    tpu.vector_store %arg13[%swap3A_40], %broadcast_in_dim3A_3 {strides = array<i32>} : memref<128xf32, #tpu.memory_space<vmem>>, vector<16xf32>,
    "tpu.region"() ({
      %run_scoped3A = tpu.sem_alloc : memref<!tpu.dma_semaphore, #tpu.memory_space<semaphore_mem>>
      %dma_start3A = arith.constant 0 : i32
      %dma_start3A_887 = tpu.memref_slice %arg15[%arg1, %dma_start3A] : memref<16x128xf32, #tpu.memory_space<vmem_shared>> -> memref<1x128xf32, #tpu.memory_space<vmem_shared>>
      %dma_start3A_888 = tpu.memref_squeeze %dma_start3A_887 : memref<1x128xf32, #tpu.memory_space<vmem_shared>> -> memref<128xf32, #tpu.memory_space<vmem_shared>>
      %dma_start3A_889 = arith.constant 0 : i32
      %dma_start3A_890 = tpu.memref_slice %arg15[%arg1, %dma_start3A_889] : memref<16x128xf32, #tpu.memory_space<vmem_shared>> -> memref<1x128xf32, #tpu.memory_space<vmem_shared>>
      %dma_start3A_891 = tpu.memref_squeeze %dma_start3A_890 : memref<1x128xf32, #tpu.memory_space<vmem_shared>> -> memref<128xf32, #tpu.memory_space<vmem_shared>>
      tpu.enqueue_dma source(%arg13 : memref<128xf32, #tpu.memory_space<vmem>>) target(%dma_start3A_891 : memref<128xf32, #tpu.memory_space<vmem_shared>>) target_semaphore(%run_scoped3A : memref<!tpu.dma_semaphore, #tpu.memory_space<semaphore_mem>>)
      %dma_wait3A = arith.constant 0 : i32
      %dma_wait3A_892 = tpu.memref_slice %arg15[%arg1, %dma_wait3A] : memref<16x128xf32, #tpu.memory_space<vmem_shared>> -> memref<1x128xf32, #tpu.memory_space<vmem_shared>>
      %dma_wait3A_893 = tpu.memref_squeeze %dma_wait3A_892 : memref<1x128xf32, #tpu.memory_space<vmem_shared>> -> memref<128xf32, #tpu.memory_space<vmem_shared>>
      %dma_wait3A_894 = arith.constant 0 : i32
      %dma_wait3A_895 = tpu.memref_slice %arg15[%arg1, %dma_wait3A_894] : memref<16x128xf32, #tpu.memory_space<vmem_shared>> -> memref<1x128xf32, #tpu.memory_space<vmem_shared>>
      %dma_wait3A_896 = tpu.memref_squeeze %dma_wait3A_895 : memref<1x128xf32, #tpu.memory_space<vmem_shared>> -> memref<128xf32, #tpu.memory_space<vmem_shared>>
      tpu.wait_dma2 semaphore(%run_scoped3A : memref<!tpu.dma_semaphore, #tpu.memory_space<semaphore_mem>>) src(%arg13 : memref<128xf32, #tpu.memory_space<vmem>>) dst(%dma_wait3A_896 : memref<128xf32, #tpu.memory_space<vmem_shared>>)
      tpu.yield
    }) : () -> ()
    %barrier3A = arith.constant 0 : index
    tpu.barrier barrier_id(%barrier3A)
    "tpu.region"() ({
      %run_scoped3A = tpu.sem_alloc : memref<!tpu.dma_semaphore, #tpu.memory_space<semaphore_mem>>
      tpu.enqueue_dma source(%arg15 : memref<16x128xf32, #tpu.memory_space<vmem_shared>>) target(%arg14 : memref<16x128xf32, #tpu.memory_space<vmem>>) target_semaphore(%run_scoped3A : memref<!tpu.dma_semaphore, #tpu.memory_space<semaphore_mem>>)
      tpu.wait_dma2 semaphore(%run_scoped3A : memref<!tpu.dma_semaphore, #tpu.memory_space<semaphore_mem>>) src(%arg15 : memref<16x128xf32, #tpu.memory_space<vmem_shared>>) dst(%arg14 : memref<16x128xf32, #tpu.memory_space<vmem>>)
      tpu.yield
    }) : () -> ()
    %neg3A_42 = arith.constant 0.000000e+00 : f32
    %neg3A_43 = vector.broadcast %neg3A_42 : f32 to vector<16xf32>
    %neg3A_44 = arith.subf %neg3A_43, %broadcast_in_dim3A_1 : vector<16xf32>
    %neg3A_45 = arith.constant 0.000000e+00 : f32
    %neg3A_46 = vector.broadcast %neg3A_45 : f32 to vector<16xf32>
    %neg3A_47 = arith.subf %neg3A_46, %broadcast_in_dim3A_1 : vector<16xf32>
    %neg3A_48 = arith.constant 0.000000e+00 : f32
    %neg3A_49 = vector.broadcast %neg3A_48 : f32 to vector<16xf32>
    %neg3A_50 = arith.subf %neg3A_49, %broadcast_in_dim3A_1 : vector<16xf32>
    %get3A = arith.constant 0 : i32
    %get3A_51 = arith.index_cast %get3A : i32 to index
    %get3A_52 = arith.constant 0 : index
    %get3A_53 = tpu.vector_load %arg14[%get3A_51, %get3A_52] {strides = array<i32>} : memref<16x128xf32, #tpu.memory_space<vmem>>, vector<16xf32>,
    %min3A = arith.minimumf %broadcast_in_dim3A_1, %get3A_53 : vector<16xf32>
    %get3A_54 = arith.constant 0 : i32
    %get3A_55 = arith.index_cast %get3A_54 : i32 to index
    %get3A_56 = arith.constant 16 : index
    %get3A_57 = tpu.vector_load %arg14[%get3A_55, %get3A_56] {strides = array<i32>} : memref<16x128xf32, #tpu.memory_space<vmem>>, vector<16xf32>,
    %max3A = arith.maximumf %neg3A_44, %get3A_57 : vector<16xf32>
    %get3A_58 = arith.constant 0 : i32
    %get3A_59 = arith.index_cast %get3A_58 : i32 to index
    %get3A_60 = arith.constant 32 : index
    %get3A_61 = tpu.vector_load %arg14[%get3A_59, %get3A_60] {strides = array<i32>} : memref<16x128xf32, #tpu.memory_space<vmem>>, vector<16xf32>,
    %min3A_62 = arith.minimumf %broadcast_in_dim3A_1, %get3A_61 : vector<16xf32>
    %get3A_63 = arith.constant 0 : i32
    %get3A_64 = arith.index_cast %get3A_63 : i32 to index
    %get3A_65 = arith.constant 48 : index
    %get3A_66 = tpu.vector_load %arg14[%get3A_64, %get3A_65] {strides = array<i32>} : memref<16x128xf32, #tpu.memory_space<vmem>>, vector<16xf32>,
    %max3A_67 = arith.maximumf %neg3A_47, %get3A_66 : vector<16xf32>
    %get3A_68 = arith.constant 0 : i32
    %get3A_69 = arith.index_cast %get3A_68 : i32 to index
    %get3A_70 = arith.constant 64 : index
    %get3A_71 = tpu.vector_load %arg14[%get3A_69, %get3A_70] {strides = array<i32>} : memref<16x128xf32, #tpu.memory_space<vmem>>, vector<16xf32>,
    %min3A_72 = arith.minimumf %broadcast_in_dim3A_1, %get3A_71 : vector<16xf32>
    %get3A_73 = arith.constant 0 : i32
    %get3A_74 = arith.index_cast %get3A_73 : i32 to index
    %get3A_75 = arith.constant 80 : index
    %get3A_76 = tpu.vector_load %arg14[%get3A_74, %get3A_75] {strides = array<i32>} : memref<16x128xf32, #tpu.memory_space<vmem>>, vector<16xf32>,
    %max3A_77 = arith.maximumf %neg3A_50, %get3A_76 : vector<16xf32>
    %get3A_78 = arith.constant 0 : i32
    %get3A_79 = arith.index_cast %get3A_78 : i32 to index
    %get3A_80 = arith.constant 96 : index
    %get3A_81 = tpu.vector_load %arg14[%get3A_79, %get3A_80] {strides = array<i32>} : memref<16x128xf32, #tpu.memory_space<vmem>>, vector<16xf32>,
    %add3A_82 = arith.addf %broadcast_in_dim3A_3, %get3A_81 : vector<16xf32>
    %get3A_83 = arith.constant 1 : i32
    %get3A_84 = arith.index_cast %get3A_83 : i32 to index
    %get3A_85 = arith.constant 0 : index
    %get3A_86 = tpu.vector_load %arg14[%get3A_84, %get3A_85] {strides = array<i32>} : memref<16x128xf32, #tpu.memory_space<vmem>>, vector<16xf32>,
    %min3A_87 = arith.minimumf %min3A, %get3A_86 : vector<16xf32>
    %get3A_88 = arith.constant 1 : i32
    %get3A_89 = arith.index_cast %get3A_88 : i32 to index
    %get3A_90 = arith.constant 16 : index
    %get3A_91 = tpu.vector_load %arg14[%get3A_89, %get3A_90] {strides = array<i32>} : memref<16x128xf32, #tpu.memory_space<vmem>>, vector<16xf32>,
    %max3A_92 = arith.maximumf %max3A, %get3A_91 : vector<16xf32>
    %get3A_93 = arith.constant 1 : i32
    %get3A_94 = arith.index_cast %get3A_93 : i32 to index
    %get3A_95 = arith.constant 32 : index
    %get3A_96 = tpu.vector_load %arg14[%get3A_94, %get3A_95] {strides = array<i32>} : memref<16x128xf32, #tpu.memory_space<vmem>>, vector<16xf32>,
    %min3A_97 = arith.minimumf %min3A_62, %get3A_96 : vector<16xf32>
    %get3A_98 = arith.constant 1 : i32
    %get3A_99 = arith.index_cast %get3A_98 : i32 to index
    %get3A_100 = arith.constant 48 : index
    %get3A_101 = tpu.vector_load %arg14[%get3A_99, %get3A_100] {strides = array<i32>} : memref<16x128xf32, #tpu.memory_space<vmem>>, vector<16xf32>,
    %max3A_102 = arith.maximumf %max3A_67, %get3A_101 : vector<16xf32>
    %get3A_103 = arith.constant 1 : i32
    %get3A_104 = arith.index_cast %get3A_103 : i32 to index
    %get3A_105 = arith.constant 64 : index
    %get3A_106 = tpu.vector_load %arg14[%get3A_104, %get3A_105] {strides = array<i32>} : memref<16x128xf32, #tpu.memory_space<vmem>>, vector<16xf32>,
    %min3A_107 = arith.minimumf %min3A_72, %get3A_106 : vector<16xf32>
    %get3A_108 = arith.constant 1 : i32
    %get3A_109 = arith.index_cast %get3A_108 : i32 to index
    %get3A_110 = arith.constant 80 : index
    %get3A_111 = tpu.vector_load %arg14[%get3A_109, %get3A_110] {strides = array<i32>} : memref<16x128xf32, #tpu.memory_space<vmem>>, vector<16xf32>,
    %max3A_112 = arith.maximumf %max3A_77, %get3A_111 : vector<16xf32>
    %get3A_113 = arith.constant 1 : i32
    %get3A_114 = arith.index_cast %get3A_113 : i32 to index
    %get3A_115 = arith.constant 96 : index
    %get3A_116 = tpu.vector_load %arg14[%get3A_114, %get3A_115] {strides = array<i32>} : memref<16x128xf32, #tpu.memory_space<vmem>>, vector<16xf32>,
    %add3A_117 = arith.addf %add3A_82, %get3A_116 : vector<16xf32>
    %get3A_118 = arith.constant 2 : i32
    %get3A_119 = arith.index_cast %get3A_118 : i32 to index
    %get3A_120 = arith.constant 0 : index
    %get3A_121 = tpu.vector_load %arg14[%get3A_119, %get3A_120] {strides = array<i32>} : memref<16x128xf32, #tpu.memory_space<vmem>>, vector<16xf32>,
    %min3A_122 = arith.minimumf %min3A_87, %get3A_121 : vector<16xf32>
    %get3A_123 = arith.constant 2 : i32
    %get3A_124 = arith.index_cast %get3A_123 : i32 to index
    %get3A_125 = arith.constant 16 : index
    %get3A_126 = tpu.vector_load %arg14[%get3A_124, %get3A_125] {strides = array<i32>} : memref<16x128xf32, #tpu.memory_space<vmem>>, vector<16xf32>,
    %max3A_127 = arith.maximumf %max3A_92, %get3A_126 : vector<16xf32>
    %get3A_128 = arith.constant 2 : i32
    %get3A_129 = arith.index_cast %get3A_128 : i32 to index
    %get3A_130 = arith.constant 32 : index
    %get3A_131 = tpu.vector_load %arg14[%get3A_129, %get3A_130] {strides = array<i32>} : memref<16x128xf32, #tpu.memory_space<vmem>>, vector<16xf32>,
    %min3A_132 = arith.minimumf %min3A_97, %get3A_131 : vector<16xf32>
    %get3A_133 = arith.constant 2 : i32
    %get3A_134 = arith.index_cast %get3A_133 : i32 to index
    %get3A_135 = arith.constant 48 : index
    %get3A_136 = tpu.vector_load %arg14[%get3A_134, %get3A_135] {strides = array<i32>} : memref<16x128xf32, #tpu.memory_space<vmem>>, vector<16xf32>,
    %max3A_137 = arith.maximumf %max3A_102, %get3A_136 : vector<16xf32>
    %get3A_138 = arith.constant 2 : i32
    %get3A_139 = arith.index_cast %get3A_138 : i32 to index
    %get3A_140 = arith.constant 64 : index
    %get3A_141 = tpu.vector_load %arg14[%get3A_139, %get3A_140] {strides = array<i32>} : memref<16x128xf32, #tpu.memory_space<vmem>>, vector<16xf32>,
    %min3A_142 = arith.minimumf %min3A_107, %get3A_141 : vector<16xf32>
    %get3A_143 = arith.constant 2 : i32
    %get3A_144 = arith.index_cast %get3A_143 : i32 to index
    %get3A_145 = arith.constant 80 : index
    %get3A_146 = tpu.vector_load %arg14[%get3A_144, %get3A_145] {strides = array<i32>} : memref<16x128xf32, #tpu.memory_space<vmem>>, vector<16xf32>,
    %max3A_147 = arith.maximumf %max3A_112, %get3A_146 : vector<16xf32>
    %get3A_148 = arith.constant 2 : i32
    %get3A_149 = arith.index_cast %get3A_148 : i32 to index
    %get3A_150 = arith.constant 96 : index
    %get3A_151 = tpu.vector_load %arg14[%get3A_149, %get3A_150] {strides = array<i32>} : memref<16x128xf32, #tpu.memory_space<vmem>>, vector<16xf32>,
    %add3A_152 = arith.addf %add3A_117, %get3A_151 : vector<16xf32>
    %get3A_153 = arith.constant 3 : i32
    %get3A_154 = arith.index_cast %get3A_153 : i32 to index
    %get3A_155 = arith.constant 0 : index
    %get3A_156 = tpu.vector_load %arg14[%get3A_154, %get3A_155] {strides = array<i32>} : memref<16x128xf32, #tpu.memory_space<vmem>>, vector<16xf32>,
    %min3A_157 = arith.minimumf %min3A_122, %get3A_156 : vector<16xf32>
    %get3A_158 = arith.constant 3 : i32
    %get3A_159 = arith.index_cast %get3A_158 : i32 to index
    %get3A_160 = arith.constant 16 : index
    %get3A_161 = tpu.vector_load %arg14[%get3A_159, %get3A_160] {strides = array<i32>} : memref<16x128xf32, #tpu.memory_space<vmem>>, vector<16xf32>,
    %max3A_162 = arith.maximumf %max3A_127, %get3A_161 : vector<16xf32>
    %get3A_163 = arith.constant 3 : i32
    %get3A_164 = arith.index_cast %get3A_163 : i32 to index
    %get3A_165 = arith.constant 32 : index
    %get3A_166 = tpu.vector_load %arg14[%get3A_164, %get3A_165] {strides = array<i32>} : memref<16x128xf32, #tpu.memory_space<vmem>>, vector<16xf32>,
    %min3A_167 = arith.minimumf %min3A_132, %get3A_166 : vector<16xf32>
    %get3A_168 = arith.constant 3 : i32
    %get3A_169 = arith.index_cast %get3A_168 : i32 to index
    %get3A_170 = arith.constant 48 : index
    %get3A_171 = tpu.vector_load %arg14[%get3A_169, %get3A_170] {strides = array<i32>} : memref<16x128xf32, #tpu.memory_space<vmem>>, vector<16xf32>,
    %max3A_172 = arith.maximumf %max3A_137, %get3A_171 : vector<16xf32>
    %get3A_173 = arith.constant 3 : i32
    %get3A_174 = arith.index_cast %get3A_173 : i32 to index
    %get3A_175 = arith.constant 64 : index
    %get3A_176 = tpu.vector_load %arg14[%get3A_174, %get3A_175] {strides = array<i32>} : memref<16x128xf32, #tpu.memory_space<vmem>>, vector<16xf32>,
    %min3A_177 = arith.minimumf %min3A_142, %get3A_176 : vector<16xf32>
    %get3A_178 = arith.constant 3 : i32
    %get3A_179 = arith.index_cast %get3A_178 : i32 to index
    %get3A_180 = arith.constant 80 : index
    %get3A_181 = tpu.vector_load %arg14[%get3A_179, %get3A_180] {strides = array<i32>} : memref<16x128xf32, #tpu.memory_space<vmem>>, vector<16xf32>,
    %max3A_182 = arith.maximumf %max3A_147, %get3A_181 : vector<16xf32>
    %get3A_183 = arith.constant 3 : i32
    %get3A_184 = arith.index_cast %get3A_183 : i32 to index
    %get3A_185 = arith.constant 96 : index
    %get3A_186 = tpu.vector_load %arg14[%get3A_184, %get3A_185] {strides = array<i32>} : memref<16x128xf32, #tpu.memory_space<vmem>>, vector<16xf32>,
    %add3A_187 = arith.addf %add3A_152, %get3A_186 : vector<16xf32>
    %get3A_188 = arith.constant 4 : i32
    %get3A_189 = arith.index_cast %get3A_188 : i32 to index
    %get3A_190 = arith.constant 0 : index
    %get3A_191 = tpu.vector_load %arg14[%get3A_189, %get3A_190] {strides = array<i32>} : memref<16x128xf32, #tpu.memory_space<vmem>>, vector<16xf32>,
    %min3A_192 = arith.minimumf %min3A_157, %get3A_191 : vector<16xf32>
    %get3A_193 = arith.constant 4 : i32
    %get3A_194 = arith.index_cast %get3A_193 : i32 to index
    %get3A_195 = arith.constant 16 : index
    %get3A_196 = tpu.vector_load %arg14[%get3A_194, %get3A_195] {strides = array<i32>} : memref<16x128xf32, #tpu.memory_space<vmem>>, vector<16xf32>,
    %max3A_197 = arith.maximumf %max3A_162, %get3A_196 : vector<16xf32>
    %get3A_198 = arith.constant 4 : i32
    %get3A_199 = arith.index_cast %get3A_198 : i32 to index
    %get3A_200 = arith.constant 32 : index
    %get3A_201 = tpu.vector_load %arg14[%get3A_199, %get3A_200] {strides = array<i32>} : memref<16x128xf32, #tpu.memory_space<vmem>>, vector<16xf32>,
    %min3A_202 = arith.minimumf %min3A_167, %get3A_201 : vector<16xf32>
    %get3A_203 = arith.constant 4 : i32
    %get3A_204 = arith.index_cast %get3A_203 : i32 to index
    %get3A_205 = arith.constant 48 : index
    %get3A_206 = tpu.vector_load %arg14[%get3A_204, %get3A_205] {strides = array<i32>} : memref<16x128xf32, #tpu.memory_space<vmem>>, vector<16xf32>,
    %max3A_207 = arith.maximumf %max3A_172, %get3A_206 : vector<16xf32>
    %get3A_208 = arith.constant 4 : i32
    %get3A_209 = arith.index_cast %get3A_208 : i32 to index
    %get3A_210 = arith.constant 64 : index
    %get3A_211 = tpu.vector_load %arg14[%get3A_209, %get3A_210] {strides = array<i32>} : memref<16x128xf32, #tpu.memory_space<vmem>>, vector<16xf32>,
    %min3A_212 = arith.minimumf %min3A_177, %get3A_211 : vector<16xf32>
    %get3A_213 = arith.constant 4 : i32
    %get3A_214 = arith.index_cast %get3A_213 : i32 to index
    %get3A_215 = arith.constant 80 : index
    %get3A_216 = tpu.vector_load %arg14[%get3A_214, %get3A_215] {strides = array<i32>} : memref<16x128xf32, #tpu.memory_space<vmem>>, vector<16xf32>,
    %max3A_217 = arith.maximumf %max3A_182, %get3A_216 : vector<16xf32>
    %get3A_218 = arith.constant 4 : i32
    %get3A_219 = arith.index_cast %get3A_218 : i32 to index
    %get3A_220 = arith.constant 96 : index
    %get3A_221 = tpu.vector_load %arg14[%get3A_219, %get3A_220] {strides = array<i32>} : memref<16x128xf32, #tpu.memory_space<vmem>>, vector<16xf32>,
    %add3A_222 = arith.addf %add3A_187, %get3A_221 : vector<16xf32>
    %get3A_223 = arith.constant 5 : i32
    %get3A_224 = arith.index_cast %get3A_223 : i32 to index
    %get3A_225 = arith.constant 0 : index
    %get3A_226 = tpu.vector_load %arg14[%get3A_224, %get3A_225] {strides = array<i32>} : memref<16x128xf32, #tpu.memory_space<vmem>>, vector<16xf32>,
    %min3A_227 = arith.minimumf %min3A_192, %get3A_226 : vector<16xf32>
    %get3A_228 = arith.constant 5 : i32
    %get3A_229 = arith.index_cast %get3A_228 : i32 to index
    %get3A_230 = arith.constant 16 : index
    %get3A_231 = tpu.vector_load %arg14[%get3A_229, %get3A_230] {strides = array<i32>} : memref<16x128xf32, #tpu.memory_space<vmem>>, vector<16xf32>,
    %max3A_232 = arith.maximumf %max3A_197, %get3A_231 : vector<16xf32>
    %get3A_233 = arith.constant 5 : i32
    %get3A_234 = arith.index_cast %get3A_233 : i32 to index
    %get3A_235 = arith.constant 32 : index
    %get3A_236 = tpu.vector_load %arg14[%get3A_234, %get3A_235] {strides = array<i32>} : memref<16x128xf32, #tpu.memory_space<vmem>>, vector<16xf32>,
    %min3A_237 = arith.minimumf %min3A_202, %get3A_236 : vector<16xf32>
    %get3A_238 = arith.constant 5 : i32
    %get3A_239 = arith.index_cast %get3A_238 : i32 to index
    %get3A_240 = arith.constant 48 : index
    %get3A_241 = tpu.vector_load %arg14[%get3A_239, %get3A_240] {strides = array<i32>} : memref<16x128xf32, #tpu.memory_space<vmem>>, vector<16xf32>,
    %max3A_242 = arith.maximumf %max3A_207, %get3A_241 : vector<16xf32>
    %get3A_243 = arith.constant 5 : i32
    %get3A_244 = arith.index_cast %get3A_243 : i32 to index
    %get3A_245 = arith.constant 64 : index
    %get3A_246 = tpu.vector_load %arg14[%get3A_244, %get3A_245] {strides = array<i32>} : memref<16x128xf32, #tpu.memory_space<vmem>>, vector<16xf32>,
    %min3A_247 = arith.minimumf %min3A_212, %get3A_246 : vector<16xf32>
    %get3A_248 = arith.constant 5 : i32
    %get3A_249 = arith.index_cast %get3A_248 : i32 to index
    %get3A_250 = arith.constant 80 : index
    %get3A_251 = tpu.vector_load %arg14[%get3A_249, %get3A_250] {strides = array<i32>} : memref<16x128xf32, #tpu.memory_space<vmem>>, vector<16xf32>,
    %max3A_252 = arith.maximumf %max3A_217, %get3A_251 : vector<16xf32>
    %get3A_253 = arith.constant 5 : i32
    %get3A_254 = arith.index_cast %get3A_253 : i32 to index
    %get3A_255 = arith.constant 96 : index
    %get3A_256 = tpu.vector_load %arg14[%get3A_254, %get3A_255] {strides = array<i32>} : memref<16x128xf32, #tpu.memory_space<vmem>>, vector<16xf32>,
    %add3A_257 = arith.addf %add3A_222, %get3A_256 : vector<16xf32>
    %get3A_258 = arith.constant 6 : i32
    %get3A_259 = arith.index_cast %get3A_258 : i32 to index
    %get3A_260 = arith.constant 0 : index
    %get3A_261 = tpu.vector_load %arg14[%get3A_259, %get3A_260] {strides = array<i32>} : memref<16x128xf32, #tpu.memory_space<vmem>>, vector<16xf32>,
    %min3A_262 = arith.minimumf %min3A_227, %get3A_261 : vector<16xf32>
    %get3A_263 = arith.constant 6 : i32
    %get3A_264 = arith.index_cast %get3A_263 : i32 to index
    %get3A_265 = arith.constant 16 : index
    %get3A_266 = tpu.vector_load %arg14[%get3A_264, %get3A_265] {strides = array<i32>} : memref<16x128xf32, #tpu.memory_space<vmem>>, vector<16xf32>,
    %max3A_267 = arith.maximumf %max3A_232, %get3A_266 : vector<16xf32>
    %get3A_268 = arith.constant 6 : i32
    %get3A_269 = arith.index_cast %get3A_268 : i32 to index
    %get3A_270 = arith.constant 32 : index
    %get3A_271 = tpu.vector_load %arg14[%get3A_269, %get3A_270] {strides = array<i32>} : memref<16x128xf32, #tpu.memory_space<vmem>>, vector<16xf32>,
    %min3A_272 = arith.minimumf %min3A_237, %get3A_271 : vector<16xf32>
    %get3A_273 = arith.constant 6 : i32
    %get3A_274 = arith.index_cast %get3A_273 : i32 to index
    %get3A_275 = arith.constant 48 : index
    %get3A_276 = tpu.vector_load %arg14[%get3A_274, %get3A_275] {strides = array<i32>} : memref<16x128xf32, #tpu.memory_space<vmem>>, vector<16xf32>,
    %max3A_277 = arith.maximumf %max3A_242, %get3A_276 : vector<16xf32>
    %get3A_278 = arith.constant 6 : i32
    %get3A_279 = arith.index_cast %get3A_278 : i32 to index
    %get3A_280 = arith.constant 64 : index
    %get3A_281 = tpu.vector_load %arg14[%get3A_279, %get3A_280] {strides = array<i32>} : memref<16x128xf32, #tpu.memory_space<vmem>>, vector<16xf32>,
    %min3A_282 = arith.minimumf %min3A_247, %get3A_281 : vector<16xf32>
    %get3A_283 = arith.constant 6 : i32
    %get3A_284 = arith.index_cast %get3A_283 : i32 to index
    %get3A_285 = arith.constant 80 : index
    %get3A_286 = tpu.vector_load %arg14[%get3A_284, %get3A_285] {strides = array<i32>} : memref<16x128xf32, #tpu.memory_space<vmem>>, vector<16xf32>,
    %max3A_287 = arith.maximumf %max3A_252, %get3A_286 : vector<16xf32>
    %get3A_288 = arith.constant 6 : i32
    %get3A_289 = arith.index_cast %get3A_288 : i32 to index
    %get3A_290 = arith.constant 96 : index
    %get3A_291 = tpu.vector_load %arg14[%get3A_289, %get3A_290] {strides = array<i32>} : memref<16x128xf32, #tpu.memory_space<vmem>>, vector<16xf32>,
    %add3A_292 = arith.addf %add3A_257, %get3A_291 : vector<16xf32>
    %get3A_293 = arith.constant 7 : i32
    %get3A_294 = arith.index_cast %get3A_293 : i32 to index
    %get3A_295 = arith.constant 0 : index
    %get3A_296 = tpu.vector_load %arg14[%get3A_294, %get3A_295] {strides = array<i32>} : memref<16x128xf32, #tpu.memory_space<vmem>>, vector<16xf32>,
    %min3A_297 = arith.minimumf %min3A_262, %get3A_296 : vector<16xf32>
    %get3A_298 = arith.constant 7 : i32
    %get3A_299 = arith.index_cast %get3A_298 : i32 to index
    %get3A_300 = arith.constant 16 : index
    %get3A_301 = tpu.vector_load %arg14[%get3A_299, %get3A_300] {strides = array<i32>} : memref<16x128xf32, #tpu.memory_space<vmem>>, vector<16xf32>,
    %max3A_302 = arith.maximumf %max3A_267, %get3A_301 : vector<16xf32>
    %get3A_303 = arith.constant 7 : i32
    %get3A_304 = arith.index_cast %get3A_303 : i32 to index
    %get3A_305 = arith.constant 32 : index
    %get3A_306 = tpu.vector_load %arg14[%get3A_304, %get3A_305] {strides = array<i32>} : memref<16x128xf32, #tpu.memory_space<vmem>>, vector<16xf32>,
    %min3A_307 = arith.minimumf %min3A_272, %get3A_306 : vector<16xf32>
    %get3A_308 = arith.constant 7 : i32
    %get3A_309 = arith.index_cast %get3A_308 : i32 to index
    %get3A_310 = arith.constant 48 : index
    %get3A_311 = tpu.vector_load %arg14[%get3A_309, %get3A_310] {strides = array<i32>} : memref<16x128xf32, #tpu.memory_space<vmem>>, vector<16xf32>,
    %max3A_312 = arith.maximumf %max3A_277, %get3A_311 : vector<16xf32>
    %get3A_313 = arith.constant 7 : i32
    %get3A_314 = arith.index_cast %get3A_313 : i32 to index
    %get3A_315 = arith.constant 64 : index
    %get3A_316 = tpu.vector_load %arg14[%get3A_314, %get3A_315] {strides = array<i32>} : memref<16x128xf32, #tpu.memory_space<vmem>>, vector<16xf32>,
    %min3A_317 = arith.minimumf %min3A_282, %get3A_316 : vector<16xf32>
    %get3A_318 = arith.constant 7 : i32
    %get3A_319 = arith.index_cast %get3A_318 : i32 to index
    %get3A_320 = arith.constant 80 : index
    %get3A_321 = tpu.vector_load %arg14[%get3A_319, %get3A_320] {strides = array<i32>} : memref<16x128xf32, #tpu.memory_space<vmem>>, vector<16xf32>,
    %max3A_322 = arith.maximumf %max3A_287, %get3A_321 : vector<16xf32>
    %get3A_323 = arith.constant 7 : i32
    %get3A_324 = arith.index_cast %get3A_323 : i32 to index
    %get3A_325 = arith.constant 96 : index
    %get3A_326 = tpu.vector_load %arg14[%get3A_324, %get3A_325] {strides = array<i32>} : memref<16x128xf32, #tpu.memory_space<vmem>>, vector<16xf32>,
    %add3A_327 = arith.addf %add3A_292, %get3A_326 : vector<16xf32>
    %get3A_328 = arith.constant 8 : i32
    %get3A_329 = arith.index_cast %get3A_328 : i32 to index
    %get3A_330 = arith.constant 0 : index
    %get3A_331 = tpu.vector_load %arg14[%get3A_329, %get3A_330] {strides = array<i32>} : memref<16x128xf32, #tpu.memory_space<vmem>>, vector<16xf32>,
    %min3A_332 = arith.minimumf %min3A_297, %get3A_331 : vector<16xf32>
    %get3A_333 = arith.constant 8 : i32
    %get3A_334 = arith.index_cast %get3A_333 : i32 to index
    %get3A_335 = arith.constant 16 : index
    %get3A_336 = tpu.vector_load %arg14[%get3A_334, %get3A_335] {strides = array<i32>} : memref<16x128xf32, #tpu.memory_space<vmem>>, vector<16xf32>,
    %max3A_337 = arith.maximumf %max3A_302, %get3A_336 : vector<16xf32>
    %get3A_338 = arith.constant 8 : i32
    %get3A_339 = arith.index_cast %get3A_338 : i32 to index
    %get3A_340 = arith.constant 32 : index
    %get3A_341 = tpu.vector_load %arg14[%get3A_339, %get3A_340] {strides = array<i32>} : memref<16x128xf32, #tpu.memory_space<vmem>>, vector<16xf32>,
    %min3A_342 = arith.minimumf %min3A_307, %get3A_341 : vector<16xf32>
    %get3A_343 = arith.constant 8 : i32
    %get3A_344 = arith.index_cast %get3A_343 : i32 to index
    %get3A_345 = arith.constant 48 : index
    %get3A_346 = tpu.vector_load %arg14[%get3A_344, %get3A_345] {strides = array<i32>} : memref<16x128xf32, #tpu.memory_space<vmem>>, vector<16xf32>,
    %max3A_347 = arith.maximumf %max3A_312, %get3A_346 : vector<16xf32>
    %get3A_348 = arith.constant 8 : i32
    %get3A_349 = arith.index_cast %get3A_348 : i32 to index
    %get3A_350 = arith.constant 64 : index
    %get3A_351 = tpu.vector_load %arg14[%get3A_349, %get3A_350] {strides = array<i32>} : memref<16x128xf32, #tpu.memory_space<vmem>>, vector<16xf32>,
    %min3A_352 = arith.minimumf %min3A_317, %get3A_351 : vector<16xf32>
    %get3A_353 = arith.constant 8 : i32
    %get3A_354 = arith.index_cast %get3A_353 : i32 to index
    %get3A_355 = arith.constant 80 : index
    %get3A_356 = tpu.vector_load %arg14[%get3A_354, %get3A_355] {strides = array<i32>} : memref<16x128xf32, #tpu.memory_space<vmem>>, vector<16xf32>,
    %max3A_357 = arith.maximumf %max3A_322, %get3A_356 : vector<16xf32>
    %get3A_358 = arith.constant 8 : i32
    %get3A_359 = arith.index_cast %get3A_358 : i32 to index
    %get3A_360 = arith.constant 96 : index
    %get3A_361 = tpu.vector_load %arg14[%get3A_359, %get3A_360] {strides = array<i32>} : memref<16x128xf32, #tpu.memory_space<vmem>>, vector<16xf32>,
    %add3A_362 = arith.addf %add3A_327, %get3A_361 : vector<16xf32>
    %get3A_363 = arith.constant 9 : i32
    %get3A_364 = arith.index_cast %get3A_363 : i32 to index
    %get3A_365 = arith.constant 0 : index
    %get3A_366 = tpu.vector_load %arg14[%get3A_364, %get3A_365] {strides = array<i32>} : memref<16x128xf32, #tpu.memory_space<vmem>>, vector<16xf32>,
    %min3A_367 = arith.minimumf %min3A_332, %get3A_366 : vector<16xf32>
    %get3A_368 = arith.constant 9 : i32
    %get3A_369 = arith.index_cast %get3A_368 : i32 to index
    %get3A_370 = arith.constant 16 : index
    %get3A_371 = tpu.vector_load %arg14[%get3A_369, %get3A_370] {strides = array<i32>} : memref<16x128xf32, #tpu.memory_space<vmem>>, vector<16xf32>,
    %max3A_372 = arith.maximumf %max3A_337, %get3A_371 : vector<16xf32>
    %get3A_373 = arith.constant 9 : i32
    %get3A_374 = arith.index_cast %get3A_373 : i32 to index
    %get3A_375 = arith.constant 32 : index
    %get3A_376 = tpu.vector_load %arg14[%get3A_374, %get3A_375] {strides = array<i32>} : memref<16x128xf32, #tpu.memory_space<vmem>>, vector<16xf32>,
    %min3A_377 = arith.minimumf %min3A_342, %get3A_376 : vector<16xf32>
    %get3A_378 = arith.constant 9 : i32
    %get3A_379 = arith.index_cast %get3A_378 : i32 to index
    %get3A_380 = arith.constant 48 : index
    %get3A_381 = tpu.vector_load %arg14[%get3A_379, %get3A_380] {strides = array<i32>} : memref<16x128xf32, #tpu.memory_space<vmem>>, vector<16xf32>,
    %max3A_382 = arith.maximumf %max3A_347, %get3A_381 : vector<16xf32>
    %get3A_383 = arith.constant 9 : i32
    %get3A_384 = arith.index_cast %get3A_383 : i32 to index
    %get3A_385 = arith.constant 64 : index
    %get3A_386 = tpu.vector_load %arg14[%get3A_384, %get3A_385] {strides = array<i32>} : memref<16x128xf32, #tpu.memory_space<vmem>>, vector<16xf32>,
    %min3A_387 = arith.minimumf %min3A_352, %get3A_386 : vector<16xf32>
    %get3A_388 = arith.constant 9 : i32
    %get3A_389 = arith.index_cast %get3A_388 : i32 to index
    %get3A_390 = arith.constant 80 : index
    %get3A_391 = tpu.vector_load %arg14[%get3A_389, %get3A_390] {strides = array<i32>} : memref<16x128xf32, #tpu.memory_space<vmem>>, vector<16xf32>,
    %max3A_392 = arith.maximumf %max3A_357, %get3A_391 : vector<16xf32>
    %get3A_393 = arith.constant 9 : i32
    %get3A_394 = arith.index_cast %get3A_393 : i32 to index
    %get3A_395 = arith.constant 96 : index
    %get3A_396 = tpu.vector_load %arg14[%get3A_394, %get3A_395] {strides = array<i32>} : memref<16x128xf32, #tpu.memory_space<vmem>>, vector<16xf32>,
    %add3A_397 = arith.addf %add3A_362, %get3A_396 : vector<16xf32>
    %get3A_398 = arith.constant 10 : i32
    %get3A_399 = arith.index_cast %get3A_398 : i32 to index
    %get3A_400 = arith.constant 0 : index
    %get3A_401 = tpu.vector_load %arg14[%get3A_399, %get3A_400] {strides = array<i32>} : memref<16x128xf32, #tpu.memory_space<vmem>>, vector<16xf32>,
    %min3A_402 = arith.minimumf %min3A_367, %get3A_401 : vector<16xf32>
    %get3A_403 = arith.constant 10 : i32
    %get3A_404 = arith.index_cast %get3A_403 : i32 to index
    %get3A_405 = arith.constant 16 : index
    %get3A_406 = tpu.vector_load %arg14[%get3A_404, %get3A_405] {strides = array<i32>} : memref<16x128xf32, #tpu.memory_space<vmem>>, vector<16xf32>,
    %max3A_407 = arith.maximumf %max3A_372, %get3A_406 : vector<16xf32>
    %get3A_408 = arith.constant 10 : i32
    %get3A_409 = arith.index_cast %get3A_408 : i32 to index
    %get3A_410 = arith.constant 32 : index
    %get3A_411 = tpu.vector_load %arg14[%get3A_409, %get3A_410] {strides = array<i32>} : memref<16x128xf32, #tpu.memory_space<vmem>>, vector<16xf32>,
    %min3A_412 = arith.minimumf %min3A_377, %get3A_411 : vector<16xf32>
    %get3A_413 = arith.constant 10 : i32
    %get3A_414 = arith.index_cast %get3A_413 : i32 to index
    %get3A_415 = arith.constant 48 : index
    %get3A_416 = tpu.vector_load %arg14[%get3A_414, %get3A_415] {strides = array<i32>} : memref<16x128xf32, #tpu.memory_space<vmem>>, vector<16xf32>,
    %max3A_417 = arith.maximumf %max3A_382, %get3A_416 : vector<16xf32>
    %get3A_418 = arith.constant 10 : i32
    %get3A_419 = arith.index_cast %get3A_418 : i32 to index
    %get3A_420 = arith.constant 64 : index
    %get3A_421 = tpu.vector_load %arg14[%get3A_419, %get3A_420] {strides = array<i32>} : memref<16x128xf32, #tpu.memory_space<vmem>>, vector<16xf32>,
    %min3A_422 = arith.minimumf %min3A_387, %get3A_421 : vector<16xf32>
    %get3A_423 = arith.constant 10 : i32
    %get3A_424 = arith.index_cast %get3A_423 : i32 to index
    %get3A_425 = arith.constant 80 : index
    %get3A_426 = tpu.vector_load %arg14[%get3A_424, %get3A_425] {strides = array<i32>} : memref<16x128xf32, #tpu.memory_space<vmem>>, vector<16xf32>,
    %max3A_427 = arith.maximumf %max3A_392, %get3A_426 : vector<16xf32>
    %get3A_428 = arith.constant 10 : i32
    %get3A_429 = arith.index_cast %get3A_428 : i32 to index
    %get3A_430 = arith.constant 96 : index
    %get3A_431 = tpu.vector_load %arg14[%get3A_429, %get3A_430] {strides = array<i32>} : memref<16x128xf32, #tpu.memory_space<vmem>>, vector<16xf32>,
    %add3A_432 = arith.addf %add3A_397, %get3A_431 : vector<16xf32>
    %get3A_433 = arith.constant 11 : i32
    %get3A_434 = arith.index_cast %get3A_433 : i32 to index
    %get3A_435 = arith.constant 0 : index
    %get3A_436 = tpu.vector_load %arg14[%get3A_434, %get3A_435] {strides = array<i32>} : memref<16x128xf32, #tpu.memory_space<vmem>>, vector<16xf32>,
    %min3A_437 = arith.minimumf %min3A_402, %get3A_436 : vector<16xf32>
    %get3A_438 = arith.constant 11 : i32
    %get3A_439 = arith.index_cast %get3A_438 : i32 to index
    %get3A_440 = arith.constant 16 : index
    %get3A_441 = tpu.vector_load %arg14[%get3A_439, %get3A_440] {strides = array<i32>} : memref<16x128xf32, #tpu.memory_space<vmem>>, vector<16xf32>,
    %max3A_442 = arith.maximumf %max3A_407, %get3A_441 : vector<16xf32>
    %get3A_443 = arith.constant 11 : i32
    %get3A_444 = arith.index_cast %get3A_443 : i32 to index
    %get3A_445 = arith.constant 32 : index
    %get3A_446 = tpu.vector_load %arg14[%get3A_444, %get3A_445] {strides = array<i32>} : memref<16x128xf32, #tpu.memory_space<vmem>>, vector<16xf32>,
    %min3A_447 = arith.minimumf %min3A_412, %get3A_446 : vector<16xf32>
    %get3A_448 = arith.constant 11 : i32
    %get3A_449 = arith.index_cast %get3A_448 : i32 to index
    %get3A_450 = arith.constant 48 : index
    %get3A_451 = tpu.vector_load %arg14[%get3A_449, %get3A_450] {strides = array<i32>} : memref<16x128xf32, #tpu.memory_space<vmem>>, vector<16xf32>,
    %max3A_452 = arith.maximumf %max3A_417, %get3A_451 : vector<16xf32>
    %get3A_453 = arith.constant 11 : i32
    %get3A_454 = arith.index_cast %get3A_453 : i32 to index
    %get3A_455 = arith.constant 64 : index
    %get3A_456 = tpu.vector_load %arg14[%get3A_454, %get3A_455] {strides = array<i32>} : memref<16x128xf32, #tpu.memory_space<vmem>>, vector<16xf32>,
    %min3A_457 = arith.minimumf %min3A_422, %get3A_456 : vector<16xf32>
    %get3A_458 = arith.constant 11 : i32
    %get3A_459 = arith.index_cast %get3A_458 : i32 to index
    %get3A_460 = arith.constant 80 : index
    %get3A_461 = tpu.vector_load %arg14[%get3A_459, %get3A_460] {strides = array<i32>} : memref<16x128xf32, #tpu.memory_space<vmem>>, vector<16xf32>,
    %max3A_462 = arith.maximumf %max3A_427, %get3A_461 : vector<16xf32>
    %get3A_463 = arith.constant 11 : i32
    %get3A_464 = arith.index_cast %get3A_463 : i32 to index
    %get3A_465 = arith.constant 96 : index
    %get3A_466 = tpu.vector_load %arg14[%get3A_464, %get3A_465] {strides = array<i32>} : memref<16x128xf32, #tpu.memory_space<vmem>>, vector<16xf32>,
    %add3A_467 = arith.addf %add3A_432, %get3A_466 : vector<16xf32>
    %get3A_468 = arith.constant 12 : i32
    %get3A_469 = arith.index_cast %get3A_468 : i32 to index
    %get3A_470 = arith.constant 0 : index
    %get3A_471 = tpu.vector_load %arg14[%get3A_469, %get3A_470] {strides = array<i32>} : memref<16x128xf32, #tpu.memory_space<vmem>>, vector<16xf32>,
    %min3A_472 = arith.minimumf %min3A_437, %get3A_471 : vector<16xf32>
    %get3A_473 = arith.constant 12 : i32
    %get3A_474 = arith.index_cast %get3A_473 : i32 to index
    %get3A_475 = arith.constant 16 : index
    %get3A_476 = tpu.vector_load %arg14[%get3A_474, %get3A_475] {strides = array<i32>} : memref<16x128xf32, #tpu.memory_space<vmem>>, vector<16xf32>,
    %max3A_477 = arith.maximumf %max3A_442, %get3A_476 : vector<16xf32>
    %get3A_478 = arith.constant 12 : i32
    %get3A_479 = arith.index_cast %get3A_478 : i32 to index
    %get3A_480 = arith.constant 32 : index
    %get3A_481 = tpu.vector_load %arg14[%get3A_479, %get3A_480] {strides = array<i32>} : memref<16x128xf32, #tpu.memory_space<vmem>>, vector<16xf32>,
    %min3A_482 = arith.minimumf %min3A_447, %get3A_481 : vector<16xf32>
    %get3A_483 = arith.constant 12 : i32
    %get3A_484 = arith.index_cast %get3A_483 : i32 to index
    %get3A_485 = arith.constant 48 : index
    %get3A_486 = tpu.vector_load %arg14[%get3A_484, %get3A_485] {strides = array<i32>} : memref<16x128xf32, #tpu.memory_space<vmem>>, vector<16xf32>,
    %max3A_487 = arith.maximumf %max3A_452, %get3A_486 : vector<16xf32>
    %get3A_488 = arith.constant 12 : i32
    %get3A_489 = arith.index_cast %get3A_488 : i32 to index
    %get3A_490 = arith.constant 64 : index
    %get3A_491 = tpu.vector_load %arg14[%get3A_489, %get3A_490] {strides = array<i32>} : memref<16x128xf32, #tpu.memory_space<vmem>>, vector<16xf32>,
    %min3A_492 = arith.minimumf %min3A_457, %get3A_491 : vector<16xf32>
    %get3A_493 = arith.constant 12 : i32
    %get3A_494 = arith.index_cast %get3A_493 : i32 to index
    %get3A_495 = arith.constant 80 : index
    %get3A_496 = tpu.vector_load %arg14[%get3A_494, %get3A_495] {strides = array<i32>} : memref<16x128xf32, #tpu.memory_space<vmem>>, vector<16xf32>,
    %max3A_497 = arith.maximumf %max3A_462, %get3A_496 : vector<16xf32>
    %get3A_498 = arith.constant 12 : i32
    %get3A_499 = arith.index_cast %get3A_498 : i32 to index
    %get3A_500 = arith.constant 96 : index
    %get3A_501 = tpu.vector_load %arg14[%get3A_499, %get3A_500] {strides = array<i32>} : memref<16x128xf32, #tpu.memory_space<vmem>>, vector<16xf32>,
    %add3A_502 = arith.addf %add3A_467, %get3A_501 : vector<16xf32>
    %get3A_503 = arith.constant 13 : i32
    %get3A_504 = arith.index_cast %get3A_503 : i32 to index
    %get3A_505 = arith.constant 0 : index
    %get3A_506 = tpu.vector_load %arg14[%get3A_504, %get3A_505] {strides = array<i32>} : memref<16x128xf32, #tpu.memory_space<vmem>>, vector<16xf32>,
    %min3A_507 = arith.minimumf %min3A_472, %get3A_506 : vector<16xf32>
    %get3A_508 = arith.constant 13 : i32
    %get3A_509 = arith.index_cast %get3A_508 : i32 to index
    %get3A_510 = arith.constant 16 : index
    %get3A_511 = tpu.vector_load %arg14[%get3A_509, %get3A_510] {strides = array<i32>} : memref<16x128xf32, #tpu.memory_space<vmem>>, vector<16xf32>,
    %max3A_512 = arith.maximumf %max3A_477, %get3A_511 : vector<16xf32>
    %get3A_513 = arith.constant 13 : i32
    %get3A_514 = arith.index_cast %get3A_513 : i32 to index
    %get3A_515 = arith.constant 32 : index
    %get3A_516 = tpu.vector_load %arg14[%get3A_514, %get3A_515] {strides = array<i32>} : memref<16x128xf32, #tpu.memory_space<vmem>>, vector<16xf32>,
    %min3A_517 = arith.minimumf %min3A_482, %get3A_516 : vector<16xf32>
    %get3A_518 = arith.constant 13 : i32
    %get3A_519 = arith.index_cast %get3A_518 : i32 to index
    %get3A_520 = arith.constant 48 : index
    %get3A_521 = tpu.vector_load %arg14[%get3A_519, %get3A_520] {strides = array<i32>} : memref<16x128xf32, #tpu.memory_space<vmem>>, vector<16xf32>,
    %max3A_522 = arith.maximumf %max3A_487, %get3A_521 : vector<16xf32>
    %get3A_523 = arith.constant 13 : i32
    %get3A_524 = arith.index_cast %get3A_523 : i32 to index
    %get3A_525 = arith.constant 64 : index
    %get3A_526 = tpu.vector_load %arg14[%get3A_524, %get3A_525] {strides = array<i32>} : memref<16x128xf32, #tpu.memory_space<vmem>>, vector<16xf32>,
    %min3A_527 = arith.minimumf %min3A_492, %get3A_526 : vector<16xf32>
    %get3A_528 = arith.constant 13 : i32
    %get3A_529 = arith.index_cast %get3A_528 : i32 to index
    %get3A_530 = arith.constant 80 : index
    %get3A_531 = tpu.vector_load %arg14[%get3A_529, %get3A_530] {strides = array<i32>} : memref<16x128xf32, #tpu.memory_space<vmem>>, vector<16xf32>,
    %max3A_532 = arith.maximumf %max3A_497, %get3A_531 : vector<16xf32>
    %get3A_533 = arith.constant 13 : i32
    %get3A_534 = arith.index_cast %get3A_533 : i32 to index
    %get3A_535 = arith.constant 96 : index
    %get3A_536 = tpu.vector_load %arg14[%get3A_534, %get3A_535] {strides = array<i32>} : memref<16x128xf32, #tpu.memory_space<vmem>>, vector<16xf32>,
    %add3A_537 = arith.addf %add3A_502, %get3A_536 : vector<16xf32>
    %get3A_538 = arith.constant 14 : i32
    %get3A_539 = arith.index_cast %get3A_538 : i32 to index
    %get3A_540 = arith.constant 0 : index
    %get3A_541 = tpu.vector_load %arg14[%get3A_539, %get3A_540] {strides = array<i32>} : memref<16x128xf32, #tpu.memory_space<vmem>>, vector<16xf32>,
    %min3A_542 = arith.minimumf %min3A_507, %get3A_541 : vector<16xf32>
    %get3A_543 = arith.constant 14 : i32
    %get3A_544 = arith.index_cast %get3A_543 : i32 to index
    %get3A_545 = arith.constant 16 : index
    %get3A_546 = tpu.vector_load %arg14[%get3A_544, %get3A_545] {strides = array<i32>} : memref<16x128xf32, #tpu.memory_space<vmem>>, vector<16xf32>,
    %max3A_547 = arith.maximumf %max3A_512, %get3A_546 : vector<16xf32>
    %get3A_548 = arith.constant 14 : i32
    %get3A_549 = arith.index_cast %get3A_548 : i32 to index
    %get3A_550 = arith.constant 32 : index
    %get3A_551 = tpu.vector_load %arg14[%get3A_549, %get3A_550] {strides = array<i32>} : memref<16x128xf32, #tpu.memory_space<vmem>>, vector<16xf32>,
    %min3A_552 = arith.minimumf %min3A_517, %get3A_551 : vector<16xf32>
    %get3A_553 = arith.constant 14 : i32
    %get3A_554 = arith.index_cast %get3A_553 : i32 to index
    %get3A_555 = arith.constant 48 : index
    %get3A_556 = tpu.vector_load %arg14[%get3A_554, %get3A_555] {strides = array<i32>} : memref<16x128xf32, #tpu.memory_space<vmem>>, vector<16xf32>,
    %max3A_557 = arith.maximumf %max3A_522, %get3A_556 : vector<16xf32>
    %get3A_558 = arith.constant 14 : i32
    %get3A_559 = arith.index_cast %get3A_558 : i32 to index
    %get3A_560 = arith.constant 64 : index
    %get3A_561 = tpu.vector_load %arg14[%get3A_559, %get3A_560] {strides = array<i32>} : memref<16x128xf32, #tpu.memory_space<vmem>>, vector<16xf32>,
    %min3A_562 = arith.minimumf %min3A_527, %get3A_561 : vector<16xf32>
    %get3A_563 = arith.constant 14 : i32
    %get3A_564 = arith.index_cast %get3A_563 : i32 to index
    %get3A_565 = arith.constant 80 : index
    %get3A_566 = tpu.vector_load %arg14[%get3A_564, %get3A_565] {strides = array<i32>} : memref<16x128xf32, #tpu.memory_space<vmem>>, vector<16xf32>,
    %max3A_567 = arith.maximumf %max3A_532, %get3A_566 : vector<16xf32>
    %get3A_568 = arith.constant 14 : i32
    %get3A_569 = arith.index_cast %get3A_568 : i32 to index
    %get3A_570 = arith.constant 96 : index
    %get3A_571 = tpu.vector_load %arg14[%get3A_569, %get3A_570] {strides = array<i32>} : memref<16x128xf32, #tpu.memory_space<vmem>>, vector<16xf32>,
    %add3A_572 = arith.addf %add3A_537, %get3A_571 : vector<16xf32>
    %get3A_573 = arith.constant 15 : i32
    %get3A_574 = arith.index_cast %get3A_573 : i32 to index
    %get3A_575 = arith.constant 0 : index
    %get3A_576 = tpu.vector_load %arg14[%get3A_574, %get3A_575] {strides = array<i32>} : memref<16x128xf32, #tpu.memory_space<vmem>>, vector<16xf32>,
    %min3A_577 = arith.minimumf %min3A_542, %get3A_576 : vector<16xf32>
    %get3A_578 = arith.constant 15 : i32
    %get3A_579 = arith.index_cast %get3A_578 : i32 to index
    %get3A_580 = arith.constant 16 : index
    %get3A_581 = tpu.vector_load %arg14[%get3A_579, %get3A_580] {strides = array<i32>} : memref<16x128xf32, #tpu.memory_space<vmem>>, vector<16xf32>,
    %max3A_582 = arith.maximumf %max3A_547, %get3A_581 : vector<16xf32>
    %get3A_583 = arith.constant 15 : i32
    %get3A_584 = arith.index_cast %get3A_583 : i32 to index
    %get3A_585 = arith.constant 32 : index
    %get3A_586 = tpu.vector_load %arg14[%get3A_584, %get3A_585] {strides = array<i32>} : memref<16x128xf32, #tpu.memory_space<vmem>>, vector<16xf32>,
    %min3A_587 = arith.minimumf %min3A_552, %get3A_586 : vector<16xf32>
    %get3A_588 = arith.constant 15 : i32
    %get3A_589 = arith.index_cast %get3A_588 : i32 to index
    %get3A_590 = arith.constant 48 : index
    %get3A_591 = tpu.vector_load %arg14[%get3A_589, %get3A_590] {strides = array<i32>} : memref<16x128xf32, #tpu.memory_space<vmem>>, vector<16xf32>,
    %max3A_592 = arith.maximumf %max3A_557, %get3A_591 : vector<16xf32>
    %get3A_593 = arith.constant 15 : i32
    %get3A_594 = arith.index_cast %get3A_593 : i32 to index
    %get3A_595 = arith.constant 64 : index
    %get3A_596 = tpu.vector_load %arg14[%get3A_594, %get3A_595] {strides = array<i32>} : memref<16x128xf32, #tpu.memory_space<vmem>>, vector<16xf32>,
    %min3A_597 = arith.minimumf %min3A_562, %get3A_596 : vector<16xf32>
    %get3A_598 = arith.constant 15 : i32
    %get3A_599 = arith.index_cast %get3A_598 : i32 to index
    %get3A_600 = arith.constant 80 : index
    %get3A_601 = tpu.vector_load %arg14[%get3A_599, %get3A_600] {strides = array<i32>} : memref<16x128xf32, #tpu.memory_space<vmem>>, vector<16xf32>,
    %max3A_602 = arith.maximumf %max3A_567, %get3A_601 : vector<16xf32>
    %get3A_603 = arith.constant 15 : i32
    %get3A_604 = arith.index_cast %get3A_603 : i32 to index
    %get3A_605 = arith.constant 96 : index
    %get3A_606 = tpu.vector_load %arg14[%get3A_604, %get3A_605] {strides = array<i32>} : memref<16x128xf32, #tpu.memory_space<vmem>>, vector<16xf32>,
    %add3A_607 = arith.addf %add3A_572, %get3A_606 : vector<16xf32>
    %broadcast_in_dim3A_608 = arith.constant 3.000000e+01 : f32
    %broadcast_in_dim3A_609 = vector.broadcast %broadcast_in_dim3A_608 : f32 to vector<16xf32>
    %sub3A = arith.subf %max3A_582, %min3A_577 : vector<16xf32>
    %max3A_610 = arith.constant 9.99999996E-13 : f32
    %max3A_611 = vector.broadcast %max3A_610 : f32 to vector<16xf32>
    %max3A_612 = arith.maximumf %sub3A, %max3A_611 : vector<16xf32>
    %div3A = arith.divf %broadcast_in_dim3A_609, %max3A_612 : vector<16xf32>
    %sub3A_613 = arith.subf %max3A_592, %min3A_587 : vector<16xf32>
    %max3A_614 = arith.constant 9.99999996E-13 : f32
    %max3A_615 = vector.broadcast %max3A_614 : f32 to vector<16xf32>
    %max3A_616 = arith.maximumf %sub3A_613, %max3A_615 : vector<16xf32>
    %div3A_617 = arith.divf %broadcast_in_dim3A_609, %max3A_616 : vector<16xf32>
    %reduce_min3A = arith.constant true
    %reduce_min3A_618 = vector.broadcast %reduce_min3A : i1 to vector<16xi1>
    %reduce_min3A_619 = tpu.scan <min>, %min3A_597 masked %reduce_min3A_618 : vector<16xf32>, vector<16xi1> -> vector<16xf32>
    %reduce_min3A_620 = vector.extract %reduce_min3A_619[15] : f32 from vector<16xf32>
    %reduce_max3A = arith.constant true
    %reduce_max3A_621 = vector.broadcast %reduce_max3A : i1 to vector<16xi1>
    %reduce_max3A_622 = tpu.scan <max>, %max3A_602 masked %reduce_max3A_621 : vector<16xf32>, vector<16xi1> -> vector<16xf32>
    %reduce_max3A_623 = vector.extract %reduce_max3A_622[15] : f32 from vector<16xf32>
    %sub3A_624 = arith.subf %reduce_max3A_623, %reduce_min3A_620 : f32
    %max3A_625 = arith.constant 9.99999996E-13 : f32
    %max3A_626 = arith.maximumf %sub3A_624, %max3A_625 : f32
    %broadcast_in_dim3A_627 = vector.broadcast %max3A_626 : f32 to vector<16xf32>
    %div3A_628 = arith.divf %broadcast_in_dim3A_609, %broadcast_in_dim3A_627 : vector<16xf32>
    %slice3A = vector.extract_strided_slice %div3A_628 {offsets = [0], sizes = [1], strides = [1]} : vector<16xf32> to vector<1xf32>
    %squeeze3A = vector.extract %slice3A[0] : f32 from vector<1xf32>
    %eq3A_629 = arith.constant 0 : i32
    %eq3A_630 = arith.cmpi eq, %arg1, %eq3A_629 : i32
    %convert_element_type3A_631 = arith.extui %eq3A_630 : i1 to i32
    %cond3A_632 = arith.constant 0 : i32
    %cond3A_633 = arith.cmpi ne, %convert_element_type3A_631, %cond3A_632 : i32
    scf.if %cond3A_633 {
      %swap3A_887 = arith.constant 0 : index
      %swap3A_888 = tpu.vector_load %arg13[%swap3A_887] {strides = array<i32>} : memref<128xf32, #tpu.memory_space<vmem>>, vector<16xf32>,
      tpu.vector_store %arg13[%swap3A_887], %add3A_607 {strides = array<i32>} : memref<128xf32, #tpu.memory_space<vmem>>, vector<16xf32>,
      "tpu.region"() ({
        %run_scoped3A = tpu.sem_alloc : memref<!tpu.dma_semaphore, #tpu.memory_space<semaphore_mem>>
        %dma_start3A = arith.constant 0 : i32
        %dma_start3A_889 = tpu.memref_slice %arg7[%arg0, %dma_start3A] : memref<2x128xf32, #tpu.memory_space<hbm>> -> memref<1x128xf32, #tpu.memory_space<hbm>>
        %dma_start3A_890 = tpu.memref_squeeze %dma_start3A_889 : memref<1x128xf32, #tpu.memory_space<hbm>> -> memref<128xf32, #tpu.memory_space<hbm>>
        %dma_start3A_891 = arith.constant 0 : i32
        %dma_start3A_892 = tpu.memref_slice %arg7[%arg0, %dma_start3A_891] : memref<2x128xf32, #tpu.memory_space<hbm>> -> memref<1x128xf32, #tpu.memory_space<hbm>>
        %dma_start3A_893 = tpu.memref_squeeze %dma_start3A_892 : memref<1x128xf32, #tpu.memory_space<hbm>> -> memref<128xf32, #tpu.memory_space<hbm>>
        tpu.enqueue_dma source(%arg13 : memref<128xf32, #tpu.memory_space<vmem>>) target(%dma_start3A_893 : memref<128xf32, #tpu.memory_space<hbm>>) target_semaphore(%run_scoped3A : memref<!tpu.dma_semaphore, #tpu.memory_space<semaphore_mem>>)
        %dma_wait3A = arith.constant 0 : i32
        %dma_wait3A_894 = tpu.memref_slice %arg7[%arg0, %dma_wait3A] : memref<2x128xf32, #tpu.memory_space<hbm>> -> memref<1x128xf32, #tpu.memory_space<hbm>>
        %dma_wait3A_895 = tpu.memref_squeeze %dma_wait3A_894 : memref<1x128xf32, #tpu.memory_space<hbm>> -> memref<128xf32, #tpu.memory_space<hbm>>
        %dma_wait3A_896 = arith.constant 0 : i32
        %dma_wait3A_897 = tpu.memref_slice %arg7[%arg0, %dma_wait3A_896] : memref<2x128xf32, #tpu.memory_space<hbm>> -> memref<1x128xf32, #tpu.memory_space<hbm>>
        %dma_wait3A_898 = tpu.memref_squeeze %dma_wait3A_897 : memref<1x128xf32, #tpu.memory_space<hbm>> -> memref<128xf32, #tpu.memory_space<hbm>>
        tpu.wait_dma2 semaphore(%run_scoped3A : memref<!tpu.dma_semaphore, #tpu.memory_space<semaphore_mem>>) src(%arg13 : memref<128xf32, #tpu.memory_space<vmem>>) dst(%dma_wait3A_898 : memref<128xf32, #tpu.memory_space<hbm>>)
        tpu.yield
      }) : () -> ()
    } else {
    }
    %iota3A = tpu.iota {dimensions = array<i32: 0>} : vector<16xi32>
    %mul3A_634 = arith.constant 1025 : i32
    %mul3A_635 = vector.broadcast %mul3A_634 : i32 to vector<16xi32>
    %mul3A_636 = arith.muli %iota3A, %mul3A_635 : vector<16xi32>
    %add3A_637 = arith.constant 16400 : i32
    %add3A_638 = vector.broadcast %add3A_637 : i32 to vector<16xi32>
    %add3A_639 = arith.addi %mul3A_636, %add3A_638 : vector<16xi32>
    %broadcast_in_dim3A_640 = arith.constant 1.000000e+00 : f32
    %broadcast_in_dim3A_641 = vector.broadcast %broadcast_in_dim3A_640 : f32 to vector<16xf32>
    %scan3A = arith.constant 0 : i32
    %scan3A_642 = arith.constant 0 : i32
    %scan3A_643 = arith.constant 2050 : i32
    %scan3A_644 = arith.addi %scan3A_642, %scan3A_643 : i32
    %scan3A_645 = arith.constant 1 : i32
    %scan3A_646 = scf.for %scan3A_887 = %scan3A_642 to %scan3A_644 step %scan3A_645 iter_args(%scan3A_888 = %scan3A) -> (i32)  : i32 {
      %broadcast_in_dim3A_889 = arith.constant 0.000000e+00 : f32
      %broadcast_in_dim3A_890 = vector.broadcast %broadcast_in_dim3A_889 : f32 to vector<16xf32>
      %mul3A_891 = arith.constant 16 : i32
      %mul3A_892 = arith.muli %scan3A_887, %mul3A_891 : i32
      %swap3A_893 = arith.index_cast %mul3A_892 : i32 to index
      %swap3A_894 = tpu.vector_load %arg12[%swap3A_893] {strides = array<i32>} : memref<32800xf32, #tpu.memory_space<vmem>>, vector<16xf32>,
      tpu.vector_store %arg12[%swap3A_893], %broadcast_in_dim3A_890 {strides = array<i32>} : memref<32800xf32, #tpu.memory_space<vmem>>, vector<16xf32>,
      %scan3A_895 = arith.constant 0 : i32
      scf.yield %scan3A_895 : i32
    }
    %scan3A_647 = arith.constant 2050 : i32
    %lt3A_648 = arith.constant 1 : i32
    %lt3A_649 = arith.cmpi slt, %add3A, %lt3A_648 : i32
    %jit3A_650 = arith.constant 4 : i32
    %jit3A_651 = arith.constant 3 : i32
    %select_n3A_652 = arith.select %lt3A_649, %jit3A_650, %jit3A_651 : i32
    %while3A_653 = arith.constant 0 : i32
    %while3A_654 = arith.constant 0 : i32
    %while3A_655 = arith.subi %select_n3A_652, %while3A_653 : i32
    %while3A_656 = arith.addi %while3A_653, %while3A_655 : i32
    %while3A_657 = arith.constant 1 : i32
    %while3A_658 = arith.divsi %while3A_655, %while3A_657 : i32
    %while3A_659 = arith.muli %while3A_658, %while3A_657 : i32
    %while3A_660 = arith.addi %while3A_653, %while3A_659 : i32
    %while3A_661 = arith.constant 1 : i32
    %while3A_662 = scf.for %while3A_887 = %while3A_653 to %while3A_660 step %while3A_661 iter_args(%while3A_888 = %while3A_654) -> (i32)  : i32 {
      %mul3A_889 = arith.constant 32 : i32
      %mul3A_890 = arith.muli %mul3A_889, %while3A_887 : i32
      %add3A_891 = arith.addi %add3A, %mul3A_890 : i32
      %mul3A_892 = arith.constant 2048 : i32
      %mul3A_893 = arith.muli %add3A_891, %mul3A_892 : i32
      %dma_start3A = arith.constant 0 : i32
      %dma_start3A_894 = tpu.memref_slice %arg9[%dma_start3A] : memref<2048xf32, #tpu.memory_space<vmem>> -> memref<2048xf32, #tpu.memory_space<vmem>>
      %dma_start3A_895 = tpu.memref_slice %arg3[%mul3A_893] : memref<200000xf32, #tpu.memory_space<hbm>> -> memref<2048xf32, #tpu.memory_space<hbm>>
      %dma_start3A_896 = arith.constant 0 : i32
      %dma_start3A_897 = tpu.memref_slice %arg9[%dma_start3A_896] : memref<2048xf32, #tpu.memory_space<vmem>> -> memref<2048xf32, #tpu.memory_space<vmem>>
      %dma_start3A_898 = tpu.memref_slice %arg3[%mul3A_893] : memref<200000xf32, #tpu.memory_space<hbm>> -> memref<2048xf32, #tpu.memory_space<hbm>>
      tpu.enqueue_dma source(%dma_start3A_898 : memref<2048xf32, #tpu.memory_space<hbm>>) target(%dma_start3A_897 : memref<2048xf32, #tpu.memory_space<vmem>>) target_semaphore(%arg16 : memref<!tpu.dma_semaphore, #tpu.memory_space<semaphore_mem>>)
      %dma_start3A_899 = arith.constant 0 : i32
      %dma_start3A_900 = arith.constant 0 : i32
      %dma_start3A_901 = tpu.memref_slice %arg10[%dma_start3A_899, %dma_start3A_900] : memref<2048x16xf32, #tpu.memory_space<vmem>> -> memref<2048x16xf32, #tpu.memory_space<vmem>>
      %dma_start3A_902 = arith.constant 0 : i32
      %dma_start3A_903 = tpu.memref_slice %arg4[%mul3A_893, %dma_start3A_902] : memref<200000x16xf32, #tpu.memory_space<hbm>> -> memref<2048x16xf32, #tpu.memory_space<hbm>>
      %dma_start3A_904 = arith.constant 0 : i32
      %dma_start3A_905 = arith.constant 0 : i32
      %dma_start3A_906 = tpu.memref_slice %arg10[%dma_start3A_904, %dma_start3A_905] : memref<2048x16xf32, #tpu.memory_space<vmem>> -> memref<2048x16xf32, #tpu.memory_space<vmem>>
      %dma_start3A_907 = arith.constant 0 : i32
      %dma_start3A_908 = tpu.memref_slice %arg4[%mul3A_893, %dma_start3A_907] : memref<200000x16xf32, #tpu.memory_space<hbm>> -> memref<2048x16xf32, #tpu.memory_space<hbm>>
      tpu.enqueue_dma source(%dma_start3A_908 : memref<2048x16xf32, #tpu.memory_space<hbm>>) target(%dma_start3A_906 : memref<2048x16xf32, #tpu.memory_space<vmem>>) target_semaphore(%arg16 : memref<!tpu.dma_semaphore, #tpu.memory_space<semaphore_mem>>)
      %dma_start3A_909 = arith.constant 0 : i32
      %dma_start3A_910 = arith.constant 0 : i32
      %dma_start3A_911 = tpu.memref_slice %arg11[%dma_start3A_909, %dma_start3A_910] : memref<2048x16xf32, #tpu.memory_space<vmem>> -> memref<2048x16xf32, #tpu.memory_space<vmem>>
      %dma_start3A_912 = arith.constant 0 : i32
      %dma_start3A_913 = tpu.memref_slice %arg5[%mul3A_893, %dma_start3A_912] : memref<200000x16xf32, #tpu.memory_space<hbm>> -> memref<2048x16xf32, #tpu.memory_space<hbm>>
      %dma_start3A_914 = arith.constant 0 : i32
      %dma_start3A_915 = arith.constant 0 : i32
      %dma_start3A_916 = tpu.memref_slice %arg11[%dma_start3A_914, %dma_start3A_915] : memref<2048x16xf32, #tpu.memory_space<vmem>> -> memref<2048x16xf32, #tpu.memory_space<vmem>>
      %dma_start3A_917 = arith.constant 0 : i32
      %dma_start3A_918 = tpu.memref_slice %arg5[%mul3A_893, %dma_start3A_917] : memref<200000x16xf32, #tpu.memory_space<hbm>> -> memref<2048x16xf32, #tpu.memory_space<hbm>>
      tpu.enqueue_dma source(%dma_start3A_918 : memref<2048x16xf32, #tpu.memory_space<hbm>>) target(%dma_start3A_916 : memref<2048x16xf32, #tpu.memory_space<vmem>>) target_semaphore(%arg16 : memref<!tpu.dma_semaphore, #tpu.memory_space<semaphore_mem>>)
      %dma_wait3A = arith.constant 0 : i32
      %dma_wait3A_919 = tpu.memref_slice %arg9[%dma_wait3A] : memref<2048xf32, #tpu.memory_space<vmem>> -> memref<2048xf32, #tpu.memory_space<vmem>>
      %dma_wait3A_920 = tpu.memref_slice %arg3[%mul3A_893] : memref<200000xf32, #tpu.memory_space<hbm>> -> memref<2048xf32, #tpu.memory_space<hbm>>
      %dma_wait3A_921 = arith.constant 0 : i32
      %dma_wait3A_922 = tpu.memref_slice %arg9[%dma_wait3A_921] : memref<2048xf32, #tpu.memory_space<vmem>> -> memref<2048xf32, #tpu.memory_space<vmem>>
      %dma_wait3A_923 = tpu.memref_slice %arg3[%mul3A_893] : memref<200000xf32, #tpu.memory_space<hbm>> -> memref<2048xf32, #tpu.memory_space<hbm>>
      tpu.wait_dma2 semaphore(%arg16 : memref<!tpu.dma_semaphore, #tpu.memory_space<semaphore_mem>>) src(%dma_wait3A_923 : memref<2048xf32, #tpu.memory_space<hbm>>) dst(%dma_wait3A_922 : memref<2048xf32, #tpu.memory_space<vmem>>)
      %dma_wait3A_924 = arith.constant 0 : i32
      %dma_wait3A_925 = arith.constant 0 : i32
      %dma_wait3A_926 = tpu.memref_slice %arg10[%dma_wait3A_924, %dma_wait3A_925] : memref<2048x16xf32, #tpu.memory_space<vmem>> -> memref<2048x16xf32, #tpu.memory_space<vmem>>
      %dma_wait3A_927 = arith.constant 0 : i32
      %dma_wait3A_928 = tpu.memref_slice %arg4[%mul3A_893, %dma_wait3A_927] : memref<200000x16xf32, #tpu.memory_space<hbm>> -> memref<2048x16xf32, #tpu.memory_space<hbm>>
      %dma_wait3A_929 = arith.constant 0 : i32
      %dma_wait3A_930 = arith.constant 0 : i32
      %dma_wait3A_931 = tpu.memref_slice %arg10[%dma_wait3A_929, %dma_wait3A_930] : memref<2048x16xf32, #tpu.memory_space<vmem>> -> memref<2048x16xf32, #tpu.memory_space<vmem>>
      %dma_wait3A_932 = arith.constant 0 : i32
      %dma_wait3A_933 = tpu.memref_slice %arg4[%mul3A_893, %dma_wait3A_932] : memref<200000x16xf32, #tpu.memory_space<hbm>> -> memref<2048x16xf32, #tpu.memory_space<hbm>>
      tpu.wait_dma2 semaphore(%arg16 : memref<!tpu.dma_semaphore, #tpu.memory_space<semaphore_mem>>) src(%dma_wait3A_933 : memref<2048x16xf32, #tpu.memory_space<hbm>>) dst(%dma_wait3A_931 : memref<2048x16xf32, #tpu.memory_space<vmem>>)
      %dma_wait3A_934 = arith.constant 0 : i32
      %dma_wait3A_935 = arith.constant 0 : i32
      %dma_wait3A_936 = tpu.memref_slice %arg11[%dma_wait3A_934, %dma_wait3A_935] : memref<2048x16xf32, #tpu.memory_space<vmem>> -> memref<2048x16xf32, #tpu.memory_space<vmem>>
      %dma_wait3A_937 = arith.constant 0 : i32
      %dma_wait3A_938 = tpu.memref_slice %arg5[%mul3A_893, %dma_wait3A_937] : memref<200000x16xf32, #tpu.memory_space<hbm>> -> memref<2048x16xf32, #tpu.memory_space<hbm>>
      %dma_wait3A_939 = arith.constant 0 : i32
      %dma_wait3A_940 = arith.constant 0 : i32
      %dma_wait3A_941 = tpu.memref_slice %arg11[%dma_wait3A_939, %dma_wait3A_940] : memref<2048x16xf32, #tpu.memory_space<vmem>> -> memref<2048x16xf32, #tpu.memory_space<vmem>>
      %dma_wait3A_942 = arith.constant 0 : i32
      %dma_wait3A_943 = tpu.memref_slice %arg5[%mul3A_893, %dma_wait3A_942] : memref<200000x16xf32, #tpu.memory_space<hbm>> -> memref<2048x16xf32, #tpu.memory_space<hbm>>
      tpu.wait_dma2 semaphore(%arg16 : memref<!tpu.dma_semaphore, #tpu.memory_space<semaphore_mem>>) src(%dma_wait3A_943 : memref<2048x16xf32, #tpu.memory_space<hbm>>) dst(%dma_wait3A_941 : memref<2048x16xf32, #tpu.memory_space<vmem>>)
      %while3A_944 = arith.constant 0 : i32
      scf.yield %while3A_944 : i32
    }
    %while3A_663 = arith.constant 1 : i32
    %while3A_664 = scf.for %while3A_887 = %while3A_660 to %while3A_656 step %while3A_663 iter_args(%while3A_888 = %while3A_662) -> (i32)  : i32 {
      %mul3A_889 = arith.constant 32 : i32
      %mul3A_890 = arith.muli %mul3A_889, %while3A_887 : i32
      %add3A_891 = arith.addi %add3A, %mul3A_890 : i32
      %mul3A_892 = arith.constant 2048 : i32
      %mul3A_893 = arith.muli %add3A_891, %mul3A_892 : i32
      %dma_start3A = arith.constant 0 : i32
      %dma_start3A_894 = tpu.memref_slice %arg9[%dma_start3A] : memref<2048xf32, #tpu.memory_space<vmem>> -> memref<2048xf32, #tpu.memory_space<vmem>>
      %dma_start3A_895 = tpu.memref_slice %arg3[%mul3A_893] : memref<200000xf32, #tpu.memory_space<hbm>> -> memref<2048xf32, #tpu.memory_space<hbm>>
      %dma_start3A_896 = arith.constant 0 : i32
      %dma_start3A_897 = tpu.memref_slice %arg9[%dma_start3A_896] : memref<2048xf32, #tpu.memory_space<vmem>> -> memref<2048xf32, #tpu.memory_space<vmem>>
      %dma_start3A_898 = tpu.memref_slice %arg3[%mul3A_893] : memref<200000xf32, #tpu.memory_space<hbm>> -> memref<2048xf32, #tpu.memory_space<hbm>>
      tpu.enqueue_dma source(%dma_start3A_898 : memref<2048xf32, #tpu.memory_space<hbm>>) target(%dma_start3A_897 : memref<2048xf32, #tpu.memory_space<vmem>>) target_semaphore(%arg16 : memref<!tpu.dma_semaphore, #tpu.memory_space<semaphore_mem>>)
      %dma_start3A_899 = arith.constant 0 : i32
      %dma_start3A_900 = arith.constant 0 : i32
      %dma_start3A_901 = tpu.memref_slice %arg10[%dma_start3A_899, %dma_start3A_900] : memref<2048x16xf32, #tpu.memory_space<vmem>> -> memref<2048x16xf32, #tpu.memory_space<vmem>>
      %dma_start3A_902 = arith.constant 0 : i32
      %dma_start3A_903 = tpu.memref_slice %arg4[%mul3A_893, %dma_start3A_902] : memref<200000x16xf32, #tpu.memory_space<hbm>> -> memref<2048x16xf32, #tpu.memory_space<hbm>>
      %dma_start3A_904 = arith.constant 0 : i32
      %dma_start3A_905 = arith.constant 0 : i32
      %dma_start3A_906 = tpu.memref_slice %arg10[%dma_start3A_904, %dma_start3A_905] : memref<2048x16xf32, #tpu.memory_space<vmem>> -> memref<2048x16xf32, #tpu.memory_space<vmem>>
      %dma_start3A_907 = arith.constant 0 : i32
      %dma_start3A_908 = tpu.memref_slice %arg4[%mul3A_893, %dma_start3A_907] : memref<200000x16xf32, #tpu.memory_space<hbm>> -> memref<2048x16xf32, #tpu.memory_space<hbm>>
      tpu.enqueue_dma source(%dma_start3A_908 : memref<2048x16xf32, #tpu.memory_space<hbm>>) target(%dma_start3A_906 : memref<2048x16xf32, #tpu.memory_space<vmem>>) target_semaphore(%arg16 : memref<!tpu.dma_semaphore, #tpu.memory_space<semaphore_mem>>)
      %dma_start3A_909 = arith.constant 0 : i32
      %dma_start3A_910 = arith.constant 0 : i32
      %dma_start3A_911 = tpu.memref_slice %arg11[%dma_start3A_909, %dma_start3A_910] : memref<2048x16xf32, #tpu.memory_space<vmem>> -> memref<2048x16xf32, #tpu.memory_space<vmem>>
      %dma_start3A_912 = arith.constant 0 : i32
      %dma_start3A_913 = tpu.memref_slice %arg5[%mul3A_893, %dma_start3A_912] : memref<200000x16xf32, #tpu.memory_space<hbm>> -> memref<2048x16xf32, #tpu.memory_space<hbm>>
      %dma_start3A_914 = arith.constant 0 : i32
      %dma_start3A_915 = arith.constant 0 : i32
      %dma_start3A_916 = tpu.memref_slice %arg11[%dma_start3A_914, %dma_start3A_915] : memref<2048x16xf32, #tpu.memory_space<vmem>> -> memref<2048x16xf32, #tpu.memory_space<vmem>>
      %dma_start3A_917 = arith.constant 0 : i32
      %dma_start3A_918 = tpu.memref_slice %arg5[%mul3A_893, %dma_start3A_917] : memref<200000x16xf32, #tpu.memory_space<hbm>> -> memref<2048x16xf32, #tpu.memory_space<hbm>>
      tpu.enqueue_dma source(%dma_start3A_918 : memref<2048x16xf32, #tpu.memory_space<hbm>>) target(%dma_start3A_916 : memref<2048x16xf32, #tpu.memory_space<vmem>>) target_semaphore(%arg16 : memref<!tpu.dma_semaphore, #tpu.memory_space<semaphore_mem>>)
      %dma_wait3A = arith.constant 0 : i32
      %dma_wait3A_919 = tpu.memref_slice %arg9[%dma_wait3A] : memref<2048xf32, #tpu.memory_space<vmem>> -> memref<2048xf32, #tpu.memory_space<vmem>>
      %dma_wait3A_920 = tpu.memref_slice %arg3[%mul3A_893] : memref<200000xf32, #tpu.memory_space<hbm>> -> memref<2048xf32, #tpu.memory_space<hbm>>
      %dma_wait3A_921 = arith.constant 0 : i32
      %dma_wait3A_922 = tpu.memref_slice %arg9[%dma_wait3A_921] : memref<2048xf32, #tpu.memory_space<vmem>> -> memref<2048xf32, #tpu.memory_space<vmem>>
      %dma_wait3A_923 = tpu.memref_slice %arg3[%mul3A_893] : memref<200000xf32, #tpu.memory_space<hbm>> -> memref<2048xf32, #tpu.memory_space<hbm>>
      tpu.wait_dma2 semaphore(%arg16 : memref<!tpu.dma_semaphore, #tpu.memory_space<semaphore_mem>>) src(%dma_wait3A_923 : memref<2048xf32, #tpu.memory_space<hbm>>) dst(%dma_wait3A_922 : memref<2048xf32, #tpu.memory_space<vmem>>)
      %dma_wait3A_924 = arith.constant 0 : i32
      %dma_wait3A_925 = arith.constant 0 : i32
      %dma_wait3A_926 = tpu.memref_slice %arg10[%dma_wait3A_924, %dma_wait3A_925] : memref<2048x16xf32, #tpu.memory_space<vmem>> -> memref<2048x16xf32, #tpu.memory_space<vmem>>
      %dma_wait3A_927 = arith.constant 0 : i32
      %dma_wait3A_928 = tpu.memref_slice %arg4[%mul3A_893, %dma_wait3A_927] : memref<200000x16xf32, #tpu.memory_space<hbm>> -> memref<2048x16xf32, #tpu.memory_space<hbm>>
      %dma_wait3A_929 = arith.constant 0 : i32
      %dma_wait3A_930 = arith.constant 0 : i32
      %dma_wait3A_931 = tpu.memref_slice %arg10[%dma_wait3A_929, %dma_wait3A_930] : memref<2048x16xf32, #tpu.memory_space<vmem>> -> memref<2048x16xf32, #tpu.memory_space<vmem>>
      %dma_wait3A_932 = arith.constant 0 : i32
      %dma_wait3A_933 = tpu.memref_slice %arg4[%mul3A_893, %dma_wait3A_932] : memref<200000x16xf32, #tpu.memory_space<hbm>> -> memref<2048x16xf32, #tpu.memory_space<hbm>>
      tpu.wait_dma2 semaphore(%arg16 : memref<!tpu.dma_semaphore, #tpu.memory_space<semaphore_mem>>) src(%dma_wait3A_933 : memref<2048x16xf32, #tpu.memory_space<hbm>>) dst(%dma_wait3A_931 : memref<2048x16xf32, #tpu.memory_space<vmem>>)
      %dma_wait3A_934 = arith.constant 0 : i32
      %dma_wait3A_935 = arith.constant 0 : i32
      %dma_wait3A_936 = tpu.memref_slice %arg11[%dma_wait3A_934, %dma_wait3A_935] : memref<2048x16xf32, #tpu.memory_space<vmem>> -> memref<2048x16xf32, #tpu.memory_space<vmem>>
      %dma_wait3A_937 = arith.constant 0 : i32
      %dma_wait3A_938 = tpu.memref_slice %arg5[%mul3A_893, %dma_wait3A_937] : memref<200000x16xf32, #tpu.memory_space<hbm>> -> memref<2048x16xf32, #tpu.memory_space<hbm>>
      %dma_wait3A_939 = arith.constant 0 : i32
      %dma_wait3A_940 = arith.constant 0 : i32
      %dma_wait3A_941 = tpu.memref_slice %arg11[%dma_wait3A_939, %dma_wait3A_940] : memref<2048x16xf32, #tpu.memory_space<vmem>> -> memref<2048x16xf32, #tpu.memory_space<vmem>>
      %dma_wait3A_942 = arith.constant 0 : i32
      %dma_wait3A_943 = tpu.memref_slice %arg5[%mul3A_893, %dma_wait3A_942] : memref<200000x16xf32, #tpu.memory_space<hbm>> -> memref<2048x16xf32, #tpu.memory_space<hbm>>
      tpu.wait_dma2 semaphore(%arg16 : memref<!tpu.dma_semaphore, #tpu.memory_space<semaphore_mem>>) src(%dma_wait3A_943 : memref<2048x16xf32, #tpu.memory_space<hbm>>) dst(%dma_wait3A_941 : memref<2048x16xf32, #tpu.memory_space<vmem>>)
      %while3A_944 = arith.constant 0 : i32
      scf.yield %while3A_944 : i32
    }
    %eq3A_665 = arith.constant 1 : i32
    %eq3A_666 = arith.cmpi eq, %add3A, %eq3A_665 : i32
    %convert_element_type3A_667 = arith.extui %eq3A_666 : i1 to i32
    %cond3A_668 = arith.constant 0 : i32
    %cond3A_669 = arith.cmpi ne, %convert_element_type3A_667, %cond3A_668 : i32
    scf.if %cond3A_669 {
      %mul3A_887 = arith.constant 97 : i32
      %mul3A_888 = arith.constant 2048 : i32
      %mul3A_889 = arith.muli %mul3A_887, %mul3A_888 : i32
      %dma_start3A = arith.constant 0 : i32
      %dma_start3A_890 = tpu.memref_slice %arg9[%dma_start3A] : memref<2048xf32, #tpu.memory_space<vmem>> -> memref<1344xf32, #tpu.memory_space<vmem>>
      %dma_start3A_891 = tpu.memref_slice %arg3[%mul3A_889] : memref<200000xf32, #tpu.memory_space<hbm>> -> memref<1344xf32, #tpu.memory_space<hbm>>
      %dma_start3A_892 = arith.constant 0 : i32
      %dma_start3A_893 = tpu.memref_slice %arg9[%dma_start3A_892] : memref<2048xf32, #tpu.memory_space<vmem>> -> memref<1344xf32, #tpu.memory_space<vmem>>
      %dma_start3A_894 = tpu.memref_slice %arg3[%mul3A_889] : memref<200000xf32, #tpu.memory_space<hbm>> -> memref<1344xf32, #tpu.memory_space<hbm>>
      tpu.enqueue_dma source(%dma_start3A_894 : memref<1344xf32, #tpu.memory_space<hbm>>) target(%dma_start3A_893 : memref<1344xf32, #tpu.memory_space<vmem>>) target_semaphore(%arg16 : memref<!tpu.dma_semaphore, #tpu.memory_space<semaphore_mem>>)
      %dma_start3A_895 = arith.constant 0 : i32
      %dma_start3A_896 = arith.constant 0 : i32
      %dma_start3A_897 = tpu.memref_slice %arg10[%dma_start3A_895, %dma_start3A_896] : memref<2048x16xf32, #tpu.memory_space<vmem>> -> memref<1344x16xf32, #tpu.memory_space<vmem>>
      %dma_start3A_898 = arith.constant 0 : i32
      %dma_start3A_899 = tpu.memref_slice %arg4[%mul3A_889, %dma_start3A_898] : memref<200000x16xf32, #tpu.memory_space<hbm>> -> memref<1344x16xf32, #tpu.memory_space<hbm>>
      %dma_start3A_900 = arith.constant 0 : i32
      %dma_start3A_901 = arith.constant 0 : i32
      %dma_start3A_902 = tpu.memref_slice %arg10[%dma_start3A_900, %dma_start3A_901] : memref<2048x16xf32, #tpu.memory_space<vmem>> -> memref<1344x16xf32, #tpu.memory_space<vmem>>
      %dma_start3A_903 = arith.constant 0 : i32
      %dma_start3A_904 = tpu.memref_slice %arg4[%mul3A_889, %dma_start3A_903] : memref<200000x16xf32, #tpu.memory_space<hbm>> -> memref<1344x16xf32, #tpu.memory_space<hbm>>
      tpu.enqueue_dma source(%dma_start3A_904 : memref<1344x16xf32, #tpu.memory_space<hbm>>) target(%dma_start3A_902 : memref<1344x16xf32, #tpu.memory_space<vmem>>) target_semaphore(%arg16 : memref<!tpu.dma_semaphore, #tpu.memory_space<semaphore_mem>>)
      %dma_start3A_905 = arith.constant 0 : i32
      %dma_start3A_906 = arith.constant 0 : i32
      %dma_start3A_907 = tpu.memref_slice %arg11[%dma_start3A_905, %dma_start3A_906] : memref<2048x16xf32, #tpu.memory_space<vmem>> -> memref<1344x16xf32, #tpu.memory_space<vmem>>
      %dma_start3A_908 = arith.constant 0 : i32
      %dma_start3A_909 = tpu.memref_slice %arg5[%mul3A_889, %dma_start3A_908] : memref<200000x16xf32, #tpu.memory_space<hbm>> -> memref<1344x16xf32, #tpu.memory_space<hbm>>
      %dma_start3A_910 = arith.constant 0 : i32
      %dma_start3A_911 = arith.constant 0 : i32
      %dma_start3A_912 = tpu.memref_slice %arg11[%dma_start3A_910, %dma_start3A_911] : memref<2048x16xf32, #tpu.memory_space<vmem>> -> memref<1344x16xf32, #tpu.memory_space<vmem>>
      %dma_start3A_913 = arith.constant 0 : i32
      %dma_start3A_914 = tpu.memref_slice %arg5[%mul3A_889, %dma_start3A_913] : memref<200000x16xf32, #tpu.memory_space<hbm>> -> memref<1344x16xf32, #tpu.memory_space<hbm>>
      tpu.enqueue_dma source(%dma_start3A_914 : memref<1344x16xf32, #tpu.memory_space<hbm>>) target(%dma_start3A_912 : memref<1344x16xf32, #tpu.memory_space<vmem>>) target_semaphore(%arg16 : memref<!tpu.dma_semaphore, #tpu.memory_space<semaphore_mem>>)
      %dma_wait3A = arith.constant 0 : i32
      %dma_wait3A_915 = tpu.memref_slice %arg9[%dma_wait3A] : memref<2048xf32, #tpu.memory_space<vmem>> -> memref<1344xf32, #tpu.memory_space<vmem>>
      %dma_wait3A_916 = tpu.memref_slice %arg3[%mul3A_889] : memref<200000xf32, #tpu.memory_space<hbm>> -> memref<1344xf32, #tpu.memory_space<hbm>>
      %dma_wait3A_917 = arith.constant 0 : i32
      %dma_wait3A_918 = tpu.memref_slice %arg9[%dma_wait3A_917] : memref<2048xf32, #tpu.memory_space<vmem>> -> memref<1344xf32, #tpu.memory_space<vmem>>
      %dma_wait3A_919 = tpu.memref_slice %arg3[%mul3A_889] : memref<200000xf32, #tpu.memory_space<hbm>> -> memref<1344xf32, #tpu.memory_space<hbm>>
      tpu.wait_dma2 semaphore(%arg16 : memref<!tpu.dma_semaphore, #tpu.memory_space<semaphore_mem>>) src(%dma_wait3A_919 : memref<1344xf32, #tpu.memory_space<hbm>>) dst(%dma_wait3A_918 : memref<1344xf32, #tpu.memory_space<vmem>>)
      %dma_wait3A_920 = arith.constant 0 : i32
      %dma_wait3A_921 = arith.constant 0 : i32
      %dma_wait3A_922 = tpu.memref_slice %arg10[%dma_wait3A_920, %dma_wait3A_921] : memref<2048x16xf32, #tpu.memory_space<vmem>> -> memref<1344x16xf32, #tpu.memory_space<vmem>>
      %dma_wait3A_923 = arith.constant 0 : i32
      %dma_wait3A_924 = tpu.memref_slice %arg4[%mul3A_889, %dma_wait3A_923] : memref<200000x16xf32, #tpu.memory_space<hbm>> -> memref<1344x16xf32, #tpu.memory_space<hbm>>
      %dma_wait3A_925 = arith.constant 0 : i32
      %dma_wait3A_926 = arith.constant 0 : i32
      %dma_wait3A_927 = tpu.memref_slice %arg10[%dma_wait3A_925, %dma_wait3A_926] : memref<2048x16xf32, #tpu.memory_space<vmem>> -> memref<1344x16xf32, #tpu.memory_space<vmem>>
      %dma_wait3A_928 = arith.constant 0 : i32
      %dma_wait3A_929 = tpu.memref_slice %arg4[%mul3A_889, %dma_wait3A_928] : memref<200000x16xf32, #tpu.memory_space<hbm>> -> memref<1344x16xf32, #tpu.memory_space<hbm>>
      tpu.wait_dma2 semaphore(%arg16 : memref<!tpu.dma_semaphore, #tpu.memory_space<semaphore_mem>>) src(%dma_wait3A_929 : memref<1344x16xf32, #tpu.memory_space<hbm>>) dst(%dma_wait3A_927 : memref<1344x16xf32, #tpu.memory_space<vmem>>)
      %dma_wait3A_930 = arith.constant 0 : i32
      %dma_wait3A_931 = arith.constant 0 : i32
      %dma_wait3A_932 = tpu.memref_slice %arg11[%dma_wait3A_930, %dma_wait3A_931] : memref<2048x16xf32, #tpu.memory_space<vmem>> -> memref<1344x16xf32, #tpu.memory_space<vmem>>
      %dma_wait3A_933 = arith.constant 0 : i32
      %dma_wait3A_934 = tpu.memref_slice %arg5[%mul3A_889, %dma_wait3A_933] : memref<200000x16xf32, #tpu.memory_space<hbm>> -> memref<1344x16xf32, #tpu.memory_space<hbm>>
      %dma_wait3A_935 = arith.constant 0 : i32
      %dma_wait3A_936 = arith.constant 0 : i32
      %dma_wait3A_937 = tpu.memref_slice %arg11[%dma_wait3A_935, %dma_wait3A_936] : memref<2048x16xf32, #tpu.memory_space<vmem>> -> memref<1344x16xf32, #tpu.memory_space<vmem>>
      %dma_wait3A_938 = arith.constant 0 : i32
      %dma_wait3A_939 = tpu.memref_slice %arg5[%mul3A_889, %dma_wait3A_938] : memref<200000x16xf32, #tpu.memory_space<hbm>> -> memref<1344x16xf32, #tpu.memory_space<hbm>>
      tpu.wait_dma2 semaphore(%arg16 : memref<!tpu.dma_semaphore, #tpu.memory_space<semaphore_mem>>) src(%dma_wait3A_939 : memref<1344x16xf32, #tpu.memory_space<hbm>>) dst(%dma_wait3A_937 : memref<1344x16xf32, #tpu.memory_space<vmem>>)
    } else {
    }
    %scan3A_670 = arith.constant 0 : i32
    %scan3A_671 = arith.constant 0 : i32
    %scan3A_672 = arith.constant 64 : i32
    %scan3A_673 = arith.addi %scan3A_671, %scan3A_672 : i32
    %scan3A_674 = arith.constant 1 : i32
    %scan3A_675 = scf.for %scan3A_887 = %scan3A_671 to %scan3A_673 step %scan3A_674 iter_args(%scan3A_888 = %scan3A_670) -> (i32)  : i32 {
      %mul3A_889 = arith.constant 16 : i32
      %mul3A_890 = arith.muli %scan3A_887, %mul3A_889 : i32
      %add3A_891 = arith.constant 1025 : i32
      %add3A_892 = arith.addi %add3A_891, %mul3A_890 : i32
      %get3A_893 = arith.index_cast %add3A_892 : i32 to index
      %get3A_894 = tpu.vector_load %arg12[%get3A_893] {strides = array<i32>} : memref<32800xf32, #tpu.memory_space<vmem>>, vector<16xf32>,
      %mul3A_895 = arith.constant 16 : i32
      %mul3A_896 = arith.muli %scan3A_887, %mul3A_895 : i32
      %add3A_897 = arith.constant 1024 : i32
      %add3A_898 = arith.addi %add3A_897, %mul3A_896 : i32
      %swap3A_899 = arith.index_cast %add3A_898 : i32 to index
      %swap3A_900 = tpu.vector_load %arg12[%swap3A_899] {strides = array<i32>} : memref<32800xf32, #tpu.memory_space<vmem>>, vector<16xf32>,
      tpu.vector_store %arg12[%swap3A_899], %get3A_894 {strides = array<i32>} : memref<32800xf32, #tpu.memory_space<vmem>>, vector<16xf32>,
      %scan3A_901 = arith.constant 0 : i32
      scf.yield %scan3A_901 : i32
    }
    %scan3A_676 = arith.constant 64 : i32
    %scan3A_677 = arith.constant 0 : i32
    %scan3A_678 = arith.constant 0 : i32
    %scan3A_679 = arith.constant 64 : i32
    %scan3A_680 = arith.addi %scan3A_678, %scan3A_679 : i32
    %scan3A_681 = arith.constant 1 : i32
    %scan3A_682 = scf.for %scan3A_887 = %scan3A_678 to %scan3A_680 step %scan3A_681 iter_args(%scan3A_888 = %scan3A_677) -> (i32)  : i32 {
      %mul3A_889 = arith.constant 16 : i32
      %mul3A_890 = arith.muli %scan3A_887, %mul3A_889 : i32
      %add3A_891 = arith.constant 2050 : i32
      %add3A_892 = arith.addi %add3A_891, %mul3A_890 : i32
      %get3A_893 = arith.index_cast %add3A_892 : i32 to index
      %get3A_894 = tpu.vector_load %arg12[%get3A_893] {strides = array<i32>} : memref<32800xf32, #tpu.memory_space<vmem>>, vector<16xf32>,
      %mul3A_895 = arith.constant 16 : i32
      %mul3A_896 = arith.muli %scan3A_887, %mul3A_895 : i32
      %add3A_897 = arith.constant 2048 : i32
      %add3A_898 = arith.addi %add3A_897, %mul3A_896 : i32
      %swap3A_899 = arith.index_cast %add3A_898 : i32 to index
      %swap3A_900 = tpu.vector_load %arg12[%swap3A_899] {strides = array<i32>} : memref<32800xf32, #tpu.memory_space<vmem>>, vector<16xf32>,
      tpu.vector_store %arg12[%swap3A_899], %get3A_894 {strides = array<i32>} : memref<32800xf32, #tpu.memory_space<vmem>>, vector<16xf32>,
      %scan3A_901 = arith.constant 0 : i32
      scf.yield %scan3A_901 : i32
    }
    %scan3A_683 = arith.constant 64 : i32
    %scan3A_684 = arith.constant 0 : i32
    %scan3A_685 = arith.constant 0 : i32
    %scan3A_686 = arith.constant 64 : i32
    %scan3A_687 = arith.addi %scan3A_685, %scan3A_686 : i32
    %scan3A_688 = arith.constant 1 : i32
    %scan3A_689 = scf.for %scan3A_887 = %scan3A_685 to %scan3A_687 step %scan3A_688 iter_args(%scan3A_888 = %scan3A_684) -> (i32)  : i32 {
      %mul3A_889 = arith.constant 16 : i32
      %mul3A_890 = arith.muli %scan3A_887, %mul3A_889 : i32
      %add3A_891 = arith.constant 3075 : i32
      %add3A_892 = arith.addi %add3A_891, %mul3A_890 : i32
      %get3A_893 = arith.index_cast %add3A_892 : i32 to index
      %get3A_894 = tpu.vector_load %arg12[%get3A_893] {strides = array<i32>} : memref<32800xf32, #tpu.memory_space<vmem>>, vector<16xf32>,
      %mul3A_895 = arith.constant 16 : i32
      %mul3A_896 = arith.muli %scan3A_887, %mul3A_895 : i32
      %add3A_897 = arith.constant 3072 : i32
      %add3A_898 = arith.addi %add3A_897, %mul3A_896 : i32
      %swap3A_899 = arith.index_cast %add3A_898 : i32 to index
      %swap3A_900 = tpu.vector_load %arg12[%swap3A_899] {strides = array<i32>} : memref<32800xf32, #tpu.memory_space<vmem>>, vector<16xf32>,
      tpu.vector_store %arg12[%swap3A_899], %get3A_894 {strides = array<i32>} : memref<32800xf32, #tpu.memory_space<vmem>>, vector<16xf32>,
      %scan3A_901 = arith.constant 0 : i32
      scf.yield %scan3A_901 : i32
    }
    %scan3A_690 = arith.constant 64 : i32
    %scan3A_691 = arith.constant 0 : i32
    %scan3A_692 = arith.constant 0 : i32
    %scan3A_693 = arith.constant 64 : i32
    %scan3A_694 = arith.addi %scan3A_692, %scan3A_693 : i32
    %scan3A_695 = arith.constant 1 : i32
    %scan3A_696 = scf.for %scan3A_887 = %scan3A_692 to %scan3A_694 step %scan3A_695 iter_args(%scan3A_888 = %scan3A_691) -> (i32)  : i32 {
      %mul3A_889 = arith.constant 16 : i32
      %mul3A_890 = arith.muli %scan3A_887, %mul3A_889 : i32
      %add3A_891 = arith.constant 4100 : i32
      %add3A_892 = arith.addi %add3A_891, %mul3A_890 : i32
      %get3A_893 = arith.index_cast %add3A_892 : i32 to index
      %get3A_894 = tpu.vector_load %arg12[%get3A_893] {strides = array<i32>} : memref<32800xf32, #tpu.memory_space<vmem>>, vector<16xf32>,
      %mul3A_895 = arith.constant 16 : i32
      %mul3A_896 = arith.muli %scan3A_887, %mul3A_895 : i32
      %add3A_897 = arith.constant 4096 : i32
      %add3A_898 = arith.addi %add3A_897, %mul3A_896 : i32
      %swap3A_899 = arith.index_cast %add3A_898 : i32 to index
      %swap3A_900 = tpu.vector_load %arg12[%swap3A_899] {strides = array<i32>} : memref<32800xf32, #tpu.memory_space<vmem>>, vector<16xf32>,
      tpu.vector_store %arg12[%swap3A_899], %get3A_894 {strides = array<i32>} : memref<32800xf32, #tpu.memory_space<vmem>>, vector<16xf32>,
      %scan3A_901 = arith.constant 0 : i32
      scf.yield %scan3A_901 : i32
    }
    %scan3A_697 = arith.constant 64 : i32
    %scan3A_698 = arith.constant 0 : i32
    %scan3A_699 = arith.constant 0 : i32
    %scan3A_700 = arith.constant 64 : i32
    %scan3A_701 = arith.addi %scan3A_699, %scan3A_700 : i32
    %scan3A_702 = arith.constant 1 : i32
    %scan3A_703 = scf.for %scan3A_887 = %scan3A_699 to %scan3A_701 step %scan3A_702 iter_args(%scan3A_888 = %scan3A_698) -> (i32)  : i32 {
      %mul3A_889 = arith.constant 16 : i32
      %mul3A_890 = arith.muli %scan3A_887, %mul3A_889 : i32
      %add3A_891 = arith.constant 5125 : i32
      %add3A_892 = arith.addi %add3A_891, %mul3A_890 : i32
      %get3A_893 = arith.index_cast %add3A_892 : i32 to index
      %get3A_894 = tpu.vector_load %arg12[%get3A_893] {strides = array<i32>} : memref<32800xf32, #tpu.memory_space<vmem>>, vector<16xf32>,
      %mul3A_895 = arith.constant 16 : i32
      %mul3A_896 = arith.muli %scan3A_887, %mul3A_895 : i32
      %add3A_897 = arith.constant 5120 : i32
      %add3A_898 = arith.addi %add3A_897, %mul3A_896 : i32
      %swap3A_899 = arith.index_cast %add3A_898 : i32 to index
      %swap3A_900 = tpu.vector_load %arg12[%swap3A_899] {strides = array<i32>} : memref<32800xf32, #tpu.memory_space<vmem>>, vector<16xf32>,
      tpu.vector_store %arg12[%swap3A_899], %get3A_894 {strides = array<i32>} : memref<32800xf32, #tpu.memory_space<vmem>>, vector<16xf32>,
      %scan3A_901 = arith.constant 0 : i32
      scf.yield %scan3A_901 : i32
    }
    %scan3A_704 = arith.constant 64 : i32
    %scan3A_705 = arith.constant 0 : i32
    %scan3A_706 = arith.constant 0 : i32
    %scan3A_707 = arith.constant 64 : i32
    %scan3A_708 = arith.addi %scan3A_706, %scan3A_707 : i32
    %scan3A_709 = arith.constant 1 : i32
    %scan3A_710 = scf.for %scan3A_887 = %scan3A_706 to %scan3A_708 step %scan3A_709 iter_args(%scan3A_888 = %scan3A_705) -> (i32)  : i32 {
      %mul3A_889 = arith.constant 16 : i32
      %mul3A_890 = arith.muli %scan3A_887, %mul3A_889 : i32
      %add3A_891 = arith.constant 6150 : i32
      %add3A_892 = arith.addi %add3A_891, %mul3A_890 : i32
      %get3A_893 = arith.index_cast %add3A_892 : i32 to index
      %get3A_894 = tpu.vector_load %arg12[%get3A_893] {strides = array<i32>} : memref<32800xf32, #tpu.memory_space<vmem>>, vector<16xf32>,
      %mul3A_895 = arith.constant 16 : i32
      %mul3A_896 = arith.muli %scan3A_887, %mul3A_895 : i32
      %add3A_897 = arith.constant 6144 : i32
      %add3A_898 = arith.addi %add3A_897, %mul3A_896 : i32
      %swap3A_899 = arith.index_cast %add3A_898 : i32 to index
      %swap3A_900 = tpu.vector_load %arg12[%swap3A_899] {strides = array<i32>} : memref<32800xf32, #tpu.memory_space<vmem>>, vector<16xf32>,
      tpu.vector_store %arg12[%swap3A_899], %get3A_894 {strides = array<i32>} : memref<32800xf32, #tpu.memory_space<vmem>>, vector<16xf32>,
      %scan3A_901 = arith.constant 0 : i32
      scf.yield %scan3A_901 : i32
    }
    %scan3A_711 = arith.constant 64 : i32
    %scan3A_712 = arith.constant 0 : i32
    %scan3A_713 = arith.constant 0 : i32
    %scan3A_714 = arith.constant 64 : i32
    %scan3A_715 = arith.addi %scan3A_713, %scan3A_714 : i32
    %scan3A_716 = arith.constant 1 : i32
    %scan3A_717 = scf.for %scan3A_887 = %scan3A_713 to %scan3A_715 step %scan3A_716 iter_args(%scan3A_888 = %scan3A_712) -> (i32)  : i32 {
      %mul3A_889 = arith.constant 16 : i32
      %mul3A_890 = arith.muli %scan3A_887, %mul3A_889 : i32
      %add3A_891 = arith.constant 7175 : i32
      %add3A_892 = arith.addi %add3A_891, %mul3A_890 : i32
      %get3A_893 = arith.index_cast %add3A_892 : i32 to index
      %get3A_894 = tpu.vector_load %arg12[%get3A_893] {strides = array<i32>} : memref<32800xf32, #tpu.memory_space<vmem>>, vector<16xf32>,
      %mul3A_895 = arith.constant 16 : i32
      %mul3A_896 = arith.muli %scan3A_887, %mul3A_895 : i32
      %add3A_897 = arith.constant 7168 : i32
      %add3A_898 = arith.addi %add3A_897, %mul3A_896 : i32
      %swap3A_899 = arith.index_cast %add3A_898 : i32 to index
      %swap3A_900 = tpu.vector_load %arg12[%swap3A_899] {strides = array<i32>} : memref<32800xf32, #tpu.memory_space<vmem>>, vector<16xf32>,
      tpu.vector_store %arg12[%swap3A_899], %get3A_894 {strides = array<i32>} : memref<32800xf32, #tpu.memory_space<vmem>>, vector<16xf32>,
      %scan3A_901 = arith.constant 0 : i32
      scf.yield %scan3A_901 : i32
    }
    %scan3A_718 = arith.constant 64 : i32
    %scan3A_719 = arith.constant 0 : i32
    %scan3A_720 = arith.constant 0 : i32
    %scan3A_721 = arith.constant 64 : i32
    %scan3A_722 = arith.addi %scan3A_720, %scan3A_721 : i32
    %scan3A_723 = arith.constant 1 : i32
    %scan3A_724 = scf.for %scan3A_887 = %scan3A_720 to %scan3A_722 step %scan3A_723 iter_args(%scan3A_888 = %scan3A_719) -> (i32)  : i32 {
      %mul3A_889 = arith.constant 16 : i32
      %mul3A_890 = arith.muli %scan3A_887, %mul3A_889 : i32
      %add3A_891 = arith.constant 8200 : i32
      %add3A_892 = arith.addi %add3A_891, %mul3A_890 : i32
      %get3A_893 = arith.index_cast %add3A_892 : i32 to index
      %get3A_894 = tpu.vector_load %arg12[%get3A_893] {strides = array<i32>} : memref<32800xf32, #tpu.memory_space<vmem>>, vector<16xf32>,
      %mul3A_895 = arith.constant 16 : i32
      %mul3A_896 = arith.muli %scan3A_887, %mul3A_895 : i32
      %add3A_897 = arith.constant 8192 : i32
      %add3A_898 = arith.addi %add3A_897, %mul3A_896 : i32
      %swap3A_899 = arith.index_cast %add3A_898 : i32 to index
      %swap3A_900 = tpu.vector_load %arg12[%swap3A_899] {strides = array<i32>} : memref<32800xf32, #tpu.memory_space<vmem>>, vector<16xf32>,
      tpu.vector_store %arg12[%swap3A_899], %get3A_894 {strides = array<i32>} : memref<32800xf32, #tpu.memory_space<vmem>>, vector<16xf32>,
      %scan3A_901 = arith.constant 0 : i32
      scf.yield %scan3A_901 : i32
    }
    %scan3A_725 = arith.constant 64 : i32
    %scan3A_726 = arith.constant 0 : i32
    %scan3A_727 = arith.constant 0 : i32
    %scan3A_728 = arith.constant 64 : i32
    %scan3A_729 = arith.addi %scan3A_727, %scan3A_728 : i32
    %scan3A_730 = arith.constant 1 : i32
    %scan3A_731 = scf.for %scan3A_887 = %scan3A_727 to %scan3A_729 step %scan3A_730 iter_args(%scan3A_888 = %scan3A_726) -> (i32)  : i32 {
      %mul3A_889 = arith.constant 16 : i32
      %mul3A_890 = arith.muli %scan3A_887, %mul3A_889 : i32
      %add3A_891 = arith.constant 9225 : i32
      %add3A_892 = arith.addi %add3A_891, %mul3A_890 : i32
      %get3A_893 = arith.index_cast %add3A_892 : i32 to index
      %get3A_894 = tpu.vector_load %arg12[%get3A_893] {strides = array<i32>} : memref<32800xf32, #tpu.memory_space<vmem>>, vector<16xf32>,
      %mul3A_895 = arith.constant 16 : i32
      %mul3A_896 = arith.muli %scan3A_887, %mul3A_895 : i32
      %add3A_897 = arith.constant 9216 : i32
      %add3A_898 = arith.addi %add3A_897, %mul3A_896 : i32
      %swap3A_899 = arith.index_cast %add3A_898 : i32 to index
      %swap3A_900 = tpu.vector_load %arg12[%swap3A_899] {strides = array<i32>} : memref<32800xf32, #tpu.memory_space<vmem>>, vector<16xf32>,
      tpu.vector_store %arg12[%swap3A_899], %get3A_894 {strides = array<i32>} : memref<32800xf32, #tpu.memory_space<vmem>>, vector<16xf32>,
      %scan3A_901 = arith.constant 0 : i32
      scf.yield %scan3A_901 : i32
    }
    %scan3A_732 = arith.constant 64 : i32
    %scan3A_733 = arith.constant 0 : i32
    %scan3A_734 = arith.constant 0 : i32
    %scan3A_735 = arith.constant 64 : i32
    %scan3A_736 = arith.addi %scan3A_734, %scan3A_735 : i32
    %scan3A_737 = arith.constant 1 : i32
    %scan3A_738 = scf.for %scan3A_887 = %scan3A_734 to %scan3A_736 step %scan3A_737 iter_args(%scan3A_888 = %scan3A_733) -> (i32)  : i32 {
      %mul3A_889 = arith.constant 16 : i32
      %mul3A_890 = arith.muli %scan3A_887, %mul3A_889 : i32
      %add3A_891 = arith.constant 10250 : i32
      %add3A_892 = arith.addi %add3A_891, %mul3A_890 : i32
      %get3A_893 = arith.index_cast %add3A_892 : i32 to index
      %get3A_894 = tpu.vector_load %arg12[%get3A_893] {strides = array<i32>} : memref<32800xf32, #tpu.memory_space<vmem>>, vector<16xf32>,
      %mul3A_895 = arith.constant 16 : i32
      %mul3A_896 = arith.muli %scan3A_887, %mul3A_895 : i32
      %add3A_897 = arith.constant 10240 : i32
      %add3A_898 = arith.addi %add3A_897, %mul3A_896 : i32
      %swap3A_899 = arith.index_cast %add3A_898 : i32 to index
      %swap3A_900 = tpu.vector_load %arg12[%swap3A_899] {strides = array<i32>} : memref<32800xf32, #tpu.memory_space<vmem>>, vector<16xf32>,
      tpu.vector_store %arg12[%swap3A_899], %get3A_894 {strides = array<i32>} : memref<32800xf32, #tpu.memory_space<vmem>>, vector<16xf32>,
      %scan3A_901 = arith.constant 0 : i32
      scf.yield %scan3A_901 : i32
    }
    %scan3A_739 = arith.constant 64 : i32
    %scan3A_740 = arith.constant 0 : i32
    %scan3A_741 = arith.constant 0 : i32
    %scan3A_742 = arith.constant 64 : i32
    %scan3A_743 = arith.addi %scan3A_741, %scan3A_742 : i32
    %scan3A_744 = arith.constant 1 : i32
    %scan3A_745 = scf.for %scan3A_887 = %scan3A_741 to %scan3A_743 step %scan3A_744 iter_args(%scan3A_888 = %scan3A_740) -> (i32)  : i32 {
      %mul3A_889 = arith.constant 16 : i32
      %mul3A_890 = arith.muli %scan3A_887, %mul3A_889 : i32
      %add3A_891 = arith.constant 11275 : i32
      %add3A_892 = arith.addi %add3A_891, %mul3A_890 : i32
      %get3A_893 = arith.index_cast %add3A_892 : i32 to index
      %get3A_894 = tpu.vector_load %arg12[%get3A_893] {strides = array<i32>} : memref<32800xf32, #tpu.memory_space<vmem>>, vector<16xf32>,
      %mul3A_895 = arith.constant 16 : i32
      %mul3A_896 = arith.muli %scan3A_887, %mul3A_895 : i32
      %add3A_897 = arith.constant 11264 : i32
      %add3A_898 = arith.addi %add3A_897, %mul3A_896 : i32
      %swap3A_899 = arith.index_cast %add3A_898 : i32 to index
      %swap3A_900 = tpu.vector_load %arg12[%swap3A_899] {strides = array<i32>} : memref<32800xf32, #tpu.memory_space<vmem>>, vector<16xf32>,
      tpu.vector_store %arg12[%swap3A_899], %get3A_894 {strides = array<i32>} : memref<32800xf32, #tpu.memory_space<vmem>>, vector<16xf32>,
      %scan3A_901 = arith.constant 0 : i32
      scf.yield %scan3A_901 : i32
    }
    %scan3A_746 = arith.constant 64 : i32
    %scan3A_747 = arith.constant 0 : i32
    %scan3A_748 = arith.constant 0 : i32
    %scan3A_749 = arith.constant 64 : i32
    %scan3A_750 = arith.addi %scan3A_748, %scan3A_749 : i32
    %scan3A_751 = arith.constant 1 : i32
    %scan3A_752 = scf.for %scan3A_887 = %scan3A_748 to %scan3A_750 step %scan3A_751 iter_args(%scan3A_888 = %scan3A_747) -> (i32)  : i32 {
      %mul3A_889 = arith.constant 16 : i32
      %mul3A_890 = arith.muli %scan3A_887, %mul3A_889 : i32
      %add3A_891 = arith.constant 12300 : i32
      %add3A_892 = arith.addi %add3A_891, %mul3A_890 : i32
      %get3A_893 = arith.index_cast %add3A_892 : i32 to index
      %get3A_894 = tpu.vector_load %arg12[%get3A_893] {strides = array<i32>} : memref<32800xf32, #tpu.memory_space<vmem>>, vector<16xf32>,
      %mul3A_895 = arith.constant 16 : i32
      %mul3A_896 = arith.muli %scan3A_887, %mul3A_895 : i32
      %add3A_897 = arith.constant 12288 : i32
      %add3A_898 = arith.addi %add3A_897, %mul3A_896 : i32
      %swap3A_899 = arith.index_cast %add3A_898 : i32 to index
      %swap3A_900 = tpu.vector_load %arg12[%swap3A_899] {strides = array<i32>} : memref<32800xf32, #tpu.memory_space<vmem>>, vector<16xf32>,
      tpu.vector_store %arg12[%swap3A_899], %get3A_894 {strides = array<i32>} : memref<32800xf32, #tpu.memory_space<vmem>>, vector<16xf32>,
      %scan3A_901 = arith.constant 0 : i32
      scf.yield %scan3A_901 : i32
    }
    %scan3A_753 = arith.constant 64 : i32
    %scan3A_754 = arith.constant 0 : i32
    %scan3A_755 = arith.constant 0 : i32
    %scan3A_756 = arith.constant 64 : i32
    %scan3A_757 = arith.addi %scan3A_755, %scan3A_756 : i32
    %scan3A_758 = arith.constant 1 : i32
    %scan3A_759 = scf.for %scan3A_887 = %scan3A_755 to %scan3A_757 step %scan3A_758 iter_args(%scan3A_888 = %scan3A_754) -> (i32)  : i32 {
      %mul3A_889 = arith.constant 16 : i32
      %mul3A_890 = arith.muli %scan3A_887, %mul3A_889 : i32
      %add3A_891 = arith.constant 13325 : i32
      %add3A_892 = arith.addi %add3A_891, %mul3A_890 : i32
      %get3A_893 = arith.index_cast %add3A_892 : i32 to index
      %get3A_894 = tpu.vector_load %arg12[%get3A_893] {strides = array<i32>} : memref<32800xf32, #tpu.memory_space<vmem>>, vector<16xf32>,
      %mul3A_895 = arith.constant 16 : i32
      %mul3A_896 = arith.muli %scan3A_887, %mul3A_895 : i32
      %add3A_897 = arith.constant 13312 : i32
      %add3A_898 = arith.addi %add3A_897, %mul3A_896 : i32
      %swap3A_899 = arith.index_cast %add3A_898 : i32 to index
      %swap3A_900 = tpu.vector_load %arg12[%swap3A_899] {strides = array<i32>} : memref<32800xf32, #tpu.memory_space<vmem>>, vector<16xf32>,
      tpu.vector_store %arg12[%swap3A_899], %get3A_894 {strides = array<i32>} : memref<32800xf32, #tpu.memory_space<vmem>>, vector<16xf32>,
      %scan3A_901 = arith.constant 0 : i32
      scf.yield %scan3A_901 : i32
    }
    %scan3A_760 = arith.constant 64 : i32
    %scan3A_761 = arith.constant 0 : i32
    %scan3A_762 = arith.constant 0 : i32
    %scan3A_763 = arith.constant 64 : i32
    %scan3A_764 = arith.addi %scan3A_762, %scan3A_763 : i32
    %scan3A_765 = arith.constant 1 : i32
    %scan3A_766 = scf.for %scan3A_887 = %scan3A_762 to %scan3A_764 step %scan3A_765 iter_args(%scan3A_888 = %scan3A_761) -> (i32)  : i32 {
      %mul3A_889 = arith.constant 16 : i32
      %mul3A_890 = arith.muli %scan3A_887, %mul3A_889 : i32
      %add3A_891 = arith.constant 14350 : i32
      %add3A_892 = arith.addi %add3A_891, %mul3A_890 : i32
      %get3A_893 = arith.index_cast %add3A_892 : i32 to index
      %get3A_894 = tpu.vector_load %arg12[%get3A_893] {strides = array<i32>} : memref<32800xf32, #tpu.memory_space<vmem>>, vector<16xf32>,
      %mul3A_895 = arith.constant 16 : i32
      %mul3A_896 = arith.muli %scan3A_887, %mul3A_895 : i32
      %add3A_897 = arith.constant 14336 : i32
      %add3A_898 = arith.addi %add3A_897, %mul3A_896 : i32
      %swap3A_899 = arith.index_cast %add3A_898 : i32 to index
      %swap3A_900 = tpu.vector_load %arg12[%swap3A_899] {strides = array<i32>} : memref<32800xf32, #tpu.memory_space<vmem>>, vector<16xf32>,
      tpu.vector_store %arg12[%swap3A_899], %get3A_894 {strides = array<i32>} : memref<32800xf32, #tpu.memory_space<vmem>>, vector<16xf32>,
      %scan3A_901 = arith.constant 0 : i32
      scf.yield %scan3A_901 : i32
    }
    %scan3A_767 = arith.constant 64 : i32
    %scan3A_768 = arith.constant 0 : i32
    %scan3A_769 = arith.constant 0 : i32
    %scan3A_770 = arith.constant 64 : i32
    %scan3A_771 = arith.addi %scan3A_769, %scan3A_770 : i32
    %scan3A_772 = arith.constant 1 : i32
    %scan3A_773 = scf.for %scan3A_887 = %scan3A_769 to %scan3A_771 step %scan3A_772 iter_args(%scan3A_888 = %scan3A_768) -> (i32)  : i32 {
      %mul3A_889 = arith.constant 16 : i32
      %mul3A_890 = arith.muli %scan3A_887, %mul3A_889 : i32
      %add3A_891 = arith.constant 15375 : i32
      %add3A_892 = arith.addi %add3A_891, %mul3A_890 : i32
      %get3A_893 = arith.index_cast %add3A_892 : i32 to index
      %get3A_894 = tpu.vector_load %arg12[%get3A_893] {strides = array<i32>} : memref<32800xf32, #tpu.memory_space<vmem>>, vector<16xf32>,
      %mul3A_895 = arith.constant 16 : i32
      %mul3A_896 = arith.muli %scan3A_887, %mul3A_895 : i32
      %add3A_897 = arith.constant 15360 : i32
      %add3A_898 = arith.addi %add3A_897, %mul3A_896 : i32
      %swap3A_899 = arith.index_cast %add3A_898 : i32 to index
      %swap3A_900 = tpu.vector_load %arg12[%swap3A_899] {strides = array<i32>} : memref<32800xf32, #tpu.memory_space<vmem>>, vector<16xf32>,
      tpu.vector_store %arg12[%swap3A_899], %get3A_894 {strides = array<i32>} : memref<32800xf32, #tpu.memory_space<vmem>>, vector<16xf32>,
      %scan3A_901 = arith.constant 0 : i32
      scf.yield %scan3A_901 : i32
    }
    %scan3A_774 = arith.constant 64 : i32
    %scan3A_775 = arith.constant 0 : i32
    %scan3A_776 = arith.constant 0 : i32
    %scan3A_777 = arith.constant 64 : i32
    %scan3A_778 = arith.addi %scan3A_776, %scan3A_777 : i32
    %scan3A_779 = arith.constant 1 : i32
    %scan3A_780 = scf.for %scan3A_887 = %scan3A_776 to %scan3A_778 step %scan3A_779 iter_args(%scan3A_888 = %scan3A_775) -> (i32)  : i32 {
      %mul3A_889 = arith.constant 16 : i32
      %mul3A_890 = arith.muli %scan3A_887, %mul3A_889 : i32
      %add3A_891 = arith.constant 16400 : i32
      %add3A_892 = arith.addi %add3A_891, %mul3A_890 : i32
      %get3A_893 = arith.index_cast %add3A_892 : i32 to index
      %get3A_894 = tpu.vector_load %arg12[%get3A_893] {strides = array<i32>} : memref<32800xf32, #tpu.memory_space<vmem>>, vector<16xf32>,
      %mul3A_895 = arith.constant 16 : i32
      %mul3A_896 = arith.muli %scan3A_887, %mul3A_895 : i32
      %add3A_897 = arith.constant 16384 : i32
      %add3A_898 = arith.addi %add3A_897, %mul3A_896 : i32
      %swap3A_899 = arith.index_cast %add3A_898 : i32 to index
      %swap3A_900 = tpu.vector_load %arg12[%swap3A_899] {strides = array<i32>} : memref<32800xf32, #tpu.memory_space<vmem>>, vector<16xf32>,
      tpu.vector_store %arg12[%swap3A_899], %get3A_894 {strides = array<i32>} : memref<32800xf32, #tpu.memory_space<vmem>>, vector<16xf32>,
      %scan3A_901 = arith.constant 0 : i32
      scf.yield %scan3A_901 : i32
    }
    %scan3A_781 = arith.constant 64 : i32
    %scan3A_782 = arith.constant 0 : i32
    %scan3A_783 = arith.constant 0 : i32
    %scan3A_784 = arith.constant 64 : i32
    %scan3A_785 = arith.addi %scan3A_783, %scan3A_784 : i32
    %scan3A_786 = arith.constant 1 : i32
    %scan3A_787 = scf.for %scan3A_887 = %scan3A_783 to %scan3A_785 step %scan3A_786 iter_args(%scan3A_888 = %scan3A_782) -> (i32)  : i32 {
      %mul3A_889 = arith.constant 16 : i32
      %mul3A_890 = arith.muli %scan3A_887, %mul3A_889 : i32
      %add3A_891 = arith.constant 17425 : i32
      %add3A_892 = arith.addi %add3A_891, %mul3A_890 : i32
      %get3A_893 = arith.index_cast %add3A_892 : i32 to index
      %get3A_894 = tpu.vector_load %arg12[%get3A_893] {strides = array<i32>} : memref<32800xf32, #tpu.memory_space<vmem>>, vector<16xf32>,
      %mul3A_895 = arith.constant 16 : i32
      %mul3A_896 = arith.muli %scan3A_887, %mul3A_895 : i32
      %add3A_897 = arith.constant 17408 : i32
      %add3A_898 = arith.addi %add3A_897, %mul3A_896 : i32
      %swap3A_899 = arith.index_cast %add3A_898 : i32 to index
      %swap3A_900 = tpu.vector_load %arg12[%swap3A_899] {strides = array<i32>} : memref<32800xf32, #tpu.memory_space<vmem>>, vector<16xf32>,
      tpu.vector_store %arg12[%swap3A_899], %get3A_894 {strides = array<i32>} : memref<32800xf32, #tpu.memory_space<vmem>>, vector<16xf32>,
      %scan3A_901 = arith.constant 0 : i32
      scf.yield %scan3A_901 : i32
    }
    %scan3A_788 = arith.constant 64 : i32
    %scan3A_789 = arith.constant 0 : i32
    %scan3A_790 = arith.constant 0 : i32
    %scan3A_791 = arith.constant 64 : i32
    %scan3A_792 = arith.addi %scan3A_790, %scan3A_791 : i32
    %scan3A_793 = arith.constant 1 : i32
    %scan3A_794 = scf.for %scan3A_887 = %scan3A_790 to %scan3A_792 step %scan3A_793 iter_args(%scan3A_888 = %scan3A_789) -> (i32)  : i32 {
      %mul3A_889 = arith.constant 16 : i32
      %mul3A_890 = arith.muli %scan3A_887, %mul3A_889 : i32
      %add3A_891 = arith.constant 18450 : i32
      %add3A_892 = arith.addi %add3A_891, %mul3A_890 : i32
      %get3A_893 = arith.index_cast %add3A_892 : i32 to index
      %get3A_894 = tpu.vector_load %arg12[%get3A_893] {strides = array<i32>} : memref<32800xf32, #tpu.memory_space<vmem>>, vector<16xf32>,
      %mul3A_895 = arith.constant 16 : i32
      %mul3A_896 = arith.muli %scan3A_887, %mul3A_895 : i32
      %add3A_897 = arith.constant 18432 : i32
      %add3A_898 = arith.addi %add3A_897, %mul3A_896 : i32
      %swap3A_899 = arith.index_cast %add3A_898 : i32 to index
      %swap3A_900 = tpu.vector_load %arg12[%swap3A_899] {strides = array<i32>} : memref<32800xf32, #tpu.memory_space<vmem>>, vector<16xf32>,
      tpu.vector_store %arg12[%swap3A_899], %get3A_894 {strides = array<i32>} : memref<32800xf32, #tpu.memory_space<vmem>>, vector<16xf32>,
      %scan3A_901 = arith.constant 0 : i32
      scf.yield %scan3A_901 : i32
    }
    %scan3A_795 = arith.constant 64 : i32
    %scan3A_796 = arith.constant 0 : i32
    %scan3A_797 = arith.constant 0 : i32
    %scan3A_798 = arith.constant 64 : i32
    %scan3A_799 = arith.addi %scan3A_797, %scan3A_798 : i32
    %scan3A_800 = arith.constant 1 : i32
    %scan3A_801 = scf.for %scan3A_887 = %scan3A_797 to %scan3A_799 step %scan3A_800 iter_args(%scan3A_888 = %scan3A_796) -> (i32)  : i32 {
      %mul3A_889 = arith.constant 16 : i32
      %mul3A_890 = arith.muli %scan3A_887, %mul3A_889 : i32
      %add3A_891 = arith.constant 19475 : i32
      %add3A_892 = arith.addi %add3A_891, %mul3A_890 : i32
      %get3A_893 = arith.index_cast %add3A_892 : i32 to index
      %get3A_894 = tpu.vector_load %arg12[%get3A_893] {strides = array<i32>} : memref<32800xf32, #tpu.memory_space<vmem>>, vector<16xf32>,
      %mul3A_895 = arith.constant 16 : i32
      %mul3A_896 = arith.muli %scan3A_887, %mul3A_895 : i32
      %add3A_897 = arith.constant 19456 : i32
      %add3A_898 = arith.addi %add3A_897, %mul3A_896 : i32
      %swap3A_899 = arith.index_cast %add3A_898 : i32 to index
      %swap3A_900 = tpu.vector_load %arg12[%swap3A_899] {strides = array<i32>} : memref<32800xf32, #tpu.memory_space<vmem>>, vector<16xf32>,
      tpu.vector_store %arg12[%swap3A_899], %get3A_894 {strides = array<i32>} : memref<32800xf32, #tpu.memory_space<vmem>>, vector<16xf32>,
      %scan3A_901 = arith.constant 0 : i32
      scf.yield %scan3A_901 : i32
    }
    %scan3A_802 = arith.constant 64 : i32
    %scan3A_803 = arith.constant 0 : i32
    %scan3A_804 = arith.constant 0 : i32
    %scan3A_805 = arith.constant 64 : i32
    %scan3A_806 = arith.addi %scan3A_804, %scan3A_805 : i32
    %scan3A_807 = arith.constant 1 : i32
    %scan3A_808 = scf.for %scan3A_887 = %scan3A_804 to %scan3A_806 step %scan3A_807 iter_args(%scan3A_888 = %scan3A_803) -> (i32)  : i32 {
      %mul3A_889 = arith.constant 16 : i32
      %mul3A_890 = arith.muli %scan3A_887, %mul3A_889 : i32
      %add3A_891 = arith.constant 20500 : i32
      %add3A_892 = arith.addi %add3A_891, %mul3A_890 : i32
      %get3A_893 = arith.index_cast %add3A_892 : i32 to index
      %get3A_894 = tpu.vector_load %arg12[%get3A_893] {strides = array<i32>} : memref<32800xf32, #tpu.memory_space<vmem>>, vector<16xf32>,
      %mul3A_895 = arith.constant 16 : i32
      %mul3A_896 = arith.muli %scan3A_887, %mul3A_895 : i32
      %add3A_897 = arith.constant 20480 : i32
      %add3A_898 = arith.addi %add3A_897, %mul3A_896 : i32
      %swap3A_899 = arith.index_cast %add3A_898 : i32 to index
      %swap3A_900 = tpu.vector_load %arg12[%swap3A_899] {strides = array<i32>} : memref<32800xf32, #tpu.memory_space<vmem>>, vector<16xf32>,
      tpu.vector_store %arg12[%swap3A_899], %get3A_894 {strides = array<i32>} : memref<32800xf32, #tpu.memory_space<vmem>>, vector<16xf32>,
      %scan3A_901 = arith.constant 0 : i32
      scf.yield %scan3A_901 : i32
    }
    %scan3A_809 = arith.constant 64 : i32
    %scan3A_810 = arith.constant 0 : i32
    %scan3A_811 = arith.constant 0 : i32
    %scan3A_812 = arith.constant 64 : i32
    %scan3A_813 = arith.addi %scan3A_811, %scan3A_812 : i32
    %scan3A_814 = arith.constant 1 : i32
    %scan3A_815 = scf.for %scan3A_887 = %scan3A_811 to %scan3A_813 step %scan3A_814 iter_args(%scan3A_888 = %scan3A_810) -> (i32)  : i32 {
      %mul3A_889 = arith.constant 16 : i32
      %mul3A_890 = arith.muli %scan3A_887, %mul3A_889 : i32
      %add3A_891 = arith.constant 21525 : i32
      %add3A_892 = arith.addi %add3A_891, %mul3A_890 : i32
      %get3A_893 = arith.index_cast %add3A_892 : i32 to index
      %get3A_894 = tpu.vector_load %arg12[%get3A_893] {strides = array<i32>} : memref<32800xf32, #tpu.memory_space<vmem>>, vector<16xf32>,
      %mul3A_895 = arith.constant 16 : i32
      %mul3A_896 = arith.muli %scan3A_887, %mul3A_895 : i32
      %add3A_897 = arith.constant 21504 : i32
      %add3A_898 = arith.addi %add3A_897, %mul3A_896 : i32
      %swap3A_899 = arith.index_cast %add3A_898 : i32 to index
      %swap3A_900 = tpu.vector_load %arg12[%swap3A_899] {strides = array<i32>} : memref<32800xf32, #tpu.memory_space<vmem>>, vector<16xf32>,
      tpu.vector_store %arg12[%swap3A_899], %get3A_894 {strides = array<i32>} : memref<32800xf32, #tpu.memory_space<vmem>>, vector<16xf32>,
      %scan3A_901 = arith.constant 0 : i32
      scf.yield %scan3A_901 : i32
    }
    %scan3A_816 = arith.constant 64 : i32
    %scan3A_817 = arith.constant 0 : i32
    %scan3A_818 = arith.constant 0 : i32
    %scan3A_819 = arith.constant 64 : i32
    %scan3A_820 = arith.addi %scan3A_818, %scan3A_819 : i32
    %scan3A_821 = arith.constant 1 : i32
    %scan3A_822 = scf.for %scan3A_887 = %scan3A_818 to %scan3A_820 step %scan3A_821 iter_args(%scan3A_888 = %scan3A_817) -> (i32)  : i32 {
      %mul3A_889 = arith.constant 16 : i32
      %mul3A_890 = arith.muli %scan3A_887, %mul3A_889 : i32
      %add3A_891 = arith.constant 22550 : i32
      %add3A_892 = arith.addi %add3A_891, %mul3A_890 : i32
      %get3A_893 = arith.index_cast %add3A_892 : i32 to index
      %get3A_894 = tpu.vector_load %arg12[%get3A_893] {strides = array<i32>} : memref<32800xf32, #tpu.memory_space<vmem>>, vector<16xf32>,
      %mul3A_895 = arith.constant 16 : i32
      %mul3A_896 = arith.muli %scan3A_887, %mul3A_895 : i32
      %add3A_897 = arith.constant 22528 : i32
      %add3A_898 = arith.addi %add3A_897, %mul3A_896 : i32
      %swap3A_899 = arith.index_cast %add3A_898 : i32 to index
      %swap3A_900 = tpu.vector_load %arg12[%swap3A_899] {strides = array<i32>} : memref<32800xf32, #tpu.memory_space<vmem>>, vector<16xf32>,
      tpu.vector_store %arg12[%swap3A_899], %get3A_894 {strides = array<i32>} : memref<32800xf32, #tpu.memory_space<vmem>>, vector<16xf32>,
      %scan3A_901 = arith.constant 0 : i32
      scf.yield %scan3A_901 : i32
    }
    %scan3A_823 = arith.constant 64 : i32
    %scan3A_824 = arith.constant 0 : i32
    %scan3A_825 = arith.constant 0 : i32
    %scan3A_826 = arith.constant 64 : i32
    %scan3A_827 = arith.addi %scan3A_825, %scan3A_826 : i32
    %scan3A_828 = arith.constant 1 : i32
    %scan3A_829 = scf.for %scan3A_887 = %scan3A_825 to %scan3A_827 step %scan3A_828 iter_args(%scan3A_888 = %scan3A_824) -> (i32)  : i32 {
      %mul3A_889 = arith.constant 16 : i32
      %mul3A_890 = arith.muli %scan3A_887, %mul3A_889 : i32
      %add3A_891 = arith.constant 23575 : i32
      %add3A_892 = arith.addi %add3A_891, %mul3A_890 : i32
      %get3A_893 = arith.index_cast %add3A_892 : i32 to index
      %get3A_894 = tpu.vector_load %arg12[%get3A_893] {strides = array<i32>} : memref<32800xf32, #tpu.memory_space<vmem>>, vector<16xf32>,
      %mul3A_895 = arith.constant 16 : i32
      %mul3A_896 = arith.muli %scan3A_887, %mul3A_895 : i32
      %add3A_897 = arith.constant 23552 : i32
      %add3A_898 = arith.addi %add3A_897, %mul3A_896 : i32
      %swap3A_899 = arith.index_cast %add3A_898 : i32 to index
      %swap3A_900 = tpu.vector_load %arg12[%swap3A_899] {strides = array<i32>} : memref<32800xf32, #tpu.memory_space<vmem>>, vector<16xf32>,
      tpu.vector_store %arg12[%swap3A_899], %get3A_894 {strides = array<i32>} : memref<32800xf32, #tpu.memory_space<vmem>>, vector<16xf32>,
      %scan3A_901 = arith.constant 0 : i32
      scf.yield %scan3A_901 : i32
    }
    %scan3A_830 = arith.constant 64 : i32
    %scan3A_831 = arith.constant 0 : i32
    %scan3A_832 = arith.constant 0 : i32
    %scan3A_833 = arith.constant 64 : i32
    %scan3A_834 = arith.addi %scan3A_832, %scan3A_833 : i32
    %scan3A_835 = arith.constant 1 : i32
    %scan3A_836 = scf.for %scan3A_887 = %scan3A_832 to %scan3A_834 step %scan3A_835 iter_args(%scan3A_888 = %scan3A_831) -> (i32)  : i32 {
      %mul3A_889 = arith.constant 16 : i32
      %mul3A_890 = arith.muli %scan3A_887, %mul3A_889 : i32
      %add3A_891 = arith.constant 24600 : i32
      %add3A_892 = arith.addi %add3A_891, %mul3A_890 : i32
      %get3A_893 = arith.index_cast %add3A_892 : i32 to index
      %get3A_894 = tpu.vector_load %arg12[%get3A_893] {strides = array<i32>} : memref<32800xf32, #tpu.memory_space<vmem>>, vector<16xf32>,
      %mul3A_895 = arith.constant 16 : i32
      %mul3A_896 = arith.muli %scan3A_887, %mul3A_895 : i32
      %add3A_897 = arith.constant 24576 : i32
      %add3A_898 = arith.addi %add3A_897, %mul3A_896 : i32
      %swap3A_899 = arith.index_cast %add3A_898 : i32 to index
      %swap3A_900 = tpu.vector_load %arg12[%swap3A_899] {strides = array<i32>} : memref<32800xf32, #tpu.memory_space<vmem>>, vector<16xf32>,
      tpu.vector_store %arg12[%swap3A_899], %get3A_894 {strides = array<i32>} : memref<32800xf32, #tpu.memory_space<vmem>>, vector<16xf32>,
      %scan3A_901 = arith.constant 0 : i32
      scf.yield %scan3A_901 : i32
    }
    %scan3A_837 = arith.constant 64 : i32
    %scan3A_838 = arith.constant 0 : i32
    %scan3A_839 = arith.constant 0 : i32
    %scan3A_840 = arith.constant 64 : i32
    %scan3A_841 = arith.addi %scan3A_839, %scan3A_840 : i32
    %scan3A_842 = arith.constant 1 : i32
    %scan3A_843 = scf.for %scan3A_887 = %scan3A_839 to %scan3A_841 step %scan3A_842 iter_args(%scan3A_888 = %scan3A_838) -> (i32)  : i32 {
      %mul3A_889 = arith.constant 16 : i32
      %mul3A_890 = arith.muli %scan3A_887, %mul3A_889 : i32
      %add3A_891 = arith.constant 25625 : i32
      %add3A_892 = arith.addi %add3A_891, %mul3A_890 : i32
      %get3A_893 = arith.index_cast %add3A_892 : i32 to index
      %get3A_894 = tpu.vector_load %arg12[%get3A_893] {strides = array<i32>} : memref<32800xf32, #tpu.memory_space<vmem>>, vector<16xf32>,
      %mul3A_895 = arith.constant 16 : i32
      %mul3A_896 = arith.muli %scan3A_887, %mul3A_895 : i32
      %add3A_897 = arith.constant 25600 : i32
      %add3A_898 = arith.addi %add3A_897, %mul3A_896 : i32
      %swap3A_899 = arith.index_cast %add3A_898 : i32 to index
      %swap3A_900 = tpu.vector_load %arg12[%swap3A_899] {strides = array<i32>} : memref<32800xf32, #tpu.memory_space<vmem>>, vector<16xf32>,
      tpu.vector_store %arg12[%swap3A_899], %get3A_894 {strides = array<i32>} : memref<32800xf32, #tpu.memory_space<vmem>>, vector<16xf32>,
      %scan3A_901 = arith.constant 0 : i32
      scf.yield %scan3A_901 : i32
    }
    %scan3A_844 = arith.constant 64 : i32
    %scan3A_845 = arith.constant 0 : i32
    %scan3A_846 = arith.constant 0 : i32
    %scan3A_847 = arith.constant 64 : i32
    %scan3A_848 = arith.addi %scan3A_846, %scan3A_847 : i32
    %scan3A_849 = arith.constant 1 : i32
    %scan3A_850 = scf.for %scan3A_887 = %scan3A_846 to %scan3A_848 step %scan3A_849 iter_args(%scan3A_888 = %scan3A_845) -> (i32)  : i32 {
      %mul3A_889 = arith.constant 16 : i32
      %mul3A_890 = arith.muli %scan3A_887, %mul3A_889 : i32
      %add3A_891 = arith.constant 26650 : i32
      %add3A_892 = arith.addi %add3A_891, %mul3A_890 : i32
      %get3A_893 = arith.index_cast %add3A_892 : i32 to index
      %get3A_894 = tpu.vector_load %arg12[%get3A_893] {strides = array<i32>} : memref<32800xf32, #tpu.memory_space<vmem>>, vector<16xf32>,
      %mul3A_895 = arith.constant 16 : i32
      %mul3A_896 = arith.muli %scan3A_887, %mul3A_895 : i32
      %add3A_897 = arith.constant 26624 : i32
      %add3A_898 = arith.addi %add3A_897, %mul3A_896 : i32
      %swap3A_899 = arith.index_cast %add3A_898 : i32 to index
      %swap3A_900 = tpu.vector_load %arg12[%swap3A_899] {strides = array<i32>} : memref<32800xf32, #tpu.memory_space<vmem>>, vector<16xf32>,
      tpu.vector_store %arg12[%swap3A_899], %get3A_894 {strides = array<i32>} : memref<32800xf32, #tpu.memory_space<vmem>>, vector<16xf32>,
      %scan3A_901 = arith.constant 0 : i32
      scf.yield %scan3A_901 : i32
    }
    %scan3A_851 = arith.constant 64 : i32
    %scan3A_852 = arith.constant 0 : i32
    %scan3A_853 = arith.constant 0 : i32
    %scan3A_854 = arith.constant 64 : i32
    %scan3A_855 = arith.addi %scan3A_853, %scan3A_854 : i32
    %scan3A_856 = arith.constant 1 : i32
    %scan3A_857 = scf.for %scan3A_887 = %scan3A_853 to %scan3A_855 step %scan3A_856 iter_args(%scan3A_888 = %scan3A_852) -> (i32)  : i32 {
      %mul3A_889 = arith.constant 16 : i32
      %mul3A_890 = arith.muli %scan3A_887, %mul3A_889 : i32
      %add3A_891 = arith.constant 27675 : i32
      %add3A_892 = arith.addi %add3A_891, %mul3A_890 : i32
      %get3A_893 = arith.index_cast %add3A_892 : i32 to index
      %get3A_894 = tpu.vector_load %arg12[%get3A_893] {strides = array<i32>} : memref<32800xf32, #tpu.memory_space<vmem>>, vector<16xf32>,
      %mul3A_895 = arith.constant 16 : i32
      %mul3A_896 = arith.muli %scan3A_887, %mul3A_895 : i32
      %add3A_897 = arith.constant 27648 : i32
      %add3A_898 = arith.addi %add3A_897, %mul3A_896 : i32
      %swap3A_899 = arith.index_cast %add3A_898 : i32 to index
      %swap3A_900 = tpu.vector_load %arg12[%swap3A_899] {strides = array<i32>} : memref<32800xf32, #tpu.memory_space<vmem>>, vector<16xf32>,
      tpu.vector_store %arg12[%swap3A_899], %get3A_894 {strides = array<i32>} : memref<32800xf32, #tpu.memory_space<vmem>>, vector<16xf32>,
      %scan3A_901 = arith.constant 0 : i32
      scf.yield %scan3A_901 : i32
    }
    %scan3A_858 = arith.constant 64 : i32
    %scan3A_859 = arith.constant 0 : i32
    %scan3A_860 = arith.constant 0 : i32
    %scan3A_861 = arith.constant 64 : i32
    %scan3A_862 = arith.addi %scan3A_860, %scan3A_861 : i32
    %scan3A_863 = arith.constant 1 : i32
    %scan3A_864 = scf.for %scan3A_887 = %scan3A_860 to %scan3A_862 step %scan3A_863 iter_args(%scan3A_888 = %scan3A_859) -> (i32)  : i32 {
      %mul3A_889 = arith.constant 16 : i32
      %mul3A_890 = arith.muli %scan3A_887, %mul3A_889 : i32
      %add3A_891 = arith.constant 28700 : i32
      %add3A_892 = arith.addi %add3A_891, %mul3A_890 : i32
      %get3A_893 = arith.index_cast %add3A_892 : i32 to index
      %get3A_894 = tpu.vector_load %arg12[%get3A_893] {strides = array<i32>} : memref<32800xf32, #tpu.memory_space<vmem>>, vector<16xf32>,
      %mul3A_895 = arith.constant 16 : i32
      %mul3A_896 = arith.muli %scan3A_887, %mul3A_895 : i32
      %add3A_897 = arith.constant 28672 : i32
      %add3A_898 = arith.addi %add3A_897, %mul3A_896 : i32
      %swap3A_899 = arith.index_cast %add3A_898 : i32 to index
      %swap3A_900 = tpu.vector_load %arg12[%swap3A_899] {strides = array<i32>} : memref<32800xf32, #tpu.memory_space<vmem>>, vector<16xf32>,
      tpu.vector_store %arg12[%swap3A_899], %get3A_894 {strides = array<i32>} : memref<32800xf32, #tpu.memory_space<vmem>>, vector<16xf32>,
      %scan3A_901 = arith.constant 0 : i32
      scf.yield %scan3A_901 : i32
    }
    %scan3A_865 = arith.constant 64 : i32
    %scan3A_866 = arith.constant 0 : i32
    %scan3A_867 = arith.constant 0 : i32
    %scan3A_868 = arith.constant 64 : i32
    %scan3A_869 = arith.addi %scan3A_867, %scan3A_868 : i32
    %scan3A_870 = arith.constant 1 : i32
    %scan3A_871 = scf.for %scan3A_887 = %scan3A_867 to %scan3A_869 step %scan3A_870 iter_args(%scan3A_888 = %scan3A_866) -> (i32)  : i32 {
      %mul3A_889 = arith.constant 16 : i32
      %mul3A_890 = arith.muli %scan3A_887, %mul3A_889 : i32
      %add3A_891 = arith.constant 29725 : i32
      %add3A_892 = arith.addi %add3A_891, %mul3A_890 : i32
      %get3A_893 = arith.index_cast %add3A_892 : i32 to index
      %get3A_894 = tpu.vector_load %arg12[%get3A_893] {strides = array<i32>} : memref<32800xf32, #tpu.memory_space<vmem>>, vector<16xf32>,
      %mul3A_895 = arith.constant 16 : i32
      %mul3A_896 = arith.muli %scan3A_887, %mul3A_895 : i32
      %add3A_897 = arith.constant 29696 : i32
      %add3A_898 = arith.addi %add3A_897, %mul3A_896 : i32
      %swap3A_899 = arith.index_cast %add3A_898 : i32 to index
      %swap3A_900 = tpu.vector_load %arg12[%swap3A_899] {strides = array<i32>} : memref<32800xf32, #tpu.memory_space<vmem>>, vector<16xf32>,
      tpu.vector_store %arg12[%swap3A_899], %get3A_894 {strides = array<i32>} : memref<32800xf32, #tpu.memory_space<vmem>>, vector<16xf32>,
      %scan3A_901 = arith.constant 0 : i32
      scf.yield %scan3A_901 : i32
    }
    %scan3A_872 = arith.constant 64 : i32
    %scan3A_873 = arith.constant 0 : i32
    %scan3A_874 = arith.constant 0 : i32
    %scan3A_875 = arith.constant 64 : i32
    %scan3A_876 = arith.addi %scan3A_874, %scan3A_875 : i32
    %scan3A_877 = arith.constant 1 : i32
    %scan3A_878 = scf.for %scan3A_887 = %scan3A_874 to %scan3A_876 step %scan3A_877 iter_args(%scan3A_888 = %scan3A_873) -> (i32)  : i32 {
      %mul3A_889 = arith.constant 16 : i32
      %mul3A_890 = arith.muli %scan3A_887, %mul3A_889 : i32
      %add3A_891 = arith.constant 30750 : i32
      %add3A_892 = arith.addi %add3A_891, %mul3A_890 : i32
      %get3A_893 = arith.index_cast %add3A_892 : i32 to index
      %get3A_894 = tpu.vector_load %arg12[%get3A_893] {strides = array<i32>} : memref<32800xf32, #tpu.memory_space<vmem>>, vector<16xf32>,
      %mul3A_895 = arith.constant 16 : i32
      %mul3A_896 = arith.muli %scan3A_887, %mul3A_895 : i32
      %add3A_897 = arith.constant 30720 : i32
      %add3A_898 = arith.addi %add3A_897, %mul3A_896 : i32
      %swap3A_899 = arith.index_cast %add3A_898 : i32 to index
      %swap3A_900 = tpu.vector_load %arg12[%swap3A_899] {strides = array<i32>} : memref<32800xf32, #tpu.memory_space<vmem>>, vector<16xf32>,
      tpu.vector_store %arg12[%swap3A_899], %get3A_894 {strides = array<i32>} : memref<32800xf32, #tpu.memory_space<vmem>>, vector<16xf32>,
      %scan3A_901 = arith.constant 0 : i32
      scf.yield %scan3A_901 : i32
    }
    %scan3A_879 = arith.constant 64 : i32
    %scan3A_880 = arith.constant 0 : i32
    %scan3A_881 = arith.constant 0 : i32
    %scan3A_882 = arith.constant 64 : i32
    %scan3A_883 = arith.addi %scan3A_881, %scan3A_882 : i32
    %scan3A_884 = arith.constant 1 : i32
    %scan3A_885 = scf.for %scan3A_887 = %scan3A_881 to %scan3A_883 step %scan3A_884 iter_args(%scan3A_888 = %scan3A_880) -> (i32)  : i32 {
      %mul3A_889 = arith.constant 16 : i32
      %mul3A_890 = arith.muli %scan3A_887, %mul3A_889 : i32
      %add3A_891 = arith.constant 31775 : i32
      %add3A_892 = arith.addi %add3A_891, %mul3A_890 : i32
      %get3A_893 = arith.index_cast %add3A_892 : i32 to index
      %get3A_894 = tpu.vector_load %arg12[%get3A_893] {strides = array<i32>} : memref<32800xf32, #tpu.memory_space<vmem>>, vector<16xf32>,
      %mul3A_895 = arith.constant 16 : i32
      %mul3A_896 = arith.muli %scan3A_887, %mul3A_895 : i32
      %add3A_897 = arith.constant 31744 : i32
      %add3A_898 = arith.addi %add3A_897, %mul3A_896 : i32
      %swap3A_899 = arith.index_cast %add3A_898 : i32 to index
      %swap3A_900 = tpu.vector_load %arg12[%swap3A_899] {strides = array<i32>} : memref<32800xf32, #tpu.memory_space<vmem>>, vector<16xf32>,
      tpu.vector_store %arg12[%swap3A_899], %get3A_894 {strides = array<i32>} : memref<32800xf32, #tpu.memory_space<vmem>>, vector<16xf32>,
      %scan3A_901 = arith.constant 0 : i32
      scf.yield %scan3A_901 : i32
    }
    %scan3A_886 = arith.constant 64 : i32
    "tpu.region"() ({
      %run_scoped3A = tpu.sem_alloc : memref<!tpu.dma_semaphore, #tpu.memory_space<semaphore_mem>>
      %dma_start3A = arith.constant 0 : i32
      %dma_start3A_887 = tpu.memref_slice %arg12[%dma_start3A] : memref<32800xf32, #tpu.memory_space<vmem>> -> memref<32768xf32, #tpu.memory_space<vmem>>
      %dma_start3A_888 = arith.constant 0 : i32
      %dma_start3A_889 = tpu.memref_slice %arg6[%add3A, %dma_start3A_888] : memref<32x32768xf32, #tpu.memory_space<hbm>> -> memref<1x32768xf32, #tpu.memory_space<hbm>>
      %dma_start3A_890 = tpu.memref_squeeze %dma_start3A_889 : memref<1x32768xf32, #tpu.memory_space<hbm>> -> memref<32768xf32, #tpu.memory_space<hbm>>
      %dma_start3A_891 = arith.constant 0 : i32
      %dma_start3A_892 = tpu.memref_slice %arg6[%add3A, %dma_start3A_891] : memref<32x32768xf32, #tpu.memory_space<hbm>> -> memref<1x32768xf32, #tpu.memory_space<hbm>>
      %dma_start3A_893 = tpu.memref_squeeze %dma_start3A_892 : memref<1x32768xf32, #tpu.memory_space<hbm>> -> memref<32768xf32, #tpu.memory_space<hbm>>
      %dma_start3A_894 = arith.constant 0 : i32
      %dma_start3A_895 = tpu.memref_slice %arg12[%dma_start3A_894] : memref<32800xf32, #tpu.memory_space<vmem>> -> memref<32768xf32, #tpu.memory_space<vmem>>
      tpu.enqueue_dma source(%dma_start3A_895 : memref<32768xf32, #tpu.memory_space<vmem>>) target(%dma_start3A_893 : memref<32768xf32, #tpu.memory_space<hbm>>) target_semaphore(%run_scoped3A : memref<!tpu.dma_semaphore, #tpu.memory_space<semaphore_mem>>)
      %dma_wait3A = arith.constant 0 : i32
      %dma_wait3A_896 = tpu.memref_slice %arg12[%dma_wait3A] : memref<32800xf32, #tpu.memory_space<vmem>> -> memref<32768xf32, #tpu.memory_space<vmem>>
      %dma_wait3A_897 = arith.constant 0 : i32
      %dma_wait3A_898 = tpu.memref_slice %arg6[%add3A, %dma_wait3A_897] : memref<32x32768xf32, #tpu.memory_space<hbm>> -> memref<1x32768xf32, #tpu.memory_space<hbm>>
      %dma_wait3A_899 = tpu.memref_squeeze %dma_wait3A_898 : memref<1x32768xf32, #tpu.memory_space<hbm>> -> memref<32768xf32, #tpu.memory_space<hbm>>
      %dma_wait3A_900 = arith.constant 0 : i32
      %dma_wait3A_901 = tpu.memref_slice %arg6[%add3A, %dma_wait3A_900] : memref<32x32768xf32, #tpu.memory_space<hbm>> -> memref<1x32768xf32, #tpu.memory_space<hbm>>
      %dma_wait3A_902 = tpu.memref_squeeze %dma_wait3A_901 : memref<1x32768xf32, #tpu.memory_space<hbm>> -> memref<32768xf32, #tpu.memory_space<hbm>>
      %dma_wait3A_903 = arith.constant 0 : i32
      %dma_wait3A_904 = tpu.memref_slice %arg12[%dma_wait3A_903] : memref<32800xf32, #tpu.memory_space<vmem>> -> memref<32768xf32, #tpu.memory_space<vmem>>
      tpu.wait_dma2 semaphore(%run_scoped3A : memref<!tpu.dma_semaphore, #tpu.memory_space<semaphore_mem>>) src(%dma_wait3A_904 : memref<32768xf32, #tpu.memory_space<vmem>>) dst(%dma_wait3A_902 : memref<32768xf32, #tpu.memory_space<hbm>>)
      tpu.yield
    }) : () -> ()
    return
  }
}

module attributes {stable_mosaic.version = 14 : i64} {
  func.func @_finalize_body(%arg0: memref<32x1024x32xf32, #tpu.memory_space<vmem>>, %arg1: memref<2x128xf32, #tpu.memory_space<vmem>>, %arg2: memref<16x16xf32, #tpu.memory_space<vmem>>, %arg3: memref<16x16xf32, #tpu.memory_space<vmem>>, %arg4: memref<1x1xf32, #tpu.memory_space<vmem>>) attributes {dimension_semantics = [], scalar_prefetch = 0 : i64, scratch_operands = 0 : i64, tpu.core_type = #tpu.core_type<tc>} {
    %get3A = arith.constant 0 : index
    %get3A_0 = arith.constant 0 : index
    %get3A_1 = arith.constant 0 : index
    %get3A_2 = vector.load %arg0[%get3A, %get3A_0, %get3A_1] : memref<32x1024x32xf32, #tpu.memory_space<vmem>>, vector<32x1024x32xf32>
    %reduce_sum3A = arith.constant dense<0.000000e+00> : vector<1024x32xf32>
    %reduce_sum3A_3 = vector.multi_reduction <add>, %get3A_2, %reduce_sum3A [0] : vector<32x1024x32xf32> to vector<1024x32xf32>
    %reshape3A = vector.shape_cast %reduce_sum3A_3 : vector<1024x32xf32> to vector<2x16x32x32xf32>
    %slice3A = vector.extract_strided_slice %reshape3A {offsets = [0, 0, 0, 0], sizes = [2, 16, 30, 30], strides = [1, 1, 1, 1]} : vector<2x16x32x32xf32> to vector<2x16x30x30xf32>
    %reduce_sum3A_4 = arith.constant dense<0.000000e+00> : vector<2x16x30xf32>
    %reduce_sum3A_5 = vector.multi_reduction <add>, %slice3A, %reduce_sum3A_4 [3] : vector<2x16x30x30xf32> to vector<2x16x30xf32>
    %reduce_sum3A_6 = arith.constant dense<0.000000e+00> : vector<2x16x30xf32>
    %reduce_sum3A_7 = vector.multi_reduction <add>, %slice3A, %reduce_sum3A_6 [2] : vector<2x16x30x30xf32> to vector<2x16x30xf32>
    %reduce_sum3A_8 = arith.constant dense<0.000000e+00> : vector<2x16xf32>
    %reduce_sum3A_9 = vector.multi_reduction <add>, %reduce_sum3A_5, %reduce_sum3A_8 [2] : vector<2x16x30xf32> to vector<2x16xf32>
    %broadcast_in_dim3A = vector.shape_cast %reduce_sum3A_9 : vector<2x16xf32> to vector<2x16x1xf32>
    %reduce_sum3A_10 = arith.constant dense<0.000000e+00> : vector<2x16xf32>
    %reduce_sum3A_11 = vector.multi_reduction <add>, %reduce_sum3A_7, %reduce_sum3A_10 [2] : vector<2x16x30xf32> to vector<2x16xf32>
    %broadcast_in_dim3A_12 = vector.shape_cast %reduce_sum3A_11 : vector<2x16xf32> to vector<2x16x1xf32>
    %reduce_sum3A_13 = arith.constant dense<0.000000e+00> : vector<2x16xf32>
    %reduce_sum3A_14 = vector.multi_reduction <add>, %slice3A, %reduce_sum3A_13 [2, 3] : vector<2x16x30x30xf32> to vector<2x16xf32>
    %broadcast_in_dim3A_15 = vector.shape_cast %reduce_sum3A_14 : vector<2x16xf32> to vector<2x16x1x1xf32>
    %div3A = vector.broadcast %broadcast_in_dim3A : vector<2x16x1xf32> to vector<2x16x30xf32>
    %div3A_16 = arith.divf %reduce_sum3A_5, %div3A : vector<2x16x30xf32>
    %div3A_17 = vector.broadcast %broadcast_in_dim3A_12 : vector<2x16x1xf32> to vector<2x16x30xf32>
    %div3A_18 = arith.divf %reduce_sum3A_7, %div3A_17 : vector<2x16x30xf32>
    %div3A_19 = vector.broadcast %broadcast_in_dim3A_15 : vector<2x16x1x1xf32> to vector<2x16x30x30xf32>
    %div3A_20 = arith.divf %slice3A, %div3A_19 : vector<2x16x30x30xf32>
    %eq3A = arith.constant 0.000000e+00 : f32
    %eq3A_21 = vector.broadcast %eq3A : f32 to vector<2x16x30xf32>
    %eq3A_22 = arith.cmpf oeq, %div3A_16, %eq3A_21 : vector<2x16x30xf32>
    %jit3A = arith.constant 1.000000e-10 : f32
    %broadcast_in_dim3A_23 = vector.broadcast %jit3A : f32 to vector<2x16x30xf32>
    %select_n3A = arith.select %eq3A_22, %broadcast_in_dim3A_23, %div3A_16 : vector<2x16x30xi1>, vector<2x16x30xf32>
    %eq3A_24 = arith.constant 0.000000e+00 : f32
    %eq3A_25 = vector.broadcast %eq3A_24 : f32 to vector<2x16x30xf32>
    %eq3A_26 = arith.cmpf oeq, %div3A_18, %eq3A_25 : vector<2x16x30xf32>
    %jit3A_27 = arith.constant 1.000000e-10 : f32
    %broadcast_in_dim3A_28 = vector.broadcast %jit3A_27 : f32 to vector<2x16x30xf32>
    %select_n3A_29 = arith.select %eq3A_26, %broadcast_in_dim3A_28, %div3A_18 : vector<2x16x30xi1>, vector<2x16x30xf32>
    %eq3A_30 = arith.constant 0.000000e+00 : f32
    %eq3A_31 = vector.broadcast %eq3A_30 : f32 to vector<2x16x30x30xf32>
    %eq3A_32 = arith.cmpf oeq, %div3A_20, %eq3A_31 : vector<2x16x30x30xf32>
    %jit3A_33 = arith.constant 1.000000e-10 : f32
    %broadcast_in_dim3A_34 = vector.broadcast %jit3A_33 : f32 to vector<2x16x30x30xf32>
    %select_n3A_35 = arith.select %eq3A_32, %broadcast_in_dim3A_34, %div3A_20 : vector<2x16x30x30xi1>, vector<2x16x30x30xf32>
    %broadcast_in_dim3A_36 = vector.shape_cast %select_n3A : vector<2x16x30xf32> to vector<2x16x30x1xf32>
    %broadcast_in_dim3A_37 = vector.shape_cast %select_n3A_29 : vector<2x16x30xf32> to vector<2x16x1x30xf32>
    %mul3A = vector.broadcast %broadcast_in_dim3A_36 : vector<2x16x30x1xf32> to vector<2x16x30x30xf32>
    %mul3A_38 = vector.broadcast %broadcast_in_dim3A_37 : vector<2x16x1x30xf32> to vector<2x16x30x30xf32>
    %mul3A_39 = arith.mulf %mul3A, %mul3A_38 : vector<2x16x30x30xf32>
    %div3A_40 = arith.divf %select_n3A_35, %mul3A_39 : vector<2x16x30x30xf32>
    %log3A = math.log %div3A_40 : vector<2x16x30x30xf32>
    %mul3A_41 = arith.mulf %select_n3A_35, %log3A : vector<2x16x30x30xf32>
    %reduce_sum3A_42 = arith.constant dense<0.000000e+00> : vector<2x16xf32>
    %reduce_sum3A_43 = vector.multi_reduction <add>, %mul3A_41, %reduce_sum3A_42 [2, 3] : vector<2x16x30x30xf32> to vector<2x16xf32>
    %slice3A_44 = vector.extract_strided_slice %reduce_sum3A_43 {offsets = [0, 0], sizes = [1, 16], strides = [1, 1]} : vector<2x16xf32> to vector<1x16xf32>
    %squeeze3A = vector.shape_cast %slice3A_44 : vector<1x16xf32> to vector<16xf32>
    %reduce_sum3A_45 = vector.shape_cast %squeeze3A : vector<16xf32> to vector<1x16xf32>
    %reduce_sum3A_46 = arith.constant dense<0.000000e+00> : vector<1xf32>
    %reduce_sum3A_47 = vector.multi_reduction <add>, %reduce_sum3A_45, %reduce_sum3A_46 [1] : vector<1x16xf32> to vector<1xf32>
    %reduce_sum3A_48 = vector.shape_cast %reduce_sum3A_47 : vector<1xf32> to vector<1x1xf32>
    %reduce_sum3A_49 = vector.extract %reduce_sum3A_48[0, 0] : f32 from vector<1x1xf32>
    %slice3A_50 = vector.extract_strided_slice %reduce_sum3A_43 {offsets = [1, 0], sizes = [1, 16], strides = [1, 1]} : vector<2x16xf32> to vector<1x16xf32>
    %squeeze3A_51 = vector.shape_cast %slice3A_50 : vector<1x16xf32> to vector<16xf32>
    %reduce_sum3A_52 = vector.shape_cast %squeeze3A_51 : vector<16xf32> to vector<1x16xf32>
    %reduce_sum3A_53 = arith.constant dense<0.000000e+00> : vector<1xf32>
    %reduce_sum3A_54 = vector.multi_reduction <add>, %reduce_sum3A_52, %reduce_sum3A_53 [1] : vector<1x16xf32> to vector<1xf32>
    %reduce_sum3A_55 = vector.shape_cast %reduce_sum3A_54 : vector<1xf32> to vector<1x1xf32>
    %reduce_sum3A_56 = vector.extract %reduce_sum3A_55[0, 0] : f32 from vector<1x1xf32>
    %iota3A = tpu.iota {dimensions = array<i32: 1>} : vector<1x30xi32>
    %convert_element_type3A = arith.sitofp %iota3A : vector<1x30xi32> to vector<1x30xf32>
    %div3A_57 = arith.constant 2.900000e+01 : f32
    %div3A_58 = vector.broadcast %div3A_57 : f32 to vector<1x30xf32>
    %div3A_59 = arith.divf %convert_element_type3A, %div3A_58 : vector<1x30xf32>
    %get3A_60 = arith.constant 0 : index
    %get3A_61 = arith.constant 0 : index
    %get3A_62 = vector.load %arg2[%get3A_60, %get3A_61] : memref<16x16xf32, #tpu.memory_space<vmem>>, vector<16x16xf32>
    %reduce_min3A = arith.constant dense<0x7F800000> : vector<16xf32>
    %reduce_min3A_63 = vector.multi_reduction <minimumf>, %get3A_62, %reduce_min3A [1] : vector<16x16xf32> to vector<16xf32>
    %broadcast_in_dim3A_64 = vector.shape_cast %reduce_min3A_63 : vector<16xf32> to vector<16x1xf32>
    %reduce_max3A = arith.constant dense<0xFF800000> : vector<16xf32>
    %reduce_max3A_65 = vector.multi_reduction <maximumf>, %get3A_62, %reduce_max3A [1] : vector<16x16xf32> to vector<16xf32>
    %broadcast_in_dim3A_66 = vector.shape_cast %reduce_max3A_65 : vector<16xf32> to vector<16x1xf32>
    %sub3A = arith.constant 1.000000e+00 : f32
    %sub3A_67 = vector.broadcast %sub3A : f32 to vector<1x30xf32>
    %sub3A_68 = arith.subf %sub3A_67, %div3A_59 : vector<1x30xf32>
    %mul3A_69 = vector.broadcast %broadcast_in_dim3A_64 : vector<16x1xf32> to vector<16x30xf32>
    %mul3A_70 = vector.broadcast %sub3A_68 : vector<1x30xf32> to vector<16x30xf32>
    %mul3A_71 = arith.mulf %mul3A_69, %mul3A_70 : vector<16x30xf32>
    %mul3A_72 = vector.broadcast %broadcast_in_dim3A_66 : vector<16x1xf32> to vector<16x30xf32>
    %mul3A_73 = vector.broadcast %div3A_59 : vector<1x30xf32> to vector<16x30xf32>
    %mul3A_74 = arith.mulf %mul3A_72, %mul3A_73 : vector<16x30xf32>
    %add3A = arith.addf %mul3A_71, %mul3A_74 : vector<16x30xf32>
    %broadcast_in_dim3A_75 = vector.shape_cast %add3A : vector<16x30xf32> to vector<16x1x30xf32>
    %broadcast_in_dim3A_76 = vector.shape_cast %get3A_62 : vector<16x16xf32> to vector<16x16x1xf32>
    %le3A = vector.broadcast %broadcast_in_dim3A_75 : vector<16x1x30xf32> to vector<16x16x30xf32>
    %le3A_77 = vector.broadcast %broadcast_in_dim3A_76 : vector<16x16x1xf32> to vector<16x16x30xf32>
    %le3A_78 = arith.cmpf ole, %le3A, %le3A_77 : vector<16x16x30xf32>
    %convert_element_type3A_79 = arith.extui %le3A_78 : vector<16x16x30xi1> to vector<16x16x30xi32>
    %reduce_sum3A_80 = arith.constant dense<0> : vector<16x16xi32>
    %reduce_sum3A_81 = vector.multi_reduction <add>, %convert_element_type3A_79, %reduce_sum3A_80 [2] : vector<16x16x30xi32> to vector<16x16xi32>
    %get3A_82 = arith.constant 0 : index
    %get3A_83 = arith.constant 0 : index
    %get3A_84 = vector.load %arg3[%get3A_82, %get3A_83] : memref<16x16xf32, #tpu.memory_space<vmem>>, vector<16x16xf32>
    %reduce_min3A_85 = arith.constant dense<0x7F800000> : vector<16xf32>
    %reduce_min3A_86 = vector.multi_reduction <minimumf>, %get3A_84, %reduce_min3A_85 [1] : vector<16x16xf32> to vector<16xf32>
    %broadcast_in_dim3A_87 = vector.shape_cast %reduce_min3A_86 : vector<16xf32> to vector<16x1xf32>
    %reduce_max3A_88 = arith.constant dense<0xFF800000> : vector<16xf32>
    %reduce_max3A_89 = vector.multi_reduction <maximumf>, %get3A_84, %reduce_max3A_88 [1] : vector<16x16xf32> to vector<16xf32>
    %broadcast_in_dim3A_90 = vector.shape_cast %reduce_max3A_89 : vector<16xf32> to vector<16x1xf32>
    %sub3A_91 = arith.constant 1.000000e+00 : f32
    %sub3A_92 = vector.broadcast %sub3A_91 : f32 to vector<1x30xf32>
    %sub3A_93 = arith.subf %sub3A_92, %div3A_59 : vector<1x30xf32>
    %mul3A_94 = vector.broadcast %broadcast_in_dim3A_87 : vector<16x1xf32> to vector<16x30xf32>
    %mul3A_95 = vector.broadcast %sub3A_93 : vector<1x30xf32> to vector<16x30xf32>
    %mul3A_96 = arith.mulf %mul3A_94, %mul3A_95 : vector<16x30xf32>
    %mul3A_97 = vector.broadcast %broadcast_in_dim3A_90 : vector<16x1xf32> to vector<16x30xf32>
    %mul3A_98 = vector.broadcast %div3A_59 : vector<1x30xf32> to vector<16x30xf32>
    %mul3A_99 = arith.mulf %mul3A_97, %mul3A_98 : vector<16x30xf32>
    %add3A_100 = arith.addf %mul3A_96, %mul3A_99 : vector<16x30xf32>
    %broadcast_in_dim3A_101 = vector.shape_cast %add3A_100 : vector<16x30xf32> to vector<16x1x30xf32>
    %broadcast_in_dim3A_102 = vector.shape_cast %get3A_84 : vector<16x16xf32> to vector<16x16x1xf32>
    %le3A_103 = vector.broadcast %broadcast_in_dim3A_101 : vector<16x1x30xf32> to vector<16x16x30xf32>
    %le3A_104 = vector.broadcast %broadcast_in_dim3A_102 : vector<16x16x1xf32> to vector<16x16x30xf32>
    %le3A_105 = arith.cmpf ole, %le3A_103, %le3A_104 : vector<16x16x30xf32>
    %convert_element_type3A_106 = arith.extui %le3A_105 : vector<16x16x30xi1> to vector<16x16x30xi32>
    %reduce_sum3A_107 = arith.constant dense<0> : vector<16x16xi32>
    %reduce_sum3A_108 = vector.multi_reduction <add>, %convert_element_type3A_106, %reduce_sum3A_107 [2] : vector<16x16x30xi32> to vector<16x16xi32>
    %broadcast_in_dim3A_109 = vector.shape_cast %reduce_sum3A_81 : vector<16x16xi32> to vector<16x16x1xi32>
    %broadcast_in_dim3A_110 = vector.shape_cast %reduce_sum3A_81 : vector<16x16xi32> to vector<16x1x16xi32>
    %eq3A_111 = vector.broadcast %broadcast_in_dim3A_109 : vector<16x16x1xi32> to vector<16x16x16xi32>
    %eq3A_112 = vector.broadcast %broadcast_in_dim3A_110 : vector<16x1x16xi32> to vector<16x16x16xi32>
    %eq3A_113 = arith.cmpi eq, %eq3A_111, %eq3A_112 : vector<16x16x16xi32>
    %broadcast_in_dim3A_114 = vector.shape_cast %reduce_sum3A_108 : vector<16x16xi32> to vector<16x16x1xi32>
    %broadcast_in_dim3A_115 = vector.shape_cast %reduce_sum3A_108 : vector<16x16xi32> to vector<16x1x16xi32>
    %eq3A_116 = vector.broadcast %broadcast_in_dim3A_114 : vector<16x16x1xi32> to vector<16x16x16xi32>
    %eq3A_117 = vector.broadcast %broadcast_in_dim3A_115 : vector<16x1x16xi32> to vector<16x16x16xi32>
    %eq3A_118 = arith.cmpi eq, %eq3A_116, %eq3A_117 : vector<16x16x16xi32>
    %convert_element_type3A_119 = arith.extui %eq3A_113 : vector<16x16x16xi1> to vector<16x16x16xi32>
    %convert_element_type3A_120 = arith.sitofp %convert_element_type3A_119 : vector<16x16x16xi32> to vector<16x16x16xf32>
    %reduce_sum3A_121 = arith.constant dense<0.000000e+00> : vector<16x16xf32>
    %reduce_sum3A_122 = vector.multi_reduction <add>, %convert_element_type3A_120, %reduce_sum3A_121 [2] : vector<16x16x16xf32> to vector<16x16xf32>
    %convert_element_type3A_123 = arith.extui %eq3A_118 : vector<16x16x16xi1> to vector<16x16x16xi32>
    %convert_element_type3A_124 = arith.sitofp %convert_element_type3A_123 : vector<16x16x16xi32> to vector<16x16x16xf32>
    %reduce_sum3A_125 = arith.constant dense<0.000000e+00> : vector<16x16xf32>
    %reduce_sum3A_126 = vector.multi_reduction <add>, %convert_element_type3A_124, %reduce_sum3A_125 [2] : vector<16x16x16xf32> to vector<16x16xf32>
    %and3A = arith.andi %eq3A_113, %eq3A_118 : vector<16x16x16xi1>
    %convert_element_type3A_127 = arith.extui %and3A : vector<16x16x16xi1> to vector<16x16x16xi32>
    %convert_element_type3A_128 = arith.sitofp %convert_element_type3A_127 : vector<16x16x16xi32> to vector<16x16x16xf32>
    %reduce_sum3A_129 = arith.constant dense<0.000000e+00> : vector<16x16xf32>
    %reduce_sum3A_130 = vector.multi_reduction <add>, %convert_element_type3A_128, %reduce_sum3A_129 [2] : vector<16x16x16xf32> to vector<16x16xf32>
    %mul3A_131 = arith.constant 1.600000e+01 : f32
    %mul3A_132 = vector.broadcast %mul3A_131 : f32 to vector<16x16xf32>
    %mul3A_133 = arith.mulf %reduce_sum3A_130, %mul3A_132 : vector<16x16xf32>
    %mul3A_134 = arith.mulf %reduce_sum3A_122, %reduce_sum3A_126 : vector<16x16xf32>
    %div3A_135 = arith.divf %mul3A_133, %mul3A_134 : vector<16x16xf32>
    %log3A_136 = math.log %div3A_135 : vector<16x16xf32>
    %reduce_sum3A_137 = vector.shape_cast %log3A_136 : vector<16x16xf32> to vector<1x16x16xf32>
    %reduce_sum3A_138 = arith.constant dense<0.000000e+00> : vector<1xf32>
    %reduce_sum3A_139 = vector.multi_reduction <add>, %reduce_sum3A_137, %reduce_sum3A_138 [1, 2] : vector<1x16x16xf32> to vector<1xf32>
    %reduce_sum3A_140 = vector.shape_cast %reduce_sum3A_139 : vector<1xf32> to vector<1x1x1xf32>
    %reduce_sum3A_141 = vector.extract %reduce_sum3A_140[0, 0, 0] : f32 from vector<1x1x1xf32>
    %div3A_142 = arith.constant 1.600000e+01 : f32
    %div3A_143 = arith.divf %reduce_sum3A_141, %div3A_142 : f32
    %get3A_144 = arith.constant 0 : index
    %get3A_145 = arith.constant 0 : index
    %get3A_146 = vector.load %arg1[%get3A_144, %get3A_145] : memref<2x128xf32, #tpu.memory_space<vmem>>, vector<1x16xf32>
    %get3A_147 = vector.shape_cast %get3A_146 : vector<1x16xf32> to vector<16xf32>
    %reduce_sum3A_148 = vector.shape_cast %get3A_147 : vector<16xf32> to vector<1x16xf32>
    %reduce_sum3A_149 = arith.constant dense<0.000000e+00> : vector<1xf32>
    %reduce_sum3A_150 = vector.multi_reduction <add>, %reduce_sum3A_148, %reduce_sum3A_149 [1] : vector<1x16xf32> to vector<1xf32>
    %reduce_sum3A_151 = vector.shape_cast %reduce_sum3A_150 : vector<1xf32> to vector<1x1xf32>
    %reduce_sum3A_152 = vector.extract %reduce_sum3A_151[0, 0] : f32 from vector<1x1xf32>
    %div3A_153 = arith.constant 2.000000e+05 : f32
    %div3A_154 = arith.divf %reduce_sum3A_152, %div3A_153 : f32
    %add3A_155 = arith.addf %reduce_sum3A_49, %reduce_sum3A_56 : f32
    %mul3A_156 = arith.constant 5.000000e-01 : f32
    %mul3A_157 = arith.mulf %mul3A_156, %div3A_143 : f32
    %sub3A_158 = arith.subf %add3A_155, %mul3A_157 : f32
    %mul3A_159 = arith.constant 1.000000e-01 : f32
    %mul3A_160 = arith.mulf %mul3A_159, %sub3A_158 : f32
    %add3A_161 = arith.addf %div3A_154, %mul3A_160 : f32
    %broadcast_in_dim3A_162 = vector.broadcast %add3A_161 : f32 to vector<1x1xf32>
    %swap3A = arith.constant 0 : index
    %swap3A_163 = arith.constant 0 : index
    %swap3A_164 = vector.load %arg4[%swap3A, %swap3A_163] : memref<1x1xf32, #tpu.memory_space<vmem>>, vector<1x1xf32>
    tpu.vector_store %arg4[%swap3A, %swap3A_163], %broadcast_in_dim3A_162 {strides = array<i32>} : memref<1x1xf32, #tpu.memory_space<vmem>>, vector<1x1xf32>,
    return
  }
}

</mosaic_0001>

<sc_bundles>
// kernel: kernel.4.cloned.1.call-start
scs
__scs_entry_jumppad:
0x0: {  	(pc) =	sbr.rel $0x88, $3  }
0x1: {  	(tag) =	ssettag $0x0;
	lr =	simm.s32 $0x1  }
0x2: {  	[smem:$0x3F9D] =	sst lr;
	_ =	strace $0xD0000000  }
0x3: {  	_ = 	snop  }
0x4: {  	_ = 	snop  }
0x5: {  	_ = 	snop  }
0x6: {  	_ = 	snop  }
0x7: {  	_ = 	snop  }
__scs_overlays_trampoline_lowered:
0x8: {  	[smem:$0x3FAC] =	sst s0  }
0x9: {  	[smem:$0x3FAD] =	sst s1  }
0xa: {  	[smem:$0x3FAE] =	sst s2  }
0xb: {  	[smem:$0x3FAF] =	sst s3  }
0xc: {  	[smem:$0x3FB0] =	sst s4  }
0xd: {  	[smem:$0x3FB1] =	sst s5  }
0xe: {  	[smem:$0x3FB2] =	sst s6  }
0xf: {  	[smem:$0x3FB3] =	sst s7  }
0x10: {  	[smem:$0x3FB4] =	sst s8  }
0x11: {  	[smem:$0x3FB5] =	sst s9;
	s0 =	simm.s32 @!p0 $0x0  }
0x12: {  	s1 =	sld [smem:$0x3F9B];
	s0 =	simm.s32 @p0 $0x1  }
0x13: {  	[smem:$0x3FB6] =	sst s0;
	s0 =	simm.s32 @!p1 $0x0  }
0x14: {  	s2 =	sld [smem:$0x3F9A];
	s0 =	simm.s32 @p1 $0x1  }
0x15: {  	[smem:$0x3FB7] =	sst s0;
	s0 =	simm.s32 @!p2 $0x0  }
0x16: {  	s3 =	sld [smem:$0x3FDB];
	s0 =	simm.s32 @p2 $0x1  }
0x17: {  	s4 =	simm.s32 $0x1BF5;
	[smem:$0x3FB9] =	sst s0  }
0x18: {  	s0 =	sld [smem:$0x3F9C];
	_ =	swait.ge [sflag:s4], $0x0  }
0x19: {  	s7 =	sld [smem:$0x3F9D]  }
0x1a: {  	s8 =	sadd.s32 $0xFFFFE003, lr  }
0x1b: {  	s9 =	sadd.s32 $0xFFFFFEF7, lr;
	s5 =	simm.s32 $0xFFFFFFFF;
	p2 =	slt.u32 s8, $0xFFFFF086  }
0x1c: {  	p1 =	slt.u32 s9, $0xF7A;
	s5 =	simm.s32 @!p2 $0x0  }
0x1d: {  	s5 =	simm.s32 @p1 $0x1;
	p0 =	seq.s32 s7, s2  }
0x1e: {  	s7 =	smul.u32 @!p0 $0xF7A, s2;
	p2 =	seq.s32 @!p0 s5, $0x0  }
0x1f: {  	s9 =	smul.u32 $0xF7A, s1;
	s8 =	simm.s32 @!p0 $0x1BF5;
	p2 =	por !p2, p0  }
0x20: {  	[sflag:s8] =	ssyncset.s32 @!p0 $0xFFFFF086;
	s6 =	sadd.s32 @!p0 s3, s7;
	s7 =	simm.s32 @!p0 $0x108  }
0x21: {  	s3 =	sadd.s32 s3, s9;
	s6 =	sadd.s32 @!p0 $0x88, s6;
	s7 =	simm.s32 @p2 $0x1082  }
0x22: {  	[simem:s7], [sflag:s8] =	dma.local @!p0 [hbm:s6], $0xF7A  }
0x23: {  	s9 =	sor.u32 $0xD0000000, s2;
	s6 =	simm.s32 $0x108;
	_ =	swait.ge @!p0 [sflag:s8], $0x0  }
0x24: {  	s3 =	sadd.s32 $0x88, s3;
	s6 =	simm.s32 @!p1 $0x1082;
	[sflag:s4] =	ssyncset.s32 $0xFFFFF086  }
0x25: {  	[simem:s6], [sflag:s4] =	dma.local [hbm:s3], $0xF7A  }
0x26: {  	[smem:$0x3F9D] =	sst s1;
	(tag) =	ssettag s2;
	_ =	strace s9  }
0x27: {  	s1 =	sld [smem:$0x3FAD]  }
0x28: {  	s2 =	sld [smem:$0x3FAE]  }
0x29: {  	s4 =	sld [smem:$0x3FB0]  }
0x2a: {  	p0 =	seq.s32 s5, $0x0;
	s5 =	sld [smem:$0x3FB1]  }
0x2b: {  	s6 =	sld [smem:$0x3FB2]  }
0x2c: {  	s7 =	sld [smem:$0x3FB3]  }
0x2d: {  	s3 =	simm.s32 $0x108;
	s8 =	sld [smem:$0x3FB4]  }
0x2e: {  	s3 =	simm.s32 @!p0 $0x1082;
	s9 =	sld [smem:$0x3FB5]  }
0x2f: {  	lr =	sadd.s32 s0, s3;
	s0 =	sld [smem:$0x3FAC]  }
0x30: {  	s3 =	sld [smem:$0x3FAF]  }
0x31: {  	[smem:$0x3FB8] =	sst s10  }
0x32: {  	s10 =	sld [smem:$0x3FB6];
	_ =	sdelay $0x3  }
0x33: {  	p0 =	seq.s32 s10, $0x1;
	s10 =	sld [smem:$0x3FB8];
	_ =	sdelay $0x3  }
0x34: {  	[smem:$0x3FB8] =	sst s10  }
0x35: {  	s10 =	sld [smem:$0x3FB7];
	_ =	sdelay $0x3  }
0x36: {  	p1 =	seq.s32 s10, $0x1;
	s10 =	sld [smem:$0x3FB8];
	_ =	sdelay $0x3  }
0x37: {  	[smem:$0x3FB8] =	sst s10  }
0x38: {  	s10 =	sld [smem:$0x3FB9]  }
0x39: {  	_ = 	snop;
	(pc) =	sbr.ind lr, $3  }
0x3a: {  	_ = 	snop  }
0x3b: {  	_ = 	snop  }
0x3c: {  	p2 =	seq.s32 s10, $0x1;
	s10 =	sld [smem:$0x3FB8]  }
0x3d: {  	_ =	shalt  }
0x3e: {  	_ =	shalt  }
0x3f: {  	_ =	shalt  }
0x40: {  	_ =	shalt  }
0x41: {  	_ =	shalt  }
0x42: {  	_ =	shalt  }
0x43: {  	_ =	shalt  }
0x44: {  	_ =	shalt  }
0x45: {  	_ =	shalt  }
0x46: {  	_ =	shalt  }
0x47: {  	_ =	shalt  }
0x48: {  	_ =	shalt  }
0x49: {  	_ =	shalt  }
0x4a: {  	_ =	shalt  }
0x4b: {  	_ =	shalt  }
0x4c: {  	_ =	shalt  }
0x4d: {  	_ =	shalt  }
0x4e: {  	_ =	shalt  }
0x4f: {  	_ =	shalt  }
0x50: {  	_ =	shalt  }
0x51: {  	_ =	shalt  }
0x52: {  	_ =	shalt  }
0x53: {  	_ =	shalt  }
0x54: {  	_ =	shalt  }
0x55: {  	_ =	shalt  }
0x56: {  	_ =	shalt  }
0x57: {  	_ =	shalt  }
0x58: {  	_ =	shalt  }
0x59: {  	_ =	shalt  }
0x5a: {  	_ =	shalt  }
0x5b: {  	_ =	shalt  }
0x5c: {  	_ =	shalt  }
0x5d: {  	_ =	shalt  }
0x5e: {  	_ =	shalt  }
0x5f: {  	_ =	shalt  }
0x60: {  	_ =	shalt  }
0x61: {  	_ =	shalt  }
0x62: {  	_ =	shalt  }
0x63: {  	_ =	shalt  }
0x64: {  	_ =	shalt  }
0x65: {  	_ =	shalt  }
0x66: {  	_ =	shalt  }
0x67: {  	_ =	shalt  }
0x68: {  	_ =	shalt  }
0x69: {  	_ =	shalt  }
0x6a: {  	_ =	shalt  }
0x6b: {  	_ =	shalt  }
0x6c: {  	_ =	shalt  }
0x6d: {  	_ =	shalt  }
0x6e: {  	_ =	shalt  }
0x6f: {  	_ =	shalt  }
0x70: {  	_ =	shalt  }
0x71: {  	_ =	shalt  }
0x72: {  	_ =	shalt  }
0x73: {  	_ =	shalt  }
0x74: {  	_ =	shalt  }
0x75: {  	_ =	shalt  }
0x76: {  	_ =	shalt  }
0x77: {  	_ =	shalt  }
0x78: {  	_ =	shalt  }
0x79: {  	_ =	shalt  }
0x7a: {  	_ =	shalt  }
0x7b: {  	_ =	shalt  }
0x7c: {  	_ =	shalt  }
0x7d: {  	_ =	shalt  }
0x7e: {  	_ =	shalt  }
0x7f: {  	_ =	shalt  }
0x80: {  	_ =	shalt  }
0x81: {  	_ =	shalt  }
0x82: {  	_ =	shalt  }
0x83: {  	_ =	shalt  }
0x84: {  	_ =	shalt  }
0x85: {  	_ =	shalt  }
0x86: {  	_ =	shalt  }
0x87: {  	_ =	shalt  }
.Lfunc_end0:
.L_simem_size_0:
called_computation_lowered:
.L_overlay_start_0:
0x88: {  	s2 =	sld [smem:$0x3FD9]  }
0x89: {  	s3 =	sld [smem:$0x3FFE];
	_ =	sdelay $0x1  }
0x8a: {  	s1 =	srdreg.scid  }
0x8b: {  	s0 =	sand.u32 $0x1, s1  }
0x8c: {  	s17 =	sshll.u32 s0, $0xA;
	s2 =	sadd.s32 s3, s2  }
0x8d: {  	s2 =	sadd.s32 s2, s17  }
0x8e: {  	[smem:$0x3FC4] =	sst s2  }
0x8f: {  	_ = 	snop  }
0x90: {  	s2 =	sld [smem:$0x3FC9]  }
0x91: {  	s18 =	sld [smem:$0x3FC8];
	(tm) =	ssettm $0x1  }
0x92: {  	s4 =	sld [smem:$0x3FFB];
	_ =	sdelay $0x3  }
0x93: {  	_ =	strace s4  }
0x94: {  	s4 =	sld [smem:$0x3FFC];
	_ =	sdelay $0x3  }
0x95: {  	_ =	strace s4  }
0x96: {  	s4 =	sld [smem:$0x3FFD];
	_ =	sdelay $0x3  }
0x97: {  	_ =	strace s4  }
0x98: {  	_ =	strace $0x8FFFFFFF  }
0x99: {  	s19 =	sld [smem:$0x3FDB];
	_ =	sdelay $0x1  }
0x9a: {  	s5 =	simm.s32 $_scs_section_size  }
0x9b: {  	s6 =	simm.s32 $_size__tile_overlayer_lowered;
	s7 =	simm.s32 $_tile_overlayer_lowered  }
0x9c: {  	s22 =	simm.s32 $0x1BFF;
	s21 =	sshll.u32 s7, $0x1;
	s4 =	sadd.s32 s5, s19  }
0x9d: {  	s8 =	simm.s32 $0x0;
	s20 =	sshll.u32 s6, $0x1;
	s6 =	sadd.s32 s21, s4  }
0x9e: {  	[timem:s8], [sflag:s22] =	dma.local [hbm:s6], s20  }
0x9f: {  	_ =	swait.ge [sflag:s22], s20  }
0xa0: {  	s5 =	ssub.s32 $0x0, s20;
	[sflag:s22] =	ssyncset.done $0x0  }
0xa1: {  	[sflag:s22] =	ssyncadd.s32 s5;
	_ =	sdelay $0x1  }
0xa2: {  	s23 =	simm.s32 $0x1B8B  }
0xa3: {  	_ =	swait.ge [sflag:s23], $0x1  }
0xa4: {  	[sflag:s23] =	ssyncset.done $0x0  }
0xa5: {  	s25 =	simm.s32 $0x1B8E;
	s24 =	sld [smem:$0x3FFE];
	[sflag:s23] =	ssyncadd.s32 $0xFFFFFFFF  }
0xa6: {  	s26 =	simm.s32 $execute0_lowered;
	[smem:$0x3FD2] =	sst s25  }
0xa7: {  	s6 =	sshll.u32 s26, $0x1;
	_ =	strace $0x80000046;
	[dreg:$0x1] =	wrdreg $0xFFFFFFFF  }
0xa8: {  	s28 =	simm.s32 $_size_execute0_lowered;
	s4 =	sadd.s32 s4, s6;
	[dreg:$0x0] =	wrdreg $0x0  }
0xa9: {  	s6 =	sshll.u32 s28, $0x1;
	[dreg:$0x2] =	wrdreg s4  }
0xaa: {  	[dreg:$0x3] =	wrdreg s6  }
0xab: {  	[dreg:$0x4] =	wrdreg $0xC0  }
0xac: {  	_ =	task [dreg:s8], $0x5FFFF  }
0xad: {  	[dreg:$0x1] =	wrdreg $0xFFFFFFFF  }
0xae: {  	[dreg:$0x0] =	wrdreg $0x60  }
0xaf: {  	[dreg:$0x2] =	wrdreg s2  }
0xb0: {  	[dreg:$0x3] =	wrdreg s18  }
0xb1: {  	[dreg:$0x4] =	wrdreg s24  }
0xb2: {  	[dreg:$0x5] =	wrdreg $0x198A00  }
0xb3: {  	[dreg:$0x6] =	wrdreg $0x9  }
0xb4: {  	_ =	task.clear_ibuf [dreg:s8], $0x7FFFF;
	_ =	strace $0x90000046  }
0xb5: {  	s29 =	simm.s32 $0x9;
	_ =	strace $0x80000048  }
0xb6: {  	_ =	swait.ge [sflag:s29], $0x1  }
0xb7: {  	[sflag:s29] =	ssyncadd.s32 $0xFFFFFFFF  }
0xb8: {  	_ =	strace $0x90000048  }
0xb9: {  	_ =	sfence  }
0xba: {  	s30 =	sld [smem:$0x0];
	_ =	sdelay $0x2  }
0xbb: {  	s31 =	sshll.u32 s1, $0xD;
	s1 =	sshrl.u32 s1, $0x2  }
0xbc: {  	s3 =	sand.u32 $0x4000, s31;
	s1 =	sadd.s32 s1, s30  }
0xbd: {  	s0 =	sor.u32 s3, s0;
	s1 =	sshll.u32 s1, $0x11  }
0xbe: {  	s0 =	sor.u32 s1, s0  }
0xbf: {  	s0 =	sadd.s32 $0x8F2B, s0  }
0xc0: {  	[sflag:s0] =	ssyncadd.remote.s32 $0x1  }
0xc1: {  	_ =	sfence.sel $0xFFFF  }
0xc2: {  	[dreg:$0x0] =	wrdreg $0xFFFFFFFF;
	(pc) =	sbr.abs _section_cstart, $3  }
0xc3: {  	[dreg:$0x1] =	wrdreg $0xFFFFFFFF  }
0xc4: {  	_ =	task.clear_ibuf [dreg:s8], $0x2FFFF;
	_ =	strace $0x9FFFFFFF  }
0xc5: {  	(tm) =	ssettm $0x7FFFFFFF  }
tec
execute0_lowered:
.L_overlay_start_1:
0x0: {  	(tag) =	ssettag $0x1  }
0x1: {  	s1 =	rddreg [dreg:$0x0]  }
0x2: {  	s2 =	rddreg [dreg:$0x1]  }
0x3: {  	s0 =	rddreg [dreg:$0x2]  }
0x4: {  	s15 =	rddreg [dreg:$0x3]  }
0x5: {  	s4 =	simm.s32 $0x0;
	s3 =	srdreg.scid;
	s9 =	stileid.u32  }
0x6: {  	s22 =	simm.s32 $0x1000;
	s23 =	simm.s32 $0x9000;
	s24 =	simm.s32 $0x1  }
0x7: {  	s28 =	simm.s32 $0x190A0;
	s29 =	simm.s32 $0x11000;
	s30 =	simm.s32 $0x0  }
0x8: {  	[smem:$0x7FF] =	sst s4;
	s3 =	sand.u32 $0x1, s3;
	s6 =	sshll.u32 s9, $0x1  }
0x9: {  	s5 =	sadd.s32 $0x30EE00, s0;
	p0 =	seq.s32 s9, $0x0;
	s26 =	sadd.s32 $0x6100, s1  }
0xa: {  	s13 =	sshll.u32 s9, $0x7;
	s11 =	sadd.s32 $0x36FE00, s0;
	s12 =	sadd.s32 $0x6DEE00, s0  }
0xb: {  	s31 =	sshll.u32 s9, $0xC;
	s20 =	sshll.u32 s9, $0xD;
	p1 =	sne.s32 s9, $0x1  }
0xc: {  	_ =	strace $0x80000047;
	s19 =	sor.u32 s3, s6;
	s6 =	sadd.s32 $0x67DE00, s0  }
0xd: {  	s8 =	sshll.u32 s3, $0x4;
	s25 =	ssub.s32 $0x2, s3;
	[dreg:$0x5] =	wrdreg s26  }
0xe: {  	s13 =	sadd.s32 s13, s15;
	s15 =	simm.s32 $0x4;
	s18 =	sshll.u32 s3, $0xB  }
0xf: {  	s3 =	sshll.u32 s3, $0xC;
	s26 =	simm.s32 $0x2;
	s7 =	sshll.u32 s19, $0xC  }
0x10: {  	s14 =	sadd.s32 s8, s0;
	s10 =	sshrl.u32 s25, $0x1;
	s8 =	sshll.u32 s9, $0xB  }
0x11: {  	s21 =	sadd.s32 s20, s6;
	s20 =	sadd.s32 s20, s5;
	s18 =	sor.u32 s18, s31  }
0x12: {  	p2 =	sne.s32 s19, $0x1;
	s16 =	sadd.s32 s7, s0;
	s7 =	simm.s32 $0x7  }
0x13: {  	s17 =	ssub.s32 s25, s10;
	s10 =	sadd.s32 $0x6100, s2;
	s14 =	sadd.s32 $0x6FFA00, s14  }
0x14: {  	s0 =	sadd.s32 s3, s21;
	s20 =	sadd.s32 s3, s20;
	s21 =	simm.s32 $0x800  }
0x15: {  	s7 =	simm.s32 @!p0 $0x6;
	p0 =	seq.s32 s19, $0x0;
	s16 =	sadd.s32 $0x6DFA00, s16  }
0x16: {  	v0 =	vimm.f32 $0.0e+00;
	s17 =	smax.u32 s17, $0x1;
	s15 =	simm.s32 @!p0 $0x3;
	p0 =	sne.s32 s9, $0x0  }
.LBB2_1:
0x17: {  	v3 =	vimm.f32 $+Inf  }
0x18: {  	v2 =	vimm.f32 $-Inf;
	v1 =	vimm.f32 $0.0e+00;
	v4 =	vimm.f32 $-Inf  }
0x19: {  	v5 =	vimm.f32 $+Inf;
	v6 =	vimm.f32 $-Inf;
	v7 =	vimm.f32 $+Inf;
	s31 =	simm.s32 $0x0  }
.LBB2_2:
0x1a: {  	s3 =	sshll.u32 s31, $0xF  }
0x1b: {  	s3 =	sor.u32 s8, s3  }
0x1c: {  	s9 =	sshrl.u32 s3, $0x3  }
0x1d: {  	s25 =	simm.s32 $0x0;
	s19 =	sadd.s32 s1, s9  }
0x1e: {  	[tilespmem:s25], [sflag:$0x1] =	stream.linear.gather [hbm4b:s19+s25], $0x800, $0x38;
	[tilespmem:$0x19920] =	vst v63  }
0x1f: {  	s3 =	sshll.u32 s3, $0x1;
	s9 =	sadd.s32 s2, s9  }
0x20: {  	[tilespmem:s21], [sflag:$0x1] =	stream.linear.gather [hbm4b:s9+s25], $0x800, $0x38;
	[tilespmem:$0x19920] =	vst v63  }
0x21: {  	s19 =	sadd.s32 s5, s3  }
0x22: {  	[tilespmem:s22], [sflag:$0x1] =	stream.linear.gather [hbm4b:s19+s25], $0x8000, $0x38;
	[tilespmem:$0x19920] =	vst v63  }
0x23: {  	s3 =	sadd.s32 s6, s3  }
0x24: {  	[tilespmem:s23], [sflag:$0x1] =	stream.linear.gather [hbm4b:s3+s25], $0x8000, $0x38;
	[tilespmem:$0x19920] =	vst v63  }
0x25: {  	_ =	swait.ge [sflag:s24], $0x800  }
0x26: {  	[sflag:s24] =	ssyncset.done $0x0  }
0x27: {  	[sflag:s24] =	ssyncadd.s32 $0xFFFFF800  }
0x28: {  	_ =	swait.ge [sflag:s24], $0x800  }
0x29: {  	[sflag:s24] =	ssyncset.done $0x0  }
0x2a: {  	[sflag:s24] =	ssyncadd.s32 $0xFFFFF800  }
0x2b: {  	_ =	swait.ge [sflag:s24], $0x8000  }
0x2c: {  	[sflag:s24] =	ssyncset.done $0x0  }
0x2d: {  	[sflag:s24] =	ssyncadd.s32 $0xFFFF8000  }
0x2e: {  	_ =	swait.ge [sflag:s24], $0x8000  }
0x2f: {  	[sflag:s24] =	ssyncset.done $0x0  }
0x30: {  	s3 =	simm.s32 $0x0;
	[sflag:s24] =	ssyncadd.s32 $0xFFFF8000  }
0x31: {  	v8 =	vld [tilespmem:s3+$0x0]  }
0x32: {  	v10 =	vld [tilespmem:s3+$0x800];
	_ =	sdelay $0x1  }
0x33: {  	s9 =	simm.s32 $0x40  }
.LBB2_3:
0x34: {  	p3 =	sne.s32 s9, $0x1FC0  }
.Ltmp0:
0x35: {  	s19 =	sshra.s32 s9, $0x2;
	(pc) =	sbr.rel @p3 .LBB2_3-.Ltmp0, $4  }
0x36: {  	s9 =	sadd.s32 $0x40, s9;
	v3 =	vmin.f32 v3, v10;
	v2 =	vmax.f32 v2, v10;
	v9 =	vsub.f32 v8, v10;
	v8 =	vld [tilespmem:s19+$0x0]  }
0x37: {  	v10 =	vld [tilespmem:s19+$0x800]  }
0x38: {  	v9 =	vand.u32 $0x7FFFFFFF, v9  }
0x39: {  	v1 =	vadd.f32 v9, v1  }
0x3a: {  	_ =	sdelay $0x1  }
0x3b: {  	v9 =	vsub.f32 v8, v10  }
0x3c: {  	v8 =	vld [tilespmem:s3+$0x9010]  }
0x3d: {  	v13 =	vimm.f32 $+Inf;
	v11 =	vand.u32 $0x7FFFFFFF, v9;
	v9 =	vld [tilespmem:s3+$0x1000]  }
0x3e: {  	v15 =	vimm.f32 $-Inf;
	v3 =	vmin.f32 v3, v10;
	v2 =	vmax.f32 v2, v10;
	v10 =	vld [tilespmem:s3+$0x9000]  }
0x3f: {  	s19 =	simm.s32 $0x80;
	v14 =	vimm.f32 $+Inf;
	v12 =	vimm.f32 $-Inf;
	v1 =	vadd.f32 v11, v1;
	v11 =	vld [tilespmem:s3+$0x1010]  }
.LBB2_5:
0x40: {  	p3 =	sne.s32 s19, $0x1FF80  }
.Ltmp1:
0x41: {  	s3 =	sshra.s32 s19, $0x2;
	s19 =	sadd.s32 $0x80, s19;
	v13 =	vmin.f32 v13, v8;
	v15 =	vmax.f32 v15, v8;
	(pc) =	sbr.rel @p3 .LBB2_5-.Ltmp1, $4  }
0x42: {  	v8 =	vld [tilespmem:s3+$0x9010];
	v7 =	vmin.f32 v7, v9;
	v6 =	vmax.f32 v6, v9  }
0x43: {  	v9 =	vld [tilespmem:s3+$0x1000];
	v5 =	vmin.f32 v5, v10;
	v4 =	vmax.f32 v4, v10  }
0x44: {  	v10 =	vld [tilespmem:s3+$0x9000];
	v14 =	vmin.f32 v14, v11;
	v12 =	vmax.f32 v12, v11  }
0x45: {  	v11 =	vld [tilespmem:s3+$0x1010]  }
0x46: {  	s31 =	sadd.s32 $0x1, s31  }
0x47: {  	p3 =	sne.s32 s31, s7  }
.Ltmp2:
0x48: {  	_ = 	snop;
	(pc) =	sbr.rel @p3 .LBB2_2-.Ltmp2, $4  }
0x49: {  	v13 =	vmin.f32 v13, v8;
	v8 =	vmax.f32 v15, v8;
	v7 =	vmin.f32 v7, v9  }
0x4a: {  	v6 =	vmax.f32 v6, v9;
	v5 =	vmin.f32 v5, v10;
	v4 =	vmax.f32 v4, v10  }
0x4b: {  	v62 =	vmin.f32 v14, v11;
	v63 =	vmax.f32 v12, v11;
	v5 =	vmin.f32 v5, v13  }
0x4c: {  	v4 =	vmax.f32 v4, v8;
	v7 =	vmin.f32 v7, v62;
	v6 =	vmax.f32 v6, v63  }
.Ltmp3:
0x4d: {  	(pc) =	sbr.rel @p1 .LBB2_13-.Ltmp3, $1  }
0x4e: {  	_ =	sdelay $0x3  }
0x4f: {  	s3 =	simm.s32 $0x0;
	s9 =	rddreg [dreg:$0x5]  }
0x50: {  	[tilespmem:s3], [sflag:$0x1] =	stream.linear.gather [hbm4b:s9+s3], $0x540, $0x38;
	[tilespmem:$0x19920] =	vst v63  }
0x51: {  	_ = 	snop  }
0x52: {  	[tilespmem:s21], [sflag:$0x1] =	stream.linear.gather [hbm4b:s10+s3], $0x540, $0x38;
	[tilespmem:$0x19920] =	vst v63  }
0x53: {  	_ = 	snop  }
0x54: {  	[tilespmem:s22], [sflag:$0x1] =	stream.linear.gather [hbm4b:s11+s3], $0x5400, $0x38;
	[tilespmem:$0x19920] =	vst v63  }
0x55: {  	_ = 	snop  }
0x56: {  	[tilespmem:s23], [sflag:$0x1] =	stream.linear.gather [hbm4b:s12+s3], $0x5400, $0x38;
	[tilespmem:$0x19920] =	vst v63  }
0x57: {  	_ =	swait.ge [sflag:s24], $0x540  }
0x58: {  	[sflag:s24] =	ssyncset.done $0x0  }
0x59: {  	[sflag:s24] =	ssyncadd.s32 $0xFFFFFAC0  }
0x5a: {  	_ =	swait.ge [sflag:s24], $0x540  }
0x5b: {  	[sflag:s24] =	ssyncset.done $0x0  }
0x5c: {  	[sflag:s24] =	ssyncadd.s32 $0xFFFFFAC0  }
0x5d: {  	_ =	swait.ge [sflag:s24], $0x5400  }
0x5e: {  	[sflag:s24] =	ssyncset.done $0x0  }
0x5f: {  	[sflag:s24] =	ssyncadd.s32 $0xFFFFAC00  }
0x60: {  	_ =	swait.ge [sflag:s24], $0x5400  }
0x61: {  	[sflag:s24] =	ssyncset.done $0x0  }
0x62: {  	s3 =	simm.s32 $0x0;
	[sflag:s24] =	ssyncadd.s32 $0xFFFFAC00  }
0x63: {  	v8 =	vld [tilespmem:s3+$0x0]  }
0x64: {  	v10 =	vld [tilespmem:s3+$0x800];
	_ =	sdelay $0x1  }
0x65: {  	s9 =	simm.s32 $0x40  }
.LBB2_9:
0x66: {  	p3 =	sne.s32 s9, $0x14C0  }
.Ltmp4:
0x67: {  	s19 =	sshra.s32 s9, $0x2;
	(pc) =	sbr.rel @p3 .LBB2_9-.Ltmp4, $4  }
0x68: {  	s9 =	sadd.s32 $0x40, s9;
	v3 =	vmin.f32 v3, v10;
	v2 =	vmax.f32 v2, v10;
	v9 =	vsub.f32 v8, v10;
	v8 =	vld [tilespmem:s19+$0x0]  }
0x69: {  	v10 =	vld [tilespmem:s19+$0x800]  }
0x6a: {  	v9 =	vand.u32 $0x7FFFFFFF, v9  }
0x6b: {  	v1 =	vadd.f32 v9, v1  }
0x6c: {  	_ =	sdelay $0x1  }
0x6d: {  	v9 =	vsub.f32 v8, v10  }
0x6e: {  	v8 =	vld [tilespmem:s3+$0x9010]  }
0x6f: {  	v13 =	vimm.f32 $+Inf;
	v11 =	vand.u32 $0x7FFFFFFF, v9;
	v9 =	vld [tilespmem:s3+$0x1000]  }
0x70: {  	v15 =	vimm.f32 $-Inf;
	v3 =	vmin.f32 v3, v10;
	v2 =	vmax.f32 v2, v10;
	v10 =	vld [tilespmem:s3+$0x9000]  }
0x71: {  	s19 =	simm.s32 $0x80;
	v14 =	vimm.f32 $+Inf;
	v12 =	vimm.f32 $-Inf;
	v1 =	vadd.f32 v11, v1;
	v11 =	vld [tilespmem:s3+$0x1010]  }
.LBB2_11:
0x72: {  	p3 =	sne.s32 s19, $0x14F80  }
.Ltmp5:
0x73: {  	s3 =	sshra.s32 s19, $0x2;
	s19 =	sadd.s32 $0x80, s19;
	v13 =	vmin.f32 v13, v8;
	v15 =	vmax.f32 v15, v8;
	(pc) =	sbr.rel @p3 .LBB2_11-.Ltmp5, $4  }
0x74: {  	v8 =	vld [tilespmem:s3+$0x9010];
	v7 =	vmin.f32 v7, v9;
	v6 =	vmax.f32 v6, v9  }
0x75: {  	v9 =	vld [tilespmem:s3+$0x1000];
	v5 =	vmin.f32 v5, v10;
	v4 =	vmax.f32 v4, v10  }
0x76: {  	v10 =	vld [tilespmem:s3+$0x9000];
	v14 =	vmin.f32 v14, v11;
	v12 =	vmax.f32 v12, v11  }
0x77: {  	v11 =	vld [tilespmem:s3+$0x1010]  }
0x78: {  	_ =	sdelay $0x1  }
0x79: {  	v13 =	vmin.f32 v13, v8;
	v8 =	vmax.f32 v15, v8;
	v7 =	vmin.f32 v7, v9  }
0x7a: {  	v6 =	vmax.f32 v6, v9;
	v5 =	vmin.f32 v5, v10;
	v4 =	vmax.f32 v4, v10  }
0x7b: {  	v62 =	vmin.f32 v14, v11;
	v63 =	vmax.f32 v12, v11;
	v5 =	vmin.f32 v5, v13  }
0x7c: {  	v4 =	vmax.f32 v4, v8;
	v7 =	vmin.f32 v7, v62;
	v6 =	vmax.f32 v6, v63  }
.LBB2_13:
0x7d: {  	[tilespmem:$0x19020] =	vst v7  }
0x7e: {  	[tilespmem:$0x19030] =	vst v6  }
0x7f: {  	[tilespmem:$0x19040] =	vst v5  }
0x80: {  	[tilespmem:$0x19050] =	vst v4  }
0x81: {  	[tilespmem:$0x19060] =	vst v3  }
0x82: {  	[tilespmem:$0x19070] =	vst v2  }
0x83: {  	[tilespmem:$0x19080] =	vst v1  }
0x84: {  	[tilespmem:$0x19090] =	vst v0;
	s3 =	simm.s32 $0x19020  }
0x85: {  	[spmem:s13] =	stream.linear.scatter [tilespmem:s3], [sflag:$0x2], $0x80, $0x38;
	[tilespmem:$0x19920] =	vst v63  }
0x86: {  	_ =	swait.ge [sflag:s26], $0x80  }
0x87: {  	[sflag:s26] =	ssyncset.done $0x0  }
0x88: {  	[sflag:s26] =	ssyncadd.s32 $0xFFFFFF80  }
0x89: {  	[bflag:$0x0] =	sbarrier.arrive $0xFFFF  }
0x8a: {  	s31 =	rddreg [dreg:$0x3]  }
0x8b: {  	[tilespmem:s28], [sflag:$0x2] =	stream.linear.gather [spmem:s31], $0x800, $0x38;
	[tilespmem:$0x19920] =	vst v63  }
0x8c: {  	_ =	swait.ge [sflag:s26], $0x800  }
0x8d: {  	[sflag:s26] =	ssyncset.done $0x0  }
0x8e: {  	[sflag:s26] =	ssyncadd.s32 $0xFFFFF800  }
0x8f: {  	v1 =	vld @!p0 [tilespmem:$0x19100];
	_ =	sdelay $0x1  }
0x90: {  	v2 =	vld @!p0 [tilespmem:$0x19180];
	_ =	sdelay $0x1  }
0x91: {  	v3 =	vld @!p0 [tilespmem:$0x19200]  }
0x92: {  	v1 =	vadd.f32 @!p0 $0.0e+00, v1  }
0x93: {  	v4 =	vld @!p0 [tilespmem:$0x19280]  }
0x94: {  	v1 =	vadd.f32 @!p0 v2, v1  }
0x95: {  	v2 =	vld @!p0 [tilespmem:$0x19300]  }
0x96: {  	v1 =	vadd.f32 @!p0 v3, v1  }
0x97: {  	v3 =	vld @!p0 [tilespmem:$0x19380]  }
0x98: {  	v1 =	vadd.f32 @!p0 v4, v1  }
0x99: {  	v4 =	vld @!p0 [tilespmem:$0x19400]  }
0x9a: {  	v1 =	vadd.f32 @!p0 v2, v1  }
0x9b: {  	v2 =	vld @!p0 [tilespmem:$0x19480]  }
0x9c: {  	v1 =	vadd.f32 @!p0 v3, v1  }
0x9d: {  	v3 =	vld @!p0 [tilespmem:$0x19500]  }
0x9e: {  	v1 =	vadd.f32 @!p0 v4, v1  }
0x9f: {  	v4 =	vld @!p0 [tilespmem:$0x19580]  }
0xa0: {  	v1 =	vadd.f32 @!p0 v2, v1  }
0xa1: {  	v2 =	vld @!p0 [tilespmem:$0x19600]  }
0xa2: {  	v1 =	vadd.f32 @!p0 v3, v1  }
0xa3: {  	v3 =	vld @!p0 [tilespmem:$0x19680]  }
0xa4: {  	v1 =	vadd.f32 @!p0 v4, v1  }
0xa5: {  	v4 =	vld @!p0 [tilespmem:$0x19700]  }
0xa6: {  	v1 =	vadd.f32 @!p0 v2, v1  }
0xa7: {  	v2 =	vld @!p0 [tilespmem:$0x19780]  }
0xa8: {  	v1 =	vadd.f32 @!p0 v3, v1  }
0xa9: {  	v3 =	vld @!p0 [tilespmem:$0x19800]  }
0xaa: {  	v1 =	vadd.f32 @!p0 v4, v1  }
0xab: {  	v4 =	vld @!p0 [tilespmem:$0x19880]  }
0xac: {  	v1 =	vadd.f32 @!p0 v2, v1;
	_ =	sdelay $0x1  }
0xad: {  	v1 =	vadd.f32 @!p0 v3, v1;
	_ =	sdelay $0x1  }
0xae: {  	v1 =	vadd.f32 @!p0 v4, v1;
	_ =	sdelay $0x1  }
0xaf: {  	s9 =	simm.s32 @!p0 $0x19020;
	s3 =	simm.s32 @!p0 $0x0;
	[tilespmem:$0x19020] =	vst @!p0 v1  }
0xb0: {  	[hbm4b:s14+s3] =	stream.linear.scatter @!p0 [tilespmem:s9], [sflag:$0x2], $0x80, $0x38;
	[tilespmem:$0x19920] =	vst v63  }
0xb1: {  	s3 =	simm.s32 @!p0 $0x2  }
0xb2: {  	_ =	swait.ge @!p0 [sflag:s3], $0x80  }
0xb3: {  	[sflag:s3] =	ssyncset.done @!p0 $0x0  }
0xb4: {  	s9 =	simm.s32 $0x0;
	[sflag:s3] =	ssyncadd.s32 @!p0 $0xFFFFFF80;
	s3 =	simm.s32 $0x40  }
.LBB2_14:
0xb5: {  	p3 =	sne.s32 s3, $0x20040;
	[tilespmem:s9+$0x11000] =	vst v0;
	s9 =	smov.u32 s3;
	s3 =	sadd.s32 $0x40, s3  }
.Ltmp6:
0xb6: {  	(pc) =	sbr.rel @p3 .LBB2_14-.Ltmp6, $2  }
0xb7: {  	_ =	sdelay $0x2  }
0xb8: {  	s9 =	sshra.s32 s9, $0x2  }
0xb9: {  	p4 =	sne.s32 s15, $0x1  }
.Ltmp7:
0xba: {  	_ = 	snop;
	(pc) =	sbr.rel @!p4 .LBB2_16-.Ltmp7, $2  }
0xbb: {  	_ =	sdelay $0x2  }
0xbc: {  	[tilespmem:s9+$0x11000] =	vst v0;
	s19 =	sadd.s32 $0xFFFFFFFF, s15;
	s9 =	sshrl.u32 s18, $0x3;
	p3 =	por $0x0, $0x0  }
0xbd: {  	s3 =	sadd.s32 s2, s9  }
0xbe: {  	[tilespmem:s21], [sflag:$0x1] =	stream.linear.gather [hbm4b:s3+s4], $0x800, $0x38;
	[tilespmem:$0x19920] =	vst v63  }
0xbf: {  	_ = 	snop  }
0xc0: {  	[tilespmem:s22], [sflag:$0x1] =	stream.linear.gather [hbm4b:s20+s4], $0x8000, $0x38;
	[tilespmem:$0x19920] =	vst v63  }
0xc1: {  	_ = 	snop  }
0xc2: {  	[tilespmem:s23], [sflag:$0x1] =	stream.linear.gather [hbm4b:s0+s4], $0x8000, $0x38;
	[tilespmem:$0x19920] =	vst v63  }
0xc3: {  	_ =	swait.ge [sflag:s24], $0x800  }
0xc4: {  	[sflag:s24] =	ssyncset.done $0x0  }
0xc5: {  	p4 =	sne.s32 s19, $0x1;
	[sflag:s24] =	ssyncadd.s32 $0xFFFFF800  }
.Ltmp8:
0xc6: {  	_ =	swait.ge [sflag:s24], $0x8000;
	(pc) =	sbr.rel @!p4 .LBB2_18-.Ltmp8, $4  }
0xc7: {  	[sflag:s24] =	ssyncset.done $0x0  }
0xc8: {  	s25 =	sadd.s32 $0xFFFFFFFF, s19;
	s31 =	sadd.s32 $0x20000, s20;
	[sflag:s24] =	ssyncadd.s32 $0xFFFF8000  }
0xc9: {  	p3 =	por $0x1, $0x1;
	s3 =	sadd.s32 $0x10000, s18;
	_ =	swait.ge [sflag:s24], $0x8000  }
0xca: {  	s19 =	smov.u32 s0;
	s9 =	sshrl.u32 s3, $0x3;
	[sflag:s24] =	ssyncset.done $0x0  }
.LBB2_19:
0xcb: {  	s9 =	sadd.s32 s2, s9;
	[sflag:s24] =	ssyncadd.s32 $0xFFFF8000;
	s19 =	sadd.s32 $0x20000, s19  }
0xcc: {  	[tilespmem:s21], [sflag:$0x1] =	stream.linear.gather [hbm4b:s9+s4], $0x800, $0x38;
	[tilespmem:$0x19920] =	vst v63  }
0xcd: {  	p4 =	sne.s32 s25, $0x1;
	s25 =	sadd.s32 $0xFFFFFFFF, s25  }
0xce: {  	[tilespmem:s22], [sflag:$0x1] =	stream.linear.gather [hbm4b:s31+s4], $0x8000, $0x38;
	[tilespmem:$0x19920] =	vst v63  }
0xcf: {  	_ = 	snop  }
0xd0: {  	[tilespmem:s23], [sflag:$0x1] =	stream.linear.gather [hbm4b:s19+s4], $0x8000, $0x38;
	[tilespmem:$0x19920] =	vst v63  }
0xd1: {  	_ =	swait.ge [sflag:s24], $0x800  }
0xd2: {  	[sflag:s24] =	ssyncset.done $0x0  }
0xd3: {  	[sflag:s24] =	ssyncadd.s32 $0xFFFFF800  }
.Ltmp9:
0xd4: {  	_ =	swait.ge [sflag:s24], $0x8000;
	(pc) =	sbr.rel @p4 .LBB2_19-.Ltmp9, $4  }
0xd5: {  	[sflag:s24] =	ssyncset.done $0x0  }
0xd6: {  	[sflag:s24] =	ssyncadd.s32 $0xFFFF8000  }
0xd7: {  	s3 =	sadd.s32 $0x10000, s3;
	_ =	swait.ge [sflag:s24], $0x8000  }
0xd8: {  	s9 =	sshrl.u32 s3, $0x3;
	s31 =	sadd.s32 $0x20000, s31;
	[sflag:s24] =	ssyncset.done $0x0  }
.LBB2_20:
0xd9: {  	s3 =	sadd.s32 s2, s9;
	[sflag:s24] =	ssyncadd.s32 @p3 $0xFFFF8000  }
0xda: {  	[tilespmem:s21], [sflag:$0x1] =	stream.linear.gather [hbm4b:s3+s4], $0x800, $0x38;
	[tilespmem:$0x19920] =	vst v63  }
0xdb: {  	s9 =	smov.u32 s0;
	s3 =	sadd.s32 @p3 $0x20000, s19  }
0xdc: {  	[tilespmem:s22], [sflag:$0x1] =	stream.linear.gather [hbm4b:s31+s4], $0x8000, $0x38;
	[tilespmem:$0x19920] =	vst v63  }
0xdd: {  	s9 =	smov.u32 @p3 s3  }
0xde: {  	[tilespmem:s23], [sflag:$0x1] =	stream.linear.gather [hbm4b:s9+s4], $0x8000, $0x38;
	[tilespmem:$0x19920] =	vst v63  }
0xdf: {  	_ =	swait.ge [sflag:s24], $0x800  }
0xe0: {  	[sflag:s24] =	ssyncset.done $0x0  }
0xe1: {  	[sflag:s24] =	ssyncadd.s32 $0xFFFFF800  }
0xe2: {  	_ =	swait.ge [sflag:s24], $0x8000  }
0xe3: {  	[sflag:s24] =	ssyncset.done $0x0  }
0xe4: {  	[sflag:s24] =	ssyncadd.s32 $0xFFFF8000  }
0xe5: {  	_ =	swait.ge [sflag:s24], $0x8000  }
0xe6: {  	[sflag:s24] =	ssyncset.done $0x0  }
0xe7: {  	s3 =	simm.s32 @!p2 $0x0;
	s9 =	simm.s32 @!p2 $0x800;
	[sflag:s24] =	ssyncadd.s32 $0xFFFF8000  }
0xe8: {  	[tilespmem:s9], [sflag:$0x1] =	stream.linear.gather @!p2 [hbm4b:s10+s3], $0x540, $0x38;
	[tilespmem:$0x19920] =	vst v63  }
0xe9: {  	s9 =	simm.s32 @!p2 $0x1000  }
0xea: {  	[tilespmem:s9], [sflag:$0x1] =	stream.linear.gather @!p2 [hbm4b:s11+s3], $0x5400, $0x38;
	[tilespmem:$0x19920] =	vst v63  }
0xeb: {  	s9 =	simm.s32 @!p2 $0x9000  }
0xec: {  	[tilespmem:s9], [sflag:$0x1] =	stream.linear.gather @!p2 [hbm4b:s12+s3], $0x5400, $0x38;
	[tilespmem:$0x19920] =	vst v63  }
0xed: {  	s3 =	simm.s32 @!p2 $0x1  }
0xee: {  	_ =	swait.ge @!p2 [sflag:s3], $0x540  }
0xef: {  	[sflag:s3] =	ssyncset.done @!p2 $0x0  }
0xf0: {  	[sflag:s3] =	ssyncadd.s32 @!p2 $0xFFFFFAC0  }
0xf1: {  	_ =	swait.ge @!p2 [sflag:s3], $0x5400  }
0xf2: {  	[sflag:s3] =	ssyncset.done @!p2 $0x0  }
0xf3: {  	[sflag:s3] =	ssyncadd.s32 @!p2 $0xFFFFAC00  }
0xf4: {  	_ =	swait.ge @!p2 [sflag:s3], $0x5400  }
0xf5: {  	[sflag:s3] =	ssyncset.done @!p2 $0x0  }
0xf6: {  	[sflag:s3] =	ssyncadd.s32 @!p2 $0xFFFFAC00;
	s3 =	simm.s32 $0x0  }
0xf7: {  	s9 =	simm.s32 $0x40;
	v1 =	vld [tilespmem:s3+$0x11401]  }
.LBB2_21:
0xf8: {  	p3 =	sne.s32 s9, $0xFC0  }
.Ltmp10:
0xf9: {  	_ = 	snop;
	(pc) =	sbr.rel @p3 .LBB2_21-.Ltmp10, $3  }
0xfa: {  	_ =	sdelay $0x1  }
0xfb: {  	[tilespmem:s3+$0x11400] =	vst v1;
	s3 =	sshra.s32 s9, $0x2;
	s9 =	sadd.s32 $0x40, s9  }
0xfc: {  	v1 =	vld [tilespmem:s3+$0x11401]  }
0xfd: {  	_ =	sdelay $0x3  }
0xfe: {  	[tilespmem:s3+$0x11400] =	vst v1;
	s3 =	simm.s32 $0x0  }
0xff: {  	v1 =	vld [tilespmem:s3+$0x11802];
	_ =	sdelay $0x3  }
0x100: {  	s9 =	simm.s32 $0x40  }
.LBB2_23:
0x101: {  	p3 =	sne.s32 s9, $0xFC0;
	[tilespmem:s3+$0x11800] =	vst v1;
	s3 =	sshra.s32 s9, $0x2;
	s9 =	sadd.s32 $0x40, s9  }
.Ltmp11:
0x102: {  	v1 =	vld [tilespmem:s3+$0x11802];
	(pc) =	sbr.rel @p3 .LBB2_23-.Ltmp11, $1  }
0x103: {  	_ =	sdelay $0x3  }
0x104: {  	[tilespmem:s3+$0x11800] =	vst v1;
	s3 =	simm.s32 $0x0  }
0x105: {  	s9 =	simm.s32 $0x40;
	v1 =	vld [tilespmem:s3+$0x11C03]  }
.LBB2_25:
0x106: {  	p3 =	sne.s32 s9, $0xFC0  }
.Ltmp12:
0x107: {  	_ = 	snop;
	(pc) =	sbr.rel @p3 .LBB2_25-.Ltmp12, $3  }
0x108: {  	_ =	sdelay $0x1  }
0x109: {  	[tilespmem:s3+$0x11C00] =	vst v1;
	s3 =	sshra.s32 s9, $0x2;
	s9 =	sadd.s32 $0x40, s9  }
0x10a: {  	v1 =	vld [tilespmem:s3+$0x11C03]  }
0x10b: {  	_ =	sdelay $0x3  }
0x10c: {  	[tilespmem:s3+$0x11C00] =	vst v1;
	s3 =	simm.s32 $0x0  }
0x10d: {  	v1 =	vld [tilespmem:s3+$0x12004];
	_ =	sdelay $0x3  }
0x10e: {  	s9 =	simm.s32 $0x40  }
.LBB2_27:
0x10f: {  	p3 =	sne.s32 s9, $0xFC0;
	[tilespmem:s3+$0x12000] =	vst v1;
	s3 =	sshra.s32 s9, $0x2;
	s9 =	sadd.s32 $0x40, s9  }
.Ltmp13:
0x110: {  	v1 =	vld [tilespmem:s3+$0x12004];
	(pc) =	sbr.rel @p3 .LBB2_27-.Ltmp13, $1  }
0x111: {  	_ =	sdelay $0x3  }
0x112: {  	[tilespmem:s3+$0x12000] =	vst v1;
	s3 =	simm.s32 $0x0  }
0x113: {  	s9 =	simm.s32 $0x40;
	v1 =	vld [tilespmem:s3+$0x12405]  }
.LBB2_29:
0x114: {  	p3 =	sne.s32 s9, $0xFC0  }
.Ltmp14:
0x115: {  	_ = 	snop;
	(pc) =	sbr.rel @p3 .LBB2_29-.Ltmp14, $3  }
0x116: {  	_ =	sdelay $0x1  }
0x117: {  	[tilespmem:s3+$0x12400] =	vst v1;
	s3 =	sshra.s32 s9, $0x2;
	s9 =	sadd.s32 $0x40, s9  }
0x118: {  	v1 =	vld [tilespmem:s3+$0x12405]  }
0x119: {  	_ =	sdelay $0x3  }
0x11a: {  	[tilespmem:s3+$0x12400] =	vst v1;
	s3 =	simm.s32 $0x0  }
0x11b: {  	v1 =	vld [tilespmem:s3+$0x12806];
	_ =	sdelay $0x3  }
0x11c: {  	s9 =	simm.s32 $0x40  }
.LBB2_31:
0x11d: {  	p3 =	sne.s32 s9, $0xFC0;
	[tilespmem:s3+$0x12800] =	vst v1;
	s3 =	sshra.s32 s9, $0x2;
	s9 =	sadd.s32 $0x40, s9  }
.Ltmp15:
0x11e: {  	v1 =	vld [tilespmem:s3+$0x12806];
	(pc) =	sbr.rel @p3 .LBB2_31-.Ltmp15, $1  }
0x11f: {  	_ =	sdelay $0x3  }
0x120: {  	[tilespmem:s3+$0x12800] =	vst v1;
	s3 =	simm.s32 $0x0  }
0x121: {  	s9 =	simm.s32 $0x40;
	v1 =	vld [tilespmem:s3+$0x12C07]  }
.LBB2_33:
0x122: {  	p3 =	sne.s32 s9, $0xFC0  }
.Ltmp16:
0x123: {  	_ = 	snop;
	(pc) =	sbr.rel @p3 .LBB2_33-.Ltmp16, $3  }
0x124: {  	_ =	sdelay $0x1  }
0x125: {  	[tilespmem:s3+$0x12C00] =	vst v1;
	s3 =	sshra.s32 s9, $0x2;
	s9 =	sadd.s32 $0x40, s9  }
0x126: {  	v1 =	vld [tilespmem:s3+$0x12C07]  }
0x127: {  	_ =	sdelay $0x3  }
0x128: {  	[tilespmem:s3+$0x12C00] =	vst v1;
	s3 =	simm.s32 $0x0  }
0x129: {  	v1 =	vld [tilespmem:s3+$0x13008];
	_ =	sdelay $0x3  }
0x12a: {  	s9 =	simm.s32 $0x40  }
.LBB2_35:
0x12b: {  	p3 =	sne.s32 s9, $0xFC0;
	[tilespmem:s3+$0x13000] =	vst v1;
	s3 =	sshra.s32 s9, $0x2;
	s9 =	sadd.s32 $0x40, s9  }
.Ltmp17:
0x12c: {  	v1 =	vld [tilespmem:s3+$0x13008];
	(pc) =	sbr.rel @p3 .LBB2_35-.Ltmp17, $1  }
0x12d: {  	_ =	sdelay $0x3  }
0x12e: {  	[tilespmem:s3+$0x13000] =	vst v1;
	s3 =	simm.s32 $0x0  }
0x12f: {  	s9 =	simm.s32 $0x40;
	v1 =	vld [tilespmem:s3+$0x13409]  }
.LBB2_37:
0x130: {  	p3 =	sne.s32 s9, $0xFC0  }
.Ltmp18:
0x131: {  	_ = 	snop;
	(pc) =	sbr.rel @p3 .LBB2_37-.Ltmp18, $3  }
0x132: {  	_ =	sdelay $0x1  }
0x133: {  	[tilespmem:s3+$0x13400] =	vst v1;
	s3 =	sshra.s32 s9, $0x2;
	s9 =	sadd.s32 $0x40, s9  }
0x134: {  	v1 =	vld [tilespmem:s3+$0x13409]  }
0x135: {  	_ =	sdelay $0x3  }
0x136: {  	[tilespmem:s3+$0x13400] =	vst v1;
	s3 =	simm.s32 $0x0  }
0x137: {  	v1 =	vld [tilespmem:s3+$0x1380A];
	_ =	sdelay $0x3  }
0x138: {  	s9 =	simm.s32 $0x40  }
.LBB2_39:
0x139: {  	p3 =	sne.s32 s9, $0xFC0;
	[tilespmem:s3+$0x13800] =	vst v1;
	s3 =	sshra.s32 s9, $0x2;
	s9 =	sadd.s32 $0x40, s9  }
.Ltmp19:
0x13a: {  	v1 =	vld [tilespmem:s3+$0x1380A];
	(pc) =	sbr.rel @p3 .LBB2_39-.Ltmp19, $1  }
0x13b: {  	_ =	sdelay $0x3  }
0x13c: {  	[tilespmem:s3+$0x13800] =	vst v1;
	s3 =	simm.s32 $0x0  }
0x13d: {  	s9 =	simm.s32 $0x40;
	v1 =	vld [tilespmem:s3+$0x13C0B]  }
.LBB2_41:
0x13e: {  	p3 =	sne.s32 s9, $0xFC0  }
.Ltmp20:
0x13f: {  	_ = 	snop;
	(pc) =	sbr.rel @p3 .LBB2_41-.Ltmp20, $3  }
0x140: {  	_ =	sdelay $0x1  }
0x141: {  	[tilespmem:s3+$0x13C00] =	vst v1;
	s3 =	sshra.s32 s9, $0x2;
	s9 =	sadd.s32 $0x40, s9  }
0x142: {  	v1 =	vld [tilespmem:s3+$0x13C0B]  }
0x143: {  	_ =	sdelay $0x3  }
0x144: {  	[tilespmem:s3+$0x13C00] =	vst v1;
	s3 =	simm.s32 $0x0  }
0x145: {  	v1 =	vld [tilespmem:s3+$0x1400C];
	_ =	sdelay $0x3  }
0x146: {  	s9 =	simm.s32 $0x40  }
.LBB2_43:
0x147: {  	p3 =	sne.s32 s9, $0xFC0;
	[tilespmem:s3+$0x14000] =	vst v1;
	s3 =	sshra.s32 s9, $0x2;
	s9 =	sadd.s32 $0x40, s9  }
.Ltmp21:
0x148: {  	v1 =	vld [tilespmem:s3+$0x1400C];
	(pc) =	sbr.rel @p3 .LBB2_43-.Ltmp21, $1  }
0x149: {  	_ =	sdelay $0x3  }
0x14a: {  	[tilespmem:s3+$0x14000] =	vst v1;
	s3 =	simm.s32 $0x0  }
0x14b: {  	s9 =	simm.s32 $0x40;
	v1 =	vld [tilespmem:s3+$0x1440D]  }
.LBB2_45:
0x14c: {  	p3 =	sne.s32 s9, $0xFC0  }
.Ltmp22:
0x14d: {  	_ = 	snop;
	(pc) =	sbr.rel @p3 .LBB2_45-.Ltmp22, $3  }
0x14e: {  	_ =	sdelay $0x1  }
0x14f: {  	[tilespmem:s3+$0x14400] =	vst v1;
	s3 =	sshra.s32 s9, $0x2;
	s9 =	sadd.s32 $0x40, s9  }
0x150: {  	v1 =	vld [tilespmem:s3+$0x1440D]  }
0x151: {  	_ =	sdelay $0x3  }
0x152: {  	[tilespmem:s3+$0x14400] =	vst v1;
	s3 =	simm.s32 $0x0  }
0x153: {  	v1 =	vld [tilespmem:s3+$0x1480E];
	_ =	sdelay $0x3  }
0x154: {  	s9 =	simm.s32 $0x40  }
.LBB2_47:
0x155: {  	p3 =	sne.s32 s9, $0xFC0;
	[tilespmem:s3+$0x14800] =	vst v1;
	s3 =	sshra.s32 s9, $0x2;
	s9 =	sadd.s32 $0x40, s9  }
.Ltmp23:
0x156: {  	v1 =	vld [tilespmem:s3+$0x1480E];
	(pc) =	sbr.rel @p3 .LBB2_47-.Ltmp23, $1  }
0x157: {  	_ =	sdelay $0x3  }
0x158: {  	[tilespmem:s3+$0x14800] =	vst v1;
	s3 =	simm.s32 $0x0  }
0x159: {  	s9 =	simm.s32 $0x40;
	v1 =	vld [tilespmem:s3+$0x14C0F]  }
.LBB2_49:
0x15a: {  	p3 =	sne.s32 s9, $0xFC0  }
.Ltmp24:
0x15b: {  	_ = 	snop;
	(pc) =	sbr.rel @p3 .LBB2_49-.Ltmp24, $3  }
0x15c: {  	_ =	sdelay $0x1  }
0x15d: {  	[tilespmem:s3+$0x14C00] =	vst v1;
	s3 =	sshra.s32 s9, $0x2;
	s9 =	sadd.s32 $0x40, s9  }
0x15e: {  	v1 =	vld [tilespmem:s3+$0x14C0F]  }
0x15f: {  	_ =	sdelay $0x3  }
0x160: {  	[tilespmem:s3+$0x14C00] =	vst v1;
	s3 =	simm.s32 $0x0  }
0x161: {  	v1 =	vld [tilespmem:s3+$0x15010];
	_ =	sdelay $0x3  }
0x162: {  	s9 =	simm.s32 $0x40  }
.LBB2_51:
0x163: {  	p3 =	sne.s32 s9, $0xFC0;
	[tilespmem:s3+$0x15000] =	vst v1;
	s3 =	sshra.s32 s9, $0x2;
	s9 =	sadd.s32 $0x40, s9  }
.Ltmp25:
0x164: {  	v1 =	vld [tilespmem:s3+$0x15010];
	(pc) =	sbr.rel @p3 .LBB2_51-.Ltmp25, $1  }
0x165: {  	_ =	sdelay $0x3  }
0x166: {  	[tilespmem:s3+$0x15000] =	vst v1;
	s3 =	simm.s32 $0x0  }
0x167: {  	s9 =	simm.s32 $0x40;
	v1 =	vld [tilespmem:s3+$0x15411]  }
.LBB2_53:
0x168: {  	p3 =	sne.s32 s9, $0xFC0  }
.Ltmp26:
0x169: {  	_ = 	snop;
	(pc) =	sbr.rel @p3 .LBB2_53-.Ltmp26, $3  }
0x16a: {  	_ =	sdelay $0x1  }
0x16b: {  	[tilespmem:s3+$0x15400] =	vst v1;
	s3 =	sshra.s32 s9, $0x2;
	s9 =	sadd.s32 $0x40, s9  }
0x16c: {  	v1 =	vld [tilespmem:s3+$0x15411]  }
0x16d: {  	_ =	sdelay $0x3  }
0x16e: {  	[tilespmem:s3+$0x15400] =	vst v1;
	s3 =	simm.s32 $0x0  }
0x16f: {  	v1 =	vld [tilespmem:s3+$0x15812];
	_ =	sdelay $0x3  }
0x170: {  	s9 =	simm.s32 $0x40  }
.LBB2_55:
0x171: {  	p3 =	sne.s32 s9, $0xFC0;
	[tilespmem:s3+$0x15800] =	vst v1;
	s3 =	sshra.s32 s9, $0x2;
	s9 =	sadd.s32 $0x40, s9  }
.Ltmp27:
0x172: {  	v1 =	vld [tilespmem:s3+$0x15812];
	(pc) =	sbr.rel @p3 .LBB2_55-.Ltmp27, $1  }
0x173: {  	_ =	sdelay $0x3  }
0x174: {  	[tilespmem:s3+$0x15800] =	vst v1;
	s3 =	simm.s32 $0x0  }
0x175: {  	s9 =	simm.s32 $0x40;
	v1 =	vld [tilespmem:s3+$0x15C13]  }
.LBB2_57:
0x176: {  	p3 =	sne.s32 s9, $0xFC0  }
.Ltmp28:
0x177: {  	_ = 	snop;
	(pc) =	sbr.rel @p3 .LBB2_57-.Ltmp28, $3  }
0x178: {  	_ =	sdelay $0x1  }
0x179: {  	[tilespmem:s3+$0x15C00] =	vst v1;
	s3 =	sshra.s32 s9, $0x2;
	s9 =	sadd.s32 $0x40, s9  }
0x17a: {  	v1 =	vld [tilespmem:s3+$0x15C13]  }
0x17b: {  	_ =	sdelay $0x3  }
0x17c: {  	[tilespmem:s3+$0x15C00] =	vst v1;
	s3 =	simm.s32 $0x0  }
0x17d: {  	v1 =	vld [tilespmem:s3+$0x16014];
	_ =	sdelay $0x3  }
0x17e: {  	s9 =	simm.s32 $0x40  }
.LBB2_59:
0x17f: {  	p3 =	sne.s32 s9, $0xFC0;
	[tilespmem:s3+$0x16000] =	vst v1;
	s3 =	sshra.s32 s9, $0x2;
	s9 =	sadd.s32 $0x40, s9  }
.Ltmp29:
0x180: {  	v1 =	vld [tilespmem:s3+$0x16014];
	(pc) =	sbr.rel @p3 .LBB2_59-.Ltmp29, $1  }
0x181: {  	_ =	sdelay $0x3  }
0x182: {  	[tilespmem:s3+$0x16000] =	vst v1;
	s3 =	simm.s32 $0x0  }
0x183: {  	s9 =	simm.s32 $0x40;
	v1 =	vld [tilespmem:s3+$0x16415]  }
.LBB2_61:
0x184: {  	p3 =	sne.s32 s9, $0xFC0  }
.Ltmp30:
0x185: {  	_ = 	snop;
	(pc) =	sbr.rel @p3 .LBB2_61-.Ltmp30, $3  }
0x186: {  	_ =	sdelay $0x1  }
0x187: {  	[tilespmem:s3+$0x16400] =	vst v1;
	s3 =	sshra.s32 s9, $0x2;
	s9 =	sadd.s32 $0x40, s9  }
0x188: {  	v1 =	vld [tilespmem:s3+$0x16415]  }
0x189: {  	_ =	sdelay $0x3  }
0x18a: {  	[tilespmem:s3+$0x16400] =	vst v1;
	s3 =	simm.s32 $0x0  }
0x18b: {  	v1 =	vld [tilespmem:s3+$0x16816];
	_ =	sdelay $0x3  }
0x18c: {  	s9 =	simm.s32 $0x40  }
.LBB2_63:
0x18d: {  	p3 =	sne.s32 s9, $0xFC0;
	[tilespmem:s3+$0x16800] =	vst v1;
	s3 =	sshra.s32 s9, $0x2;
	s9 =	sadd.s32 $0x40, s9  }
.Ltmp31:
0x18e: {  	v1 =	vld [tilespmem:s3+$0x16816];
	(pc) =	sbr.rel @p3 .LBB2_63-.Ltmp31, $1  }
0x18f: {  	_ =	sdelay $0x3  }
0x190: {  	[tilespmem:s3+$0x16800] =	vst v1;
	s3 =	simm.s32 $0x0  }
0x191: {  	s9 =	simm.s32 $0x40;
	v1 =	vld [tilespmem:s3+$0x16C17]  }
.LBB2_65:
0x192: {  	p3 =	sne.s32 s9, $0xFC0  }
.Ltmp32:
0x193: {  	_ = 	snop;
	(pc) =	sbr.rel @p3 .LBB2_65-.Ltmp32, $3  }
0x194: {  	_ =	sdelay $0x1  }
0x195: {  	[tilespmem:s3+$0x16C00] =	vst v1;
	s3 =	sshra.s32 s9, $0x2;
	s9 =	sadd.s32 $0x40, s9  }
0x196: {  	v1 =	vld [tilespmem:s3+$0x16C17]  }
0x197: {  	_ =	sdelay $0x3  }
0x198: {  	[tilespmem:s3+$0x16C00] =	vst v1;
	s3 =	simm.s32 $0x0  }
0x199: {  	v1 =	vld [tilespmem:s3+$0x17018];
	_ =	sdelay $0x3  }
0x19a: {  	s9 =	simm.s32 $0x40  }
.LBB2_67:
0x19b: {  	p3 =	sne.s32 s9, $0xFC0;
	[tilespmem:s3+$0x17000] =	vst v1;
	s3 =	sshra.s32 s9, $0x2;
	s9 =	sadd.s32 $0x40, s9  }
.Ltmp33:
0x19c: {  	v1 =	vld [tilespmem:s3+$0x17018];
	(pc) =	sbr.rel @p3 .LBB2_67-.Ltmp33, $1  }
0x19d: {  	_ =	sdelay $0x3  }
0x19e: {  	[tilespmem:s3+$0x17000] =	vst v1;
	s3 =	simm.s32 $0x0  }
0x19f: {  	s9 =	simm.s32 $0x40;
	v1 =	vld [tilespmem:s3+$0x17419]  }
.LBB2_69:
0x1a0: {  	p3 =	sne.s32 s9, $0xFC0  }
.Ltmp34:
0x1a1: {  	_ = 	snop;
	(pc) =	sbr.rel @p3 .LBB2_69-.Ltmp34, $3  }
0x1a2: {  	_ =	sdelay $0x1  }
0x1a3: {  	[tilespmem:s3+$0x17400] =	vst v1;
	s3 =	sshra.s32 s9, $0x2;
	s9 =	sadd.s32 $0x40, s9  }
0x1a4: {  	v1 =	vld [tilespmem:s3+$0x17419]  }
0x1a5: {  	_ =	sdelay $0x3  }
0x1a6: {  	[tilespmem:s3+$0x17400] =	vst v1;
	s3 =	simm.s32 $0x0  }
0x1a7: {  	v1 =	vld [tilespmem:s3+$0x1781A];
	_ =	sdelay $0x3  }
0x1a8: {  	s9 =	simm.s32 $0x40  }
.LBB2_71:
0x1a9: {  	p3 =	sne.s32 s9, $0xFC0;
	[tilespmem:s3+$0x17800] =	vst v1;
	s3 =	sshra.s32 s9, $0x2;
	s9 =	sadd.s32 $0x40, s9  }
.Ltmp35:
0x1aa: {  	v1 =	vld [tilespmem:s3+$0x1781A];
	(pc) =	sbr.rel @p3 .LBB2_71-.Ltmp35, $1  }
0x1ab: {  	_ =	sdelay $0x3  }
0x1ac: {  	[tilespmem:s3+$0x17800] =	vst v1;
	s3 =	simm.s32 $0x0  }
0x1ad: {  	s9 =	simm.s32 $0x40;
	v1 =	vld [tilespmem:s3+$0x17C1B]  }
.LBB2_73:
0x1ae: {  	p3 =	sne.s32 s9, $0xFC0  }
.Ltmp36:
0x1af: {  	_ = 	snop;
	(pc) =	sbr.rel @p3 .LBB2_73-.Ltmp36, $3  }
0x1b0: {  	_ =	sdelay $0x1  }
0x1b1: {  	[tilespmem:s3+$0x17C00] =	vst v1;
	s3 =	sshra.s32 s9, $0x2;
	s9 =	sadd.s32 $0x40, s9  }
0x1b2: {  	v1 =	vld [tilespmem:s3+$0x17C1B]  }
0x1b3: {  	_ =	sdelay $0x3  }
0x1b4: {  	[tilespmem:s3+$0x17C00] =	vst v1;
	s3 =	simm.s32 $0x0  }
0x1b5: {  	v1 =	vld [tilespmem:s3+$0x1801C];
	_ =	sdelay $0x3  }
0x1b6: {  	s9 =	simm.s32 $0x40  }
.LBB2_75:
0x1b7: {  	p3 =	sne.s32 s9, $0xFC0;
	[tilespmem:s3+$0x18000] =	vst v1;
	s3 =	sshra.s32 s9, $0x2;
	s9 =	sadd.s32 $0x40, s9  }
.Ltmp37:
0x1b8: {  	v1 =	vld [tilespmem:s3+$0x1801C];
	(pc) =	sbr.rel @p3 .LBB2_75-.Ltmp37, $1  }
0x1b9: {  	_ =	sdelay $0x3  }
0x1ba: {  	[tilespmem:s3+$0x18000] =	vst v1;
	s3 =	simm.s32 $0x0  }
0x1bb: {  	s9 =	simm.s32 $0x40;
	v1 =	vld [tilespmem:s3+$0x1841D]  }
.LBB2_77:
0x1bc: {  	p3 =	sne.s32 s9, $0xFC0  }
.Ltmp38:
0x1bd: {  	_ = 	snop;
	(pc) =	sbr.rel @p3 .LBB2_77-.Ltmp38, $3  }
0x1be: {  	_ =	sdelay $0x1  }
0x1bf: {  	[tilespmem:s3+$0x18400] =	vst v1;
	s3 =	sshra.s32 s9, $0x2;
	s9 =	sadd.s32 $0x40, s9  }
0x1c0: {  	v1 =	vld [tilespmem:s3+$0x1841D]  }
0x1c1: {  	_ =	sdelay $0x3  }
0x1c2: {  	[tilespmem:s3+$0x18400] =	vst v1;
	s3 =	simm.s32 $0x0  }
0x1c3: {  	s9 =	simm.s32 $0x40;
	v1 =	vld [tilespmem:s3+$0x1881E]  }
.LBB2_79:
0x1c4: {  	p3 =	sne.s32 s9, $0xFC0  }
.Ltmp39:
0x1c5: {  	_ = 	snop;
	(pc) =	sbr.rel @p3 .LBB2_79-.Ltmp39, $3  }
0x1c6: {  	_ =	sdelay $0x1  }
0x1c7: {  	[tilespmem:s3+$0x18800] =	vst v1;
	s3 =	sshra.s32 s9, $0x2;
	s9 =	sadd.s32 $0x40, s9  }
0x1c8: {  	v1 =	vld [tilespmem:s3+$0x1881E]  }
0x1c9: {  	_ =	sdelay $0x3  }
0x1ca: {  	[tilespmem:s3+$0x18800] =	vst v1;
	s3 =	simm.s32 $0x0  }
0x1cb: {  	s9 =	simm.s32 $0x40;
	v1 =	vld [tilespmem:s3+$0x18C1F]  }
.LBB2_81:
0x1cc: {  	p3 =	sne.s32 s9, $0xFC0  }
.Ltmp40:
0x1cd: {  	_ = 	snop;
	(pc) =	sbr.rel @p3 .LBB2_81-.Ltmp40, $3  }
0x1ce: {  	_ =	sdelay $0x1  }
0x1cf: {  	[tilespmem:s3+$0x18C00] =	vst v1;
	s3 =	sshra.s32 s9, $0x2;
	s9 =	sadd.s32 $0x40, s9  }
0x1d0: {  	v1 =	vld [tilespmem:s3+$0x18C1F]  }
0x1d1: {  	_ =	sdelay $0x2  }
0x1d2: {  	s30 =	sadd.s32 $0x1, s30  }
0x1d3: {  	p3 =	sne.s32 s30, s17;
	[tilespmem:s3+$0x18C00] =	vst v1  }
0x1d4: {  	[hbm4b:s16+s4] =	stream.linear.scatter [tilespmem:s29], [sflag:$0x2], $0x8000, $0x38;
	[tilespmem:$0x19920] =	vst v63  }
.Ltmp41:
0x1d5: {  	_ = 	snop;
	(pc) =	sbr.rel @p3 .LBB2_1-.Ltmp41, $4  }
.Ltmp42:
0x1d6: {  	_ = 	snop;
	(pc) =	sbr.rel @!p3 .LBB2_83-.Ltmp42, $4  }
0x1d7: {  	_ =	swait.ge [sflag:s26], $0x8000  }
0x1d8: {  	[sflag:s26] =	ssyncset.done $0x0  }
0x1d9: {  	[sflag:s26] =	ssyncadd.s32 $0xFFFF8000  }
0x1da: {  	_ = 	snop  }
.LBB2_16:
.Ltmp43:
0x1db: {  	(pc) =	sbr.rel .LBB2_20-.Ltmp43, $2  }
0x1dc: {  	_ =	sdelay $0x2  }
0x1dd: {  	s19 =	smov.u32 s0;
	s31 =	smov.u32 s20  }
.LBB2_18:
.Ltmp44:
0x1de: {  	(pc) =	sbr.rel .LBB2_20-.Ltmp44, $2  }
0x1df: {  	_ =	sdelay $0x2  }
0x1e0: {  	s19 =	smov.u32 s0  }
.LBB2_83:
0x1e1: {  	_ =	sfence.sel $0x180000  }
0x1e2: {  	[bflag:$0x0] =	sbarrier.arrive $0xFFFF  }
0x1e3: {  	_ =	strace $0x90000047  }
0x1e4: {  	[bflag:$0x2] =	sbarrier.arrive $0xFFFF  }
0x1e5: {  	s0 =	rddreg [dreg:$0x4]  }
0x1e6: {  	s0 =	sadd.s32 @!p0 $0x100000, s0  }
0x1e7: {  	[sflag:s0] =	ssyncadd.tile.s32 @!p0 $0x1;
	_ =	shalt  }
.Lfunc_end2:
_tile_overlayer_lowered:
.L_overlay_start_2:
0x1e8: {  	(tag) =	ssettag $0x2  }
0x1e9: {  	s0 =	rddreg [dreg:$0x0];
	s2 =	stileid.u32  }
0x1ea: {  	s1 =	rddreg [dreg:$0x1];
	p0 =	sne.s32 s2, $0x0  }
0x1eb: {  	s3 =	rddreg [dreg:$0x2];
	[bflag:$0x3] =	sbarrier.arrive $0xFFFF;
	s2 =	simm.s32 @!p0 $0x1C02  }
0x1ec: {  	[timem:s3], [sflag:s2] =	dma.local @!p0 [hbm:s0], s1  }
0x1ed: {  	s0 =	simm.s32 @!p0 $0x2  }
0x1ee: {  	_ =	swait.ge @!p0 [sflag:s0], s1  }
0x1ef: {  	s1 =	ssub.s32 @!p0 $0x0, s1;
	[sflag:s0] =	ssyncset.done @!p0 $0x0  }
0x1f0: {  	[sflag:s0] =	ssyncadd.s32 @!p0 s1  }
0x1f1: {  	[bflag:$0x3] =	sbarrier.arrive $0xFFFF  }
0x1f2: {  	_ =	shalt  }

</sc_bundles>
